<compile_context>
chip_gen: v7x
topology: tpu7x:2x2x1
jax: 0.10.2.dev20260603
libtpu: 0.0.44.dev20260713+nightly
codegen_flags: <defaults>
</compile_context>

<pallas_src>
import jax
import jax.numpy as jnp
from jax import lax
from jax.experimental import pallas as pl
from jax.experimental.pallas import tpu as pltpu
from jax.experimental.pallas import tpu_sc as plsc

_NC = 2
_NS = 16
_NW = _NC * _NS
_L = 16

_BATCH = 16384
_BPW = _BATCH // _NW
_SLOTS = 32
_NCHUNK = _BPW // _SLOTS
_NGRP = _SLOTS // _L

_LN2 = 0.6931471805599453
_SQRT2 = 1.4142135623730951


def _vlog(x):
    bits = lax.bitcast_convert_type(x, jnp.int32)
    e = lax.shift_right_logical(bits, jnp.full((_L,), 23, jnp.int32)) - 127
    m_bits = lax.bitwise_or(
        lax.bitwise_and(bits, jnp.full((_L,), 0x007FFFFF, jnp.int32)),
        jnp.full((_L,), 0x3F800000, jnp.int32),
    )
    m = lax.bitcast_convert_type(m_bits, jnp.float32)
    big = m > _SQRT2
    m = jnp.where(big, m * 0.5, m)
    e = e + jnp.where(big, 1, 0)
    t = (m - 1.0) / (m + 1.0)
    t2 = t * t
    poly = 2.0 * t * (1.0 + t2 * (1.0 / 3.0 + t2 * (0.2 + t2 * (1.0 / 7.0 + t2 / 9.0))))
    return e.astype(jnp.float32) * _LN2 + poly


def _sc_body(s_hbm, a_hbm, p_hbm, ub_hbm, wt_hbm, out_hbm,
             s_v, a_v, p_v, land_v, scal_v, acc_v, red_v, part_hbm, sem0, sem1):
    cid = lax.axis_index("c")
    sid = lax.axis_index("s")
    wid = sid * _NC + cid
    base = wid * _BPW

    pltpu.sync_copy(s_hbm.at[pl.ds(base, _BPW)], s_v)
    pltpu.sync_copy(a_hbm.at[pl.ds(base, _BPW)], a_v)
    pltpu.sync_copy(p_hbm.at[pl.ds(base, _BPW)], p_v)
    pltpu.sync_copy(ub_hbm, scal_v)

    ub = scal_v[pl.ds(0, _L)]
    dl = scal_v[pl.ds(_L, _L)]

    sems = (sem0, sem1)
    drains = tuple(
        pltpu.make_async_copy(wt_hbm.at[pl.ds(0, 8), pl.ds(0, 128)],
                              land_v.at[par, 0], sems[par])
        for par in range(2))

    def issue(c, par):
        def grp(i, _):
            sv = s_v[pl.ds(c * _SLOTS + i * _L, _L)]
            av = a_v[pl.ds(c * _SLOTS + i * _L, _L)]
            for k in range(_L):
                sj = sv[k]
                aj = av[k]
                ab = pl.multiple_of(lax.shift_left(
                    lax.shift_right_logical(aj, 3), 3), 8)
                sb = pl.multiple_of(lax.shift_left(
                    lax.shift_right_logical(sj, 7), 7), 128)
                pltpu.make_async_copy(
                    wt_hbm.at[pl.ds(ab, 8), pl.ds(sb, 128)],
                    land_v.at[par, i * _L + k], sems[par]).start()
            return ()
        lax.fori_loop(0, _NGRP, grp, ())

    def drain(par):
        def dr(i, _):
            drains[par].wait()
            return ()
        lax.fori_loop(0, _SLOTS, dr, ())

    def pick(c, par, acc):
        lane = lax.iota(jnp.int32, _L)
        parv = jnp.full((_L,), par, jnp.int32)
        def grp(i, acc):
            sv = s_v[pl.ds(c * _SLOTS + i * _L, _L)]
            av = a_v[pl.ds(c * _SLOTS + i * _L, _L)]
            slot = lane + i * _L
            row = lax.bitwise_and(av, jnp.full((_L,), 7, jnp.int32))
            col = lax.bitwise_and(sv, jnp.full((_L,), 127, jnp.int32))
            packed = plsc.load_gather(land_v, [parv, slot, row, col])
            pv = p_v[pl.ds(c * _SLOTS + i * _L, _L)]
            return acc + pv * _vlog(ub - dl * packed)
        return lax.fori_loop(0, _NGRP, grp, acc)

    issue(0, 0)

    def round_body(r, acc):
        issue(2 * r + 1, 1)
        drain(0)
        acc = pick(2 * r, 0, acc)

        @pl.when(r < _NCHUNK // 2 - 1)
        def _():
            issue(2 * r + 2, 0)
        drain(1)
        return pick(2 * r + 1, 1, acc)

    acc = lax.fori_loop(0, _NCHUNK // 2, round_body,
                        jnp.zeros((_L,), jnp.float32))
    acc_v[...] = acc

    pltpu.sync_copy(acc_v, part_hbm.at[cid, sid])
    plsc.subcore_barrier()

    @pl.when(sid == 0)
    def _():
        pltpu.sync_copy(part_hbm.at[cid], red_v)
        tot = jnp.zeros((_L,), jnp.float32)
        for w in range(_NS):
            tot = tot + red_v[w, pl.ds(0, _L)]
        total = tot[0]
        for l in range(1, _L):
            total = total + tot[l]
        acc_v[...] = jnp.full((_L,), -total, jnp.float32)
        pltpu.sync_copy(acc_v, out_hbm.at[cid])


@jax.jit
def _run(s, a, p, scal, wt):
    mesh = plsc.VectorSubcoreMesh(core_axis_name="c", subcore_axis_name="s")
    return pl.kernel(
        _sc_body,
        out_type=jax.ShapeDtypeStruct((_NC, _L), jnp.float32),
        mesh=mesh,
        compiler_params=pltpu.CompilerParams(needs_layout_passes=False),
        scratch_types=[
            pltpu.VMEM((_BPW,), jnp.int32),
            pltpu.VMEM((_BPW,), jnp.int32),
            pltpu.VMEM((_BPW,), jnp.float32),
            pltpu.VMEM((2, _SLOTS, 8, 128), jnp.float32),
            pltpu.VMEM((2 * _L,), jnp.float32),
            pltpu.VMEM((_L,), jnp.float32),
            pltpu.VMEM((_NS, _L), jnp.float32),
            pltpu.HBM((_NC, _NS, _L), jnp.float32),
            pltpu.SemaphoreType.DMA,
            pltpu.SemaphoreType.DMA,
        ],
    )(s, a, p, scal, wt)


def kernel(s, a, p, upper_bound, delta, weights):
    scal = jnp.concatenate([
        jnp.full((_L,), upper_bound, jnp.float32),
        jnp.full((_L,), delta, jnp.float32),
    ])
    out = _run(s, a, p, scal, weights.T)
    return out[0, 0] + out[1, 0]

# --- scband reference (transcript-rebuilt; emitter-appended) ---
"""Pipeline reference for scband-kinf-block-23029614641619 (READ-ONLY COPY).

The authoritative reference and input builder live on the scoring server;
editing this copy changes nothing except your own understanding.
"""

import jax, jax.numpy as jnp
import numpy as np

NBR_STATES = 1000000
NBR_ACTIONS = 64
BATCH = 16384

def setup_inputs(seed: int = 0) -> dict:
    key = jax.random.key(seed)
    k1, k2, k3, k4 = jax.random.split(key, 4)
    s = jax.random.randint(k1, (BATCH,), 0, NBR_STATES, dtype=jnp.int32)
    a = jax.random.randint(k2, (BATCH,), 0, NBR_ACTIONS, dtype=jnp.int32)
    p = jax.random.uniform(k3, (BATCH,), dtype=jnp.float32)
    p = p / jnp.sum(p)
    # learned parameter (torch init is zeros; use small random values so the
    # computation is non-degenerate while keeping log() argument positive)
    weights = jax.random.normal(k4, (NBR_STATES, NBR_ACTIONS), dtype=jnp.float32) * 0.01
    upper_bound = jnp.float32(2.0)
    delta = jnp.float32(0.1)
    return {"s": s, "a": a, "p": p, "upper_bound": upper_bound, "delta": delta, "weights": weights}

def reference(s, a, p, upper_bound, delta, weights):
    # weights[s, a] -> per-sample scalar gather from the [nbr_states, nbr_actions] table
    gathered = weights[s, a]
    return -jnp.sum(p * jnp.log(upper_bound - delta * gathered))

if __name__ == "__main__":
    import jax
    _d = setup_inputs()
    print(jax.jit(kernel)(*tuple(_d.values())))

</pallas_src>

<mosaic_0001>
#map = affine_map<(d0, d1) -> (0)>
#map1 = affine_map<(d0, d1) -> (0, 0)>
module attributes {stable_mosaic.version = 14 : i64} {
  func.func @_sc_body(%arg0: i32, %arg1: i32, %arg2: memref<16384xi32, #tpu.memory_space<hbm>>, %arg3: memref<16384xi32, #tpu.memory_space<hbm>>, %arg4: memref<16384xf32, #tpu.memory_space<hbm>>, %arg5: memref<32xf32, #tpu.memory_space<hbm>>, %arg6: memref<64x1000000xf32, #tpu.memory_space<hbm>>, %arg7: memref<2x16xf32, #tpu.memory_space<hbm>>, %arg8: memref<512xi32, #tpu.memory_space<vmem>>, %arg9: memref<512xi32, #tpu.memory_space<vmem>>, %arg10: memref<512xf32, #tpu.memory_space<vmem>>, %arg11: memref<2x32x8x128xf32, #tpu.memory_space<vmem>>, %arg12: memref<32xf32, #tpu.memory_space<vmem>>, %arg13: memref<16xf32, #tpu.memory_space<vmem>>, %arg14: memref<16x16xf32, #tpu.memory_space<vmem>>, %arg15: memref<2x16x16xf32, #tpu.memory_space<hbm>>, %arg16: memref<!tpu.dma_semaphore, #tpu.memory_space<semaphore_mem>>, %arg17: memref<!tpu.dma_semaphore, #tpu.memory_space<semaphore_mem>>) attributes {dimension_semantics = [#tpu.dimension_semantics<core_parallel>, #tpu.dimension_semantics<subcore_parallel>], iteration_bounds = array<i64: 2, 16>, scalar_prefetch = 0 : i64, scratch_operands = 10 : i64, tpu.core_type = #tpu.core_type<sc_vector_subcore>, window_params = [{transform_indices = #map}, {transform_indices = #map}, {transform_indices = #map}, {transform_indices = #map}, {transform_indices = #map1}, {transform_indices = #map1}]} {
    %mul3A = arith.constant 2 : i32
    %mul3A_0 = arith.muli %arg1, %mul3A : i32
    %add3A = arith.addi %mul3A_0, %arg0 : i32
    %mul3A_1 = arith.constant 512 : i32
    %mul3A_2 = arith.muli %add3A, %mul3A_1 : i32
    "tpu.region"() ({
      %run_scoped3A = tpu.sem_alloc : memref<!tpu.dma_semaphore, #tpu.memory_space<semaphore_mem>>
      %dma_start3A = tpu.memref_slice %arg2[%mul3A_2] : memref<16384xi32, #tpu.memory_space<hbm>> -> memref<512xi32, #tpu.memory_space<hbm>>
      %dma_start3A_24 = tpu.memref_slice %arg2[%mul3A_2] : memref<16384xi32, #tpu.memory_space<hbm>> -> memref<512xi32, #tpu.memory_space<hbm>>
      tpu.enqueue_dma source(%dma_start3A_24 : memref<512xi32, #tpu.memory_space<hbm>>) target(%arg8 : memref<512xi32, #tpu.memory_space<vmem>>) target_semaphore(%run_scoped3A : memref<!tpu.dma_semaphore, #tpu.memory_space<semaphore_mem>>)
      %dma_wait3A = tpu.memref_slice %arg2[%mul3A_2] : memref<16384xi32, #tpu.memory_space<hbm>> -> memref<512xi32, #tpu.memory_space<hbm>>
      %dma_wait3A_25 = tpu.memref_slice %arg2[%mul3A_2] : memref<16384xi32, #tpu.memory_space<hbm>> -> memref<512xi32, #tpu.memory_space<hbm>>
      tpu.wait_dma2 semaphore(%run_scoped3A : memref<!tpu.dma_semaphore, #tpu.memory_space<semaphore_mem>>) src(%dma_wait3A_25 : memref<512xi32, #tpu.memory_space<hbm>>) dst(%arg8 : memref<512xi32, #tpu.memory_space<vmem>>)
      tpu.yield
    }) : () -> ()
    "tpu.region"() ({
      %run_scoped3A = tpu.sem_alloc : memref<!tpu.dma_semaphore, #tpu.memory_space<semaphore_mem>>
      %dma_start3A = tpu.memref_slice %arg3[%mul3A_2] : memref<16384xi32, #tpu.memory_space<hbm>> -> memref<512xi32, #tpu.memory_space<hbm>>
      %dma_start3A_24 = tpu.memref_slice %arg3[%mul3A_2] : memref<16384xi32, #tpu.memory_space<hbm>> -> memref<512xi32, #tpu.memory_space<hbm>>
      tpu.enqueue_dma source(%dma_start3A_24 : memref<512xi32, #tpu.memory_space<hbm>>) target(%arg9 : memref<512xi32, #tpu.memory_space<vmem>>) target_semaphore(%run_scoped3A : memref<!tpu.dma_semaphore, #tpu.memory_space<semaphore_mem>>)
      %dma_wait3A = tpu.memref_slice %arg3[%mul3A_2] : memref<16384xi32, #tpu.memory_space<hbm>> -> memref<512xi32, #tpu.memory_space<hbm>>
      %dma_wait3A_25 = tpu.memref_slice %arg3[%mul3A_2] : memref<16384xi32, #tpu.memory_space<hbm>> -> memref<512xi32, #tpu.memory_space<hbm>>
      tpu.wait_dma2 semaphore(%run_scoped3A : memref<!tpu.dma_semaphore, #tpu.memory_space<semaphore_mem>>) src(%dma_wait3A_25 : memref<512xi32, #tpu.memory_space<hbm>>) dst(%arg9 : memref<512xi32, #tpu.memory_space<vmem>>)
      tpu.yield
    }) : () -> ()
    "tpu.region"() ({
      %run_scoped3A = tpu.sem_alloc : memref<!tpu.dma_semaphore, #tpu.memory_space<semaphore_mem>>
      %dma_start3A = tpu.memref_slice %arg4[%mul3A_2] : memref<16384xf32, #tpu.memory_space<hbm>> -> memref<512xf32, #tpu.memory_space<hbm>>
      %dma_start3A_24 = tpu.memref_slice %arg4[%mul3A_2] : memref<16384xf32, #tpu.memory_space<hbm>> -> memref<512xf32, #tpu.memory_space<hbm>>
      tpu.enqueue_dma source(%dma_start3A_24 : memref<512xf32, #tpu.memory_space<hbm>>) target(%arg10 : memref<512xf32, #tpu.memory_space<vmem>>) target_semaphore(%run_scoped3A : memref<!tpu.dma_semaphore, #tpu.memory_space<semaphore_mem>>)
      %dma_wait3A = tpu.memref_slice %arg4[%mul3A_2] : memref<16384xf32, #tpu.memory_space<hbm>> -> memref<512xf32, #tpu.memory_space<hbm>>
      %dma_wait3A_25 = tpu.memref_slice %arg4[%mul3A_2] : memref<16384xf32, #tpu.memory_space<hbm>> -> memref<512xf32, #tpu.memory_space<hbm>>
      tpu.wait_dma2 semaphore(%run_scoped3A : memref<!tpu.dma_semaphore, #tpu.memory_space<semaphore_mem>>) src(%dma_wait3A_25 : memref<512xf32, #tpu.memory_space<hbm>>) dst(%arg10 : memref<512xf32, #tpu.memory_space<vmem>>)
      tpu.yield
    }) : () -> ()
    "tpu.region"() ({
      %run_scoped3A = tpu.sem_alloc : memref<!tpu.dma_semaphore, #tpu.memory_space<semaphore_mem>>
      tpu.enqueue_dma source(%arg5 : memref<32xf32, #tpu.memory_space<hbm>>) target(%arg12 : memref<32xf32, #tpu.memory_space<vmem>>) target_semaphore(%run_scoped3A : memref<!tpu.dma_semaphore, #tpu.memory_space<semaphore_mem>>)
      tpu.wait_dma2 semaphore(%run_scoped3A : memref<!tpu.dma_semaphore, #tpu.memory_space<semaphore_mem>>) src(%arg5 : memref<32xf32, #tpu.memory_space<hbm>>) dst(%arg12 : memref<32xf32, #tpu.memory_space<vmem>>)
      tpu.yield
    }) : () -> ()
    %get3A = arith.constant 0 : index
    %get3A_3 = tpu.vector_load %arg12[%get3A] {strides = array<i32>} : memref<32xf32, #tpu.memory_space<vmem>>, vector<16xf32>,
    %get3A_4 = arith.constant 16 : index
    %get3A_5 = tpu.vector_load %arg12[%get3A_4] {strides = array<i32>} : memref<32xf32, #tpu.memory_space<vmem>>, vector<16xf32>,
    %scan3A = arith.constant 0 : i32
    %scan3A_6 = arith.constant 2 : i32
    %scan3A_7 = arith.addi %scan3A, %scan3A_6 : i32
    %scan3A_8 = arith.constant 1 : i32
    scf.for %scan3A_24 = %scan3A to %scan3A_7 step %scan3A_8  : i32 {
      %mul3A_25 = arith.constant 16 : i32
      %mul3A_26 = arith.muli %scan3A_24, %mul3A_25 : i32
      %add3A_27 = arith.constant 0 : i32
      %add3A_28 = arith.addi %add3A_27, %mul3A_26 : i32
      %get3A_29 = arith.index_cast %add3A_28 : i32 to index
      %get3A_30 = tpu.vector_load %arg8[%get3A_29] {strides = array<i32>} : memref<512xi32, #tpu.memory_space<vmem>>, vector<16xi32>,
      %mul3A_31 = arith.constant 16 : i32
      %mul3A_32 = arith.muli %scan3A_24, %mul3A_31 : i32
      %add3A_33 = arith.constant 0 : i32
      %add3A_34 = arith.addi %add3A_33, %mul3A_32 : i32
      %get3A_35 = arith.index_cast %add3A_34 : i32 to index
      %get3A_36 = tpu.vector_load %arg9[%get3A_35] {strides = array<i32>} : memref<512xi32, #tpu.memory_space<vmem>>, vector<16xi32>,
      %slice3A = vector.extract_strided_slice %get3A_30 {offsets = [0], sizes = [1], strides = [1]} : vector<16xi32> to vector<1xi32>
      %squeeze3A = vector.extract %slice3A[0] : i32 from vector<1xi32>
      %slice3A_37 = vector.extract_strided_slice %get3A_36 {offsets = [0], sizes = [1], strides = [1]} : vector<16xi32> to vector<1xi32>
      %squeeze3A_38 = vector.extract %slice3A_37[0] : i32 from vector<1xi32>
      %shift_right_logical3A = arith.constant 3 : i32
      %shift_right_logical3A_39 = arith.shrui %squeeze3A_38, %shift_right_logical3A : i32
      %shift_left3A = arith.constant 3 : i32
      %shift_left3A_40 = arith.shli %shift_right_logical3A_39, %shift_left3A : i32
      %multiple_of3A = tpu.assume_multiple %shift_left3A_40, 8 : i32
      %shift_right_logical3A_41 = arith.constant 7 : i32
      %shift_right_logical3A_42 = arith.shrui %squeeze3A, %shift_right_logical3A_41 : i32
      %shift_left3A_43 = arith.constant 7 : i32
      %shift_left3A_44 = arith.shli %shift_right_logical3A_42, %shift_left3A_43 : i32
      %multiple_of3A_45 = tpu.assume_multiple %shift_left3A_44, 128 : i32
      %mul3A_46 = arith.constant 16 : i32
      %mul3A_47 = arith.muli %scan3A_24, %mul3A_46 : i32
      %add3A_48 = arith.constant 0 : i32
      %add3A_49 = arith.addi %mul3A_47, %add3A_48 : i32
      %dma_start3A = arith.constant 0 : i32
      %dma_start3A_50 = arith.constant 0 : i32
      %dma_start3A_51 = arith.constant 0 : i32
      %dma_start3A_52 = tpu.memref_slice %arg11[%dma_start3A, %add3A_49, %dma_start3A_50, %dma_start3A_51] : memref<2x32x8x128xf32, #tpu.memory_space<vmem>> -> memref<1x1x8x128xf32, #tpu.memory_space<vmem>>
      %dma_start3A_53 = tpu.memref_squeeze %dma_start3A_52 : memref<1x1x8x128xf32, #tpu.memory_space<vmem>> -> memref<8x128xf32, #tpu.memory_space<vmem>>
      %dma_start3A_54 = tpu.memref_slice %arg6[%multiple_of3A, %multiple_of3A_45] : memref<64x1000000xf32, #tpu.memory_space<hbm>> -> memref<8x128xf32, #tpu.memory_space<hbm>>
      %dma_start3A_55 = arith.constant 0 : i32
      %dma_start3A_56 = arith.constant 0 : i32
      %dma_start3A_57 = tpu.memref_slice %arg11[%dma_start3A, %add3A_49, %dma_start3A_55, %dma_start3A_56] : memref<2x32x8x128xf32, #tpu.memory_space<vmem>> -> memref<1x1x8x128xf32, #tpu.memory_space<vmem>>
      %dma_start3A_58 = tpu.memref_squeeze %dma_start3A_57 : memref<1x1x8x128xf32, #tpu.memory_space<vmem>> -> memref<8x128xf32, #tpu.memory_space<vmem>>
      %dma_start3A_59 = tpu.memref_slice %arg6[%multiple_of3A, %multiple_of3A_45] : memref<64x1000000xf32, #tpu.memory_space<hbm>> -> memref<8x128xf32, #tpu.memory_space<hbm>>
      tpu.enqueue_dma source(%dma_start3A_59 : memref<8x128xf32, #tpu.memory_space<hbm>>) target(%dma_start3A_58 : memref<8x128xf32, #tpu.memory_space<vmem>>) target_semaphore(%arg16 : memref<!tpu.dma_semaphore, #tpu.memory_space<semaphore_mem>>)
      %slice3A_60 = vector.extract_strided_slice %get3A_30 {offsets = [1], sizes = [1], strides = [1]} : vector<16xi32> to vector<1xi32>
      %squeeze3A_61 = vector.extract %slice3A_60[0] : i32 from vector<1xi32>
      %slice3A_62 = vector.extract_strided_slice %get3A_36 {offsets = [1], sizes = [1], strides = [1]} : vector<16xi32> to vector<1xi32>
      %squeeze3A_63 = vector.extract %slice3A_62[0] : i32 from vector<1xi32>
      %shift_right_logical3A_64 = arith.constant 3 : i32
      %shift_right_logical3A_65 = arith.shrui %squeeze3A_63, %shift_right_logical3A_64 : i32
      %shift_left3A_66 = arith.constant 3 : i32
      %shift_left3A_67 = arith.shli %shift_right_logical3A_65, %shift_left3A_66 : i32
      %multiple_of3A_68 = tpu.assume_multiple %shift_left3A_67, 8 : i32
      %shift_right_logical3A_69 = arith.constant 7 : i32
      %shift_right_logical3A_70 = arith.shrui %squeeze3A_61, %shift_right_logical3A_69 : i32
      %shift_left3A_71 = arith.constant 7 : i32
      %shift_left3A_72 = arith.shli %shift_right_logical3A_70, %shift_left3A_71 : i32
      %multiple_of3A_73 = tpu.assume_multiple %shift_left3A_72, 128 : i32
      %mul3A_74 = arith.constant 16 : i32
      %mul3A_75 = arith.muli %scan3A_24, %mul3A_74 : i32
      %add3A_76 = arith.constant 1 : i32
      %add3A_77 = arith.addi %mul3A_75, %add3A_76 : i32
      %dma_start3A_78 = arith.constant 0 : i32
      %dma_start3A_79 = arith.constant 0 : i32
      %dma_start3A_80 = arith.constant 0 : i32
      %dma_start3A_81 = tpu.memref_slice %arg11[%dma_start3A_78, %add3A_77, %dma_start3A_79, %dma_start3A_80] : memref<2x32x8x128xf32, #tpu.memory_space<vmem>> -> memref<1x1x8x128xf32, #tpu.memory_space<vmem>>
      %dma_start3A_82 = tpu.memref_squeeze %dma_start3A_81 : memref<1x1x8x128xf32, #tpu.memory_space<vmem>> -> memref<8x128xf32, #tpu.memory_space<vmem>>
      %dma_start3A_83 = tpu.memref_slice %arg6[%multiple_of3A_68, %multiple_of3A_73] : memref<64x1000000xf32, #tpu.memory_space<hbm>> -> memref<8x128xf32, #tpu.memory_space<hbm>>
      %dma_start3A_84 = arith.constant 0 : i32
      %dma_start3A_85 = arith.constant 0 : i32
      %dma_start3A_86 = tpu.memref_slice %arg11[%dma_start3A_78, %add3A_77, %dma_start3A_84, %dma_start3A_85] : memref<2x32x8x128xf32, #tpu.memory_space<vmem>> -> memref<1x1x8x128xf32, #tpu.memory_space<vmem>>
      %dma_start3A_87 = tpu.memref_squeeze %dma_start3A_86 : memref<1x1x8x128xf32, #tpu.memory_space<vmem>> -> memref<8x128xf32, #tpu.memory_space<vmem>>
      %dma_start3A_88 = tpu.memref_slice %arg6[%multiple_of3A_68, %multiple_of3A_73] : memref<64x1000000xf32, #tpu.memory_space<hbm>> -> memref<8x128xf32, #tpu.memory_space<hbm>>
      tpu.enqueue_dma source(%dma_start3A_88 : memref<8x128xf32, #tpu.memory_space<hbm>>) target(%dma_start3A_87 : memref<8x128xf32, #tpu.memory_space<vmem>>) target_semaphore(%arg16 : memref<!tpu.dma_semaphore, #tpu.memory_space<semaphore_mem>>)
      %slice3A_89 = vector.extract_strided_slice %get3A_30 {offsets = [2], sizes = [1], strides = [1]} : vector<16xi32> to vector<1xi32>
      %squeeze3A_90 = vector.extract %slice3A_89[0] : i32 from vector<1xi32>
      %slice3A_91 = vector.extract_strided_slice %get3A_36 {offsets = [2], sizes = [1], strides = [1]} : vector<16xi32> to vector<1xi32>
      %squeeze3A_92 = vector.extract %slice3A_91[0] : i32 from vector<1xi32>
      %shift_right_logical3A_93 = arith.constant 3 : i32
      %shift_right_logical3A_94 = arith.shrui %squeeze3A_92, %shift_right_logical3A_93 : i32
      %shift_left3A_95 = arith.constant 3 : i32
      %shift_left3A_96 = arith.shli %shift_right_logical3A_94, %shift_left3A_95 : i32
      %multiple_of3A_97 = tpu.assume_multiple %shift_left3A_96, 8 : i32
      %shift_right_logical3A_98 = arith.constant 7 : i32
      %shift_right_logical3A_99 = arith.shrui %squeeze3A_90, %shift_right_logical3A_98 : i32
      %shift_left3A_100 = arith.constant 7 : i32
      %shift_left3A_101 = arith.shli %shift_right_logical3A_99, %shift_left3A_100 : i32
      %multiple_of3A_102 = tpu.assume_multiple %shift_left3A_101, 128 : i32
      %mul3A_103 = arith.constant 16 : i32
      %mul3A_104 = arith.muli %scan3A_24, %mul3A_103 : i32
      %add3A_105 = arith.constant 2 : i32
      %add3A_106 = arith.addi %mul3A_104, %add3A_105 : i32
      %dma_start3A_107 = arith.constant 0 : i32
      %dma_start3A_108 = arith.constant 0 : i32
      %dma_start3A_109 = arith.constant 0 : i32
      %dma_start3A_110 = tpu.memref_slice %arg11[%dma_start3A_107, %add3A_106, %dma_start3A_108, %dma_start3A_109] : memref<2x32x8x128xf32, #tpu.memory_space<vmem>> -> memref<1x1x8x128xf32, #tpu.memory_space<vmem>>
      %dma_start3A_111 = tpu.memref_squeeze %dma_start3A_110 : memref<1x1x8x128xf32, #tpu.memory_space<vmem>> -> memref<8x128xf32, #tpu.memory_space<vmem>>
      %dma_start3A_112 = tpu.memref_slice %arg6[%multiple_of3A_97, %multiple_of3A_102] : memref<64x1000000xf32, #tpu.memory_space<hbm>> -> memref<8x128xf32, #tpu.memory_space<hbm>>
      %dma_start3A_113 = arith.constant 0 : i32
      %dma_start3A_114 = arith.constant 0 : i32
      %dma_start3A_115 = tpu.memref_slice %arg11[%dma_start3A_107, %add3A_106, %dma_start3A_113, %dma_start3A_114] : memref<2x32x8x128xf32, #tpu.memory_space<vmem>> -> memref<1x1x8x128xf32, #tpu.memory_space<vmem>>
      %dma_start3A_116 = tpu.memref_squeeze %dma_start3A_115 : memref<1x1x8x128xf32, #tpu.memory_space<vmem>> -> memref<8x128xf32, #tpu.memory_space<vmem>>
      %dma_start3A_117 = tpu.memref_slice %arg6[%multiple_of3A_97, %multiple_of3A_102] : memref<64x1000000xf32, #tpu.memory_space<hbm>> -> memref<8x128xf32, #tpu.memory_space<hbm>>
      tpu.enqueue_dma source(%dma_start3A_117 : memref<8x128xf32, #tpu.memory_space<hbm>>) target(%dma_start3A_116 : memref<8x128xf32, #tpu.memory_space<vmem>>) target_semaphore(%arg16 : memref<!tpu.dma_semaphore, #tpu.memory_space<semaphore_mem>>)
      %slice3A_118 = vector.extract_strided_slice %get3A_30 {offsets = [3], sizes = [1], strides = [1]} : vector<16xi32> to vector<1xi32>
      %squeeze3A_119 = vector.extract %slice3A_118[0] : i32 from vector<1xi32>
      %slice3A_120 = vector.extract_strided_slice %get3A_36 {offsets = [3], sizes = [1], strides = [1]} : vector<16xi32> to vector<1xi32>
      %squeeze3A_121 = vector.extract %slice3A_120[0] : i32 from vector<1xi32>
      %shift_right_logical3A_122 = arith.constant 3 : i32
      %shift_right_logical3A_123 = arith.shrui %squeeze3A_121, %shift_right_logical3A_122 : i32
      %shift_left3A_124 = arith.constant 3 : i32
      %shift_left3A_125 = arith.shli %shift_right_logical3A_123, %shift_left3A_124 : i32
      %multiple_of3A_126 = tpu.assume_multiple %shift_left3A_125, 8 : i32
      %shift_right_logical3A_127 = arith.constant 7 : i32
      %shift_right_logical3A_128 = arith.shrui %squeeze3A_119, %shift_right_logical3A_127 : i32
      %shift_left3A_129 = arith.constant 7 : i32
      %shift_left3A_130 = arith.shli %shift_right_logical3A_128, %shift_left3A_129 : i32
      %multiple_of3A_131 = tpu.assume_multiple %shift_left3A_130, 128 : i32
      %mul3A_132 = arith.constant 16 : i32
      %mul3A_133 = arith.muli %scan3A_24, %mul3A_132 : i32
      %add3A_134 = arith.constant 3 : i32
      %add3A_135 = arith.addi %mul3A_133, %add3A_134 : i32
      %dma_start3A_136 = arith.constant 0 : i32
      %dma_start3A_137 = arith.constant 0 : i32
      %dma_start3A_138 = arith.constant 0 : i32
      %dma_start3A_139 = tpu.memref_slice %arg11[%dma_start3A_136, %add3A_135, %dma_start3A_137, %dma_start3A_138] : memref<2x32x8x128xf32, #tpu.memory_space<vmem>> -> memref<1x1x8x128xf32, #tpu.memory_space<vmem>>
      %dma_start3A_140 = tpu.memref_squeeze %dma_start3A_139 : memref<1x1x8x128xf32, #tpu.memory_space<vmem>> -> memref<8x128xf32, #tpu.memory_space<vmem>>
      %dma_start3A_141 = tpu.memref_slice %arg6[%multiple_of3A_126, %multiple_of3A_131] : memref<64x1000000xf32, #tpu.memory_space<hbm>> -> memref<8x128xf32, #tpu.memory_space<hbm>>
      %dma_start3A_142 = arith.constant 0 : i32
      %dma_start3A_143 = arith.constant 0 : i32
      %dma_start3A_144 = tpu.memref_slice %arg11[%dma_start3A_136, %add3A_135, %dma_start3A_142, %dma_start3A_143] : memref<2x32x8x128xf32, #tpu.memory_space<vmem>> -> memref<1x1x8x128xf32, #tpu.memory_space<vmem>>
      %dma_start3A_145 = tpu.memref_squeeze %dma_start3A_144 : memref<1x1x8x128xf32, #tpu.memory_space<vmem>> -> memref<8x128xf32, #tpu.memory_space<vmem>>
      %dma_start3A_146 = tpu.memref_slice %arg6[%multiple_of3A_126, %multiple_of3A_131] : memref<64x1000000xf32, #tpu.memory_space<hbm>> -> memref<8x128xf32, #tpu.memory_space<hbm>>
      tpu.enqueue_dma source(%dma_start3A_146 : memref<8x128xf32, #tpu.memory_space<hbm>>) target(%dma_start3A_145 : memref<8x128xf32, #tpu.memory_space<vmem>>) target_semaphore(%arg16 : memref<!tpu.dma_semaphore, #tpu.memory_space<semaphore_mem>>)
      %slice3A_147 = vector.extract_strided_slice %get3A_30 {offsets = [4], sizes = [1], strides = [1]} : vector<16xi32> to vector<1xi32>
      %squeeze3A_148 = vector.extract %slice3A_147[0] : i32 from vector<1xi32>
      %slice3A_149 = vector.extract_strided_slice %get3A_36 {offsets = [4], sizes = [1], strides = [1]} : vector<16xi32> to vector<1xi32>
      %squeeze3A_150 = vector.extract %slice3A_149[0] : i32 from vector<1xi32>
      %shift_right_logical3A_151 = arith.constant 3 : i32
      %shift_right_logical3A_152 = arith.shrui %squeeze3A_150, %shift_right_logical3A_151 : i32
      %shift_left3A_153 = arith.constant 3 : i32
      %shift_left3A_154 = arith.shli %shift_right_logical3A_152, %shift_left3A_153 : i32
      %multiple_of3A_155 = tpu.assume_multiple %shift_left3A_154, 8 : i32
      %shift_right_logical3A_156 = arith.constant 7 : i32
      %shift_right_logical3A_157 = arith.shrui %squeeze3A_148, %shift_right_logical3A_156 : i32
      %shift_left3A_158 = arith.constant 7 : i32
      %shift_left3A_159 = arith.shli %shift_right_logical3A_157, %shift_left3A_158 : i32
      %multiple_of3A_160 = tpu.assume_multiple %shift_left3A_159, 128 : i32
      %mul3A_161 = arith.constant 16 : i32
      %mul3A_162 = arith.muli %scan3A_24, %mul3A_161 : i32
      %add3A_163 = arith.constant 4 : i32
      %add3A_164 = arith.addi %mul3A_162, %add3A_163 : i32
      %dma_start3A_165 = arith.constant 0 : i32
      %dma_start3A_166 = arith.constant 0 : i32
      %dma_start3A_167 = arith.constant 0 : i32
      %dma_start3A_168 = tpu.memref_slice %arg11[%dma_start3A_165, %add3A_164, %dma_start3A_166, %dma_start3A_167] : memref<2x32x8x128xf32, #tpu.memory_space<vmem>> -> memref<1x1x8x128xf32, #tpu.memory_space<vmem>>
      %dma_start3A_169 = tpu.memref_squeeze %dma_start3A_168 : memref<1x1x8x128xf32, #tpu.memory_space<vmem>> -> memref<8x128xf32, #tpu.memory_space<vmem>>
      %dma_start3A_170 = tpu.memref_slice %arg6[%multiple_of3A_155, %multiple_of3A_160] : memref<64x1000000xf32, #tpu.memory_space<hbm>> -> memref<8x128xf32, #tpu.memory_space<hbm>>
      %dma_start3A_171 = arith.constant 0 : i32
      %dma_start3A_172 = arith.constant 0 : i32
      %dma_start3A_173 = tpu.memref_slice %arg11[%dma_start3A_165, %add3A_164, %dma_start3A_171, %dma_start3A_172] : memref<2x32x8x128xf32, #tpu.memory_space<vmem>> -> memref<1x1x8x128xf32, #tpu.memory_space<vmem>>
      %dma_start3A_174 = tpu.memref_squeeze %dma_start3A_173 : memref<1x1x8x128xf32, #tpu.memory_space<vmem>> -> memref<8x128xf32, #tpu.memory_space<vmem>>
      %dma_start3A_175 = tpu.memref_slice %arg6[%multiple_of3A_155, %multiple_of3A_160] : memref<64x1000000xf32, #tpu.memory_space<hbm>> -> memref<8x128xf32, #tpu.memory_space<hbm>>
      tpu.enqueue_dma source(%dma_start3A_175 : memref<8x128xf32, #tpu.memory_space<hbm>>) target(%dma_start3A_174 : memref<8x128xf32, #tpu.memory_space<vmem>>) target_semaphore(%arg16 : memref<!tpu.dma_semaphore, #tpu.memory_space<semaphore_mem>>)
      %slice3A_176 = vector.extract_strided_slice %get3A_30 {offsets = [5], sizes = [1], strides = [1]} : vector<16xi32> to vector<1xi32>
      %squeeze3A_177 = vector.extract %slice3A_176[0] : i32 from vector<1xi32>
      %slice3A_178 = vector.extract_strided_slice %get3A_36 {offsets = [5], sizes = [1], strides = [1]} : vector<16xi32> to vector<1xi32>
      %squeeze3A_179 = vector.extract %slice3A_178[0] : i32 from vector<1xi32>
      %shift_right_logical3A_180 = arith.constant 3 : i32
      %shift_right_logical3A_181 = arith.shrui %squeeze3A_179, %shift_right_logical3A_180 : i32
      %shift_left3A_182 = arith.constant 3 : i32
      %shift_left3A_183 = arith.shli %shift_right_logical3A_181, %shift_left3A_182 : i32
      %multiple_of3A_184 = tpu.assume_multiple %shift_left3A_183, 8 : i32
      %shift_right_logical3A_185 = arith.constant 7 : i32
      %shift_right_logical3A_186 = arith.shrui %squeeze3A_177, %shift_right_logical3A_185 : i32
      %shift_left3A_187 = arith.constant 7 : i32
      %shift_left3A_188 = arith.shli %shift_right_logical3A_186, %shift_left3A_187 : i32
      %multiple_of3A_189 = tpu.assume_multiple %shift_left3A_188, 128 : i32
      %mul3A_190 = arith.constant 16 : i32
      %mul3A_191 = arith.muli %scan3A_24, %mul3A_190 : i32
      %add3A_192 = arith.constant 5 : i32
      %add3A_193 = arith.addi %mul3A_191, %add3A_192 : i32
      %dma_start3A_194 = arith.constant 0 : i32
      %dma_start3A_195 = arith.constant 0 : i32
      %dma_start3A_196 = arith.constant 0 : i32
      %dma_start3A_197 = tpu.memref_slice %arg11[%dma_start3A_194, %add3A_193, %dma_start3A_195, %dma_start3A_196] : memref<2x32x8x128xf32, #tpu.memory_space<vmem>> -> memref<1x1x8x128xf32, #tpu.memory_space<vmem>>
      %dma_start3A_198 = tpu.memref_squeeze %dma_start3A_197 : memref<1x1x8x128xf32, #tpu.memory_space<vmem>> -> memref<8x128xf32, #tpu.memory_space<vmem>>
      %dma_start3A_199 = tpu.memref_slice %arg6[%multiple_of3A_184, %multiple_of3A_189] : memref<64x1000000xf32, #tpu.memory_space<hbm>> -> memref<8x128xf32, #tpu.memory_space<hbm>>
      %dma_start3A_200 = arith.constant 0 : i32
      %dma_start3A_201 = arith.constant 0 : i32
      %dma_start3A_202 = tpu.memref_slice %arg11[%dma_start3A_194, %add3A_193, %dma_start3A_200, %dma_start3A_201] : memref<2x32x8x128xf32, #tpu.memory_space<vmem>> -> memref<1x1x8x128xf32, #tpu.memory_space<vmem>>
      %dma_start3A_203 = tpu.memref_squeeze %dma_start3A_202 : memref<1x1x8x128xf32, #tpu.memory_space<vmem>> -> memref<8x128xf32, #tpu.memory_space<vmem>>
      %dma_start3A_204 = tpu.memref_slice %arg6[%multiple_of3A_184, %multiple_of3A_189] : memref<64x1000000xf32, #tpu.memory_space<hbm>> -> memref<8x128xf32, #tpu.memory_space<hbm>>
      tpu.enqueue_dma source(%dma_start3A_204 : memref<8x128xf32, #tpu.memory_space<hbm>>) target(%dma_start3A_203 : memref<8x128xf32, #tpu.memory_space<vmem>>) target_semaphore(%arg16 : memref<!tpu.dma_semaphore, #tpu.memory_space<semaphore_mem>>)
      %slice3A_205 = vector.extract_strided_slice %get3A_30 {offsets = [6], sizes = [1], strides = [1]} : vector<16xi32> to vector<1xi32>
      %squeeze3A_206 = vector.extract %slice3A_205[0] : i32 from vector<1xi32>
      %slice3A_207 = vector.extract_strided_slice %get3A_36 {offsets = [6], sizes = [1], strides = [1]} : vector<16xi32> to vector<1xi32>
      %squeeze3A_208 = vector.extract %slice3A_207[0] : i32 from vector<1xi32>
      %shift_right_logical3A_209 = arith.constant 3 : i32
      %shift_right_logical3A_210 = arith.shrui %squeeze3A_208, %shift_right_logical3A_209 : i32
      %shift_left3A_211 = arith.constant 3 : i32
      %shift_left3A_212 = arith.shli %shift_right_logical3A_210, %shift_left3A_211 : i32
      %multiple_of3A_213 = tpu.assume_multiple %shift_left3A_212, 8 : i32
      %shift_right_logical3A_214 = arith.constant 7 : i32
      %shift_right_logical3A_215 = arith.shrui %squeeze3A_206, %shift_right_logical3A_214 : i32
      %shift_left3A_216 = arith.constant 7 : i32
      %shift_left3A_217 = arith.shli %shift_right_logical3A_215, %shift_left3A_216 : i32
      %multiple_of3A_218 = tpu.assume_multiple %shift_left3A_217, 128 : i32
      %mul3A_219 = arith.constant 16 : i32
      %mul3A_220 = arith.muli %scan3A_24, %mul3A_219 : i32
      %add3A_221 = arith.constant 6 : i32
      %add3A_222 = arith.addi %mul3A_220, %add3A_221 : i32
      %dma_start3A_223 = arith.constant 0 : i32
      %dma_start3A_224 = arith.constant 0 : i32
      %dma_start3A_225 = arith.constant 0 : i32
      %dma_start3A_226 = tpu.memref_slice %arg11[%dma_start3A_223, %add3A_222, %dma_start3A_224, %dma_start3A_225] : memref<2x32x8x128xf32, #tpu.memory_space<vmem>> -> memref<1x1x8x128xf32, #tpu.memory_space<vmem>>
      %dma_start3A_227 = tpu.memref_squeeze %dma_start3A_226 : memref<1x1x8x128xf32, #tpu.memory_space<vmem>> -> memref<8x128xf32, #tpu.memory_space<vmem>>
      %dma_start3A_228 = tpu.memref_slice %arg6[%multiple_of3A_213, %multiple_of3A_218] : memref<64x1000000xf32, #tpu.memory_space<hbm>> -> memref<8x128xf32, #tpu.memory_space<hbm>>
      %dma_start3A_229 = arith.constant 0 : i32
      %dma_start3A_230 = arith.constant 0 : i32
      %dma_start3A_231 = tpu.memref_slice %arg11[%dma_start3A_223, %add3A_222, %dma_start3A_229, %dma_start3A_230] : memref<2x32x8x128xf32, #tpu.memory_space<vmem>> -> memref<1x1x8x128xf32, #tpu.memory_space<vmem>>
      %dma_start3A_232 = tpu.memref_squeeze %dma_start3A_231 : memref<1x1x8x128xf32, #tpu.memory_space<vmem>> -> memref<8x128xf32, #tpu.memory_space<vmem>>
      %dma_start3A_233 = tpu.memref_slice %arg6[%multiple_of3A_213, %multiple_of3A_218] : memref<64x1000000xf32, #tpu.memory_space<hbm>> -> memref<8x128xf32, #tpu.memory_space<hbm>>
      tpu.enqueue_dma source(%dma_start3A_233 : memref<8x128xf32, #tpu.memory_space<hbm>>) target(%dma_start3A_232 : memref<8x128xf32, #tpu.memory_space<vmem>>) target_semaphore(%arg16 : memref<!tpu.dma_semaphore, #tpu.memory_space<semaphore_mem>>)
      %slice3A_234 = vector.extract_strided_slice %get3A_30 {offsets = [7], sizes = [1], strides = [1]} : vector<16xi32> to vector<1xi32>
      %squeeze3A_235 = vector.extract %slice3A_234[0] : i32 from vector<1xi32>
      %slice3A_236 = vector.extract_strided_slice %get3A_36 {offsets = [7], sizes = [1], strides = [1]} : vector<16xi32> to vector<1xi32>
      %squeeze3A_237 = vector.extract %slice3A_236[0] : i32 from vector<1xi32>
      %shift_right_logical3A_238 = arith.constant 3 : i32
      %shift_right_logical3A_239 = arith.shrui %squeeze3A_237, %shift_right_logical3A_238 : i32
      %shift_left3A_240 = arith.constant 3 : i32
      %shift_left3A_241 = arith.shli %shift_right_logical3A_239, %shift_left3A_240 : i32
      %multiple_of3A_242 = tpu.assume_multiple %shift_left3A_241, 8 : i32
      %shift_right_logical3A_243 = arith.constant 7 : i32
      %shift_right_logical3A_244 = arith.shrui %squeeze3A_235, %shift_right_logical3A_243 : i32
      %shift_left3A_245 = arith.constant 7 : i32
      %shift_left3A_246 = arith.shli %shift_right_logical3A_244, %shift_left3A_245 : i32
      %multiple_of3A_247 = tpu.assume_multiple %shift_left3A_246, 128 : i32
      %mul3A_248 = arith.constant 16 : i32
      %mul3A_249 = arith.muli %scan3A_24, %mul3A_248 : i32
      %add3A_250 = arith.constant 7 : i32
      %add3A_251 = arith.addi %mul3A_249, %add3A_250 : i32
      %dma_start3A_252 = arith.constant 0 : i32
      %dma_start3A_253 = arith.constant 0 : i32
      %dma_start3A_254 = arith.constant 0 : i32
      %dma_start3A_255 = tpu.memref_slice %arg11[%dma_start3A_252, %add3A_251, %dma_start3A_253, %dma_start3A_254] : memref<2x32x8x128xf32, #tpu.memory_space<vmem>> -> memref<1x1x8x128xf32, #tpu.memory_space<vmem>>
      %dma_start3A_256 = tpu.memref_squeeze %dma_start3A_255 : memref<1x1x8x128xf32, #tpu.memory_space<vmem>> -> memref<8x128xf32, #tpu.memory_space<vmem>>
      %dma_start3A_257 = tpu.memref_slice %arg6[%multiple_of3A_242, %multiple_of3A_247] : memref<64x1000000xf32, #tpu.memory_space<hbm>> -> memref<8x128xf32, #tpu.memory_space<hbm>>
      %dma_start3A_258 = arith.constant 0 : i32
      %dma_start3A_259 = arith.constant 0 : i32
      %dma_start3A_260 = tpu.memref_slice %arg11[%dma_start3A_252, %add3A_251, %dma_start3A_258, %dma_start3A_259] : memref<2x32x8x128xf32, #tpu.memory_space<vmem>> -> memref<1x1x8x128xf32, #tpu.memory_space<vmem>>
      %dma_start3A_261 = tpu.memref_squeeze %dma_start3A_260 : memref<1x1x8x128xf32, #tpu.memory_space<vmem>> -> memref<8x128xf32, #tpu.memory_space<vmem>>
      %dma_start3A_262 = tpu.memref_slice %arg6[%multiple_of3A_242, %multiple_of3A_247] : memref<64x1000000xf32, #tpu.memory_space<hbm>> -> memref<8x128xf32, #tpu.memory_space<hbm>>
      tpu.enqueue_dma source(%dma_start3A_262 : memref<8x128xf32, #tpu.memory_space<hbm>>) target(%dma_start3A_261 : memref<8x128xf32, #tpu.memory_space<vmem>>) target_semaphore(%arg16 : memref<!tpu.dma_semaphore, #tpu.memory_space<semaphore_mem>>)
      %slice3A_263 = vector.extract_strided_slice %get3A_30 {offsets = [8], sizes = [1], strides = [1]} : vector<16xi32> to vector<1xi32>
      %squeeze3A_264 = vector.extract %slice3A_263[0] : i32 from vector<1xi32>
      %slice3A_265 = vector.extract_strided_slice %get3A_36 {offsets = [8], sizes = [1], strides = [1]} : vector<16xi32> to vector<1xi32>
      %squeeze3A_266 = vector.extract %slice3A_265[0] : i32 from vector<1xi32>
      %shift_right_logical3A_267 = arith.constant 3 : i32
      %shift_right_logical3A_268 = arith.shrui %squeeze3A_266, %shift_right_logical3A_267 : i32
      %shift_left3A_269 = arith.constant 3 : i32
      %shift_left3A_270 = arith.shli %shift_right_logical3A_268, %shift_left3A_269 : i32
      %multiple_of3A_271 = tpu.assume_multiple %shift_left3A_270, 8 : i32
      %shift_right_logical3A_272 = arith.constant 7 : i32
      %shift_right_logical3A_273 = arith.shrui %squeeze3A_264, %shift_right_logical3A_272 : i32
      %shift_left3A_274 = arith.constant 7 : i32
      %shift_left3A_275 = arith.shli %shift_right_logical3A_273, %shift_left3A_274 : i32
      %multiple_of3A_276 = tpu.assume_multiple %shift_left3A_275, 128 : i32
      %mul3A_277 = arith.constant 16 : i32
      %mul3A_278 = arith.muli %scan3A_24, %mul3A_277 : i32
      %add3A_279 = arith.constant 8 : i32
      %add3A_280 = arith.addi %mul3A_278, %add3A_279 : i32
      %dma_start3A_281 = arith.constant 0 : i32
      %dma_start3A_282 = arith.constant 0 : i32
      %dma_start3A_283 = arith.constant 0 : i32
      %dma_start3A_284 = tpu.memref_slice %arg11[%dma_start3A_281, %add3A_280, %dma_start3A_282, %dma_start3A_283] : memref<2x32x8x128xf32, #tpu.memory_space<vmem>> -> memref<1x1x8x128xf32, #tpu.memory_space<vmem>>
      %dma_start3A_285 = tpu.memref_squeeze %dma_start3A_284 : memref<1x1x8x128xf32, #tpu.memory_space<vmem>> -> memref<8x128xf32, #tpu.memory_space<vmem>>
      %dma_start3A_286 = tpu.memref_slice %arg6[%multiple_of3A_271, %multiple_of3A_276] : memref<64x1000000xf32, #tpu.memory_space<hbm>> -> memref<8x128xf32, #tpu.memory_space<hbm>>
      %dma_start3A_287 = arith.constant 0 : i32
      %dma_start3A_288 = arith.constant 0 : i32
      %dma_start3A_289 = tpu.memref_slice %arg11[%dma_start3A_281, %add3A_280, %dma_start3A_287, %dma_start3A_288] : memref<2x32x8x128xf32, #tpu.memory_space<vmem>> -> memref<1x1x8x128xf32, #tpu.memory_space<vmem>>
      %dma_start3A_290 = tpu.memref_squeeze %dma_start3A_289 : memref<1x1x8x128xf32, #tpu.memory_space<vmem>> -> memref<8x128xf32, #tpu.memory_space<vmem>>
      %dma_start3A_291 = tpu.memref_slice %arg6[%multiple_of3A_271, %multiple_of3A_276] : memref<64x1000000xf32, #tpu.memory_space<hbm>> -> memref<8x128xf32, #tpu.memory_space<hbm>>
      tpu.enqueue_dma source(%dma_start3A_291 : memref<8x128xf32, #tpu.memory_space<hbm>>) target(%dma_start3A_290 : memref<8x128xf32, #tpu.memory_space<vmem>>) target_semaphore(%arg16 : memref<!tpu.dma_semaphore, #tpu.memory_space<semaphore_mem>>)
      %slice3A_292 = vector.extract_strided_slice %get3A_30 {offsets = [9], sizes = [1], strides = [1]} : vector<16xi32> to vector<1xi32>
      %squeeze3A_293 = vector.extract %slice3A_292[0] : i32 from vector<1xi32>
      %slice3A_294 = vector.extract_strided_slice %get3A_36 {offsets = [9], sizes = [1], strides = [1]} : vector<16xi32> to vector<1xi32>
      %squeeze3A_295 = vector.extract %slice3A_294[0] : i32 from vector<1xi32>
      %shift_right_logical3A_296 = arith.constant 3 : i32
      %shift_right_logical3A_297 = arith.shrui %squeeze3A_295, %shift_right_logical3A_296 : i32
      %shift_left3A_298 = arith.constant 3 : i32
      %shift_left3A_299 = arith.shli %shift_right_logical3A_297, %shift_left3A_298 : i32
      %multiple_of3A_300 = tpu.assume_multiple %shift_left3A_299, 8 : i32
      %shift_right_logical3A_301 = arith.constant 7 : i32
      %shift_right_logical3A_302 = arith.shrui %squeeze3A_293, %shift_right_logical3A_301 : i32
      %shift_left3A_303 = arith.constant 7 : i32
      %shift_left3A_304 = arith.shli %shift_right_logical3A_302, %shift_left3A_303 : i32
      %multiple_of3A_305 = tpu.assume_multiple %shift_left3A_304, 128 : i32
      %mul3A_306 = arith.constant 16 : i32
      %mul3A_307 = arith.muli %scan3A_24, %mul3A_306 : i32
      %add3A_308 = arith.constant 9 : i32
      %add3A_309 = arith.addi %mul3A_307, %add3A_308 : i32
      %dma_start3A_310 = arith.constant 0 : i32
      %dma_start3A_311 = arith.constant 0 : i32
      %dma_start3A_312 = arith.constant 0 : i32
      %dma_start3A_313 = tpu.memref_slice %arg11[%dma_start3A_310, %add3A_309, %dma_start3A_311, %dma_start3A_312] : memref<2x32x8x128xf32, #tpu.memory_space<vmem>> -> memref<1x1x8x128xf32, #tpu.memory_space<vmem>>
      %dma_start3A_314 = tpu.memref_squeeze %dma_start3A_313 : memref<1x1x8x128xf32, #tpu.memory_space<vmem>> -> memref<8x128xf32, #tpu.memory_space<vmem>>
      %dma_start3A_315 = tpu.memref_slice %arg6[%multiple_of3A_300, %multiple_of3A_305] : memref<64x1000000xf32, #tpu.memory_space<hbm>> -> memref<8x128xf32, #tpu.memory_space<hbm>>
      %dma_start3A_316 = arith.constant 0 : i32
      %dma_start3A_317 = arith.constant 0 : i32
      %dma_start3A_318 = tpu.memref_slice %arg11[%dma_start3A_310, %add3A_309, %dma_start3A_316, %dma_start3A_317] : memref<2x32x8x128xf32, #tpu.memory_space<vmem>> -> memref<1x1x8x128xf32, #tpu.memory_space<vmem>>
      %dma_start3A_319 = tpu.memref_squeeze %dma_start3A_318 : memref<1x1x8x128xf32, #tpu.memory_space<vmem>> -> memref<8x128xf32, #tpu.memory_space<vmem>>
      %dma_start3A_320 = tpu.memref_slice %arg6[%multiple_of3A_300, %multiple_of3A_305] : memref<64x1000000xf32, #tpu.memory_space<hbm>> -> memref<8x128xf32, #tpu.memory_space<hbm>>
      tpu.enqueue_dma source(%dma_start3A_320 : memref<8x128xf32, #tpu.memory_space<hbm>>) target(%dma_start3A_319 : memref<8x128xf32, #tpu.memory_space<vmem>>) target_semaphore(%arg16 : memref<!tpu.dma_semaphore, #tpu.memory_space<semaphore_mem>>)
      %slice3A_321 = vector.extract_strided_slice %get3A_30 {offsets = [10], sizes = [1], strides = [1]} : vector<16xi32> to vector<1xi32>
      %squeeze3A_322 = vector.extract %slice3A_321[0] : i32 from vector<1xi32>
      %slice3A_323 = vector.extract_strided_slice %get3A_36 {offsets = [10], sizes = [1], strides = [1]} : vector<16xi32> to vector<1xi32>
      %squeeze3A_324 = vector.extract %slice3A_323[0] : i32 from vector<1xi32>
      %shift_right_logical3A_325 = arith.constant 3 : i32
      %shift_right_logical3A_326 = arith.shrui %squeeze3A_324, %shift_right_logical3A_325 : i32
      %shift_left3A_327 = arith.constant 3 : i32
      %shift_left3A_328 = arith.shli %shift_right_logical3A_326, %shift_left3A_327 : i32
      %multiple_of3A_329 = tpu.assume_multiple %shift_left3A_328, 8 : i32
      %shift_right_logical3A_330 = arith.constant 7 : i32
      %shift_right_logical3A_331 = arith.shrui %squeeze3A_322, %shift_right_logical3A_330 : i32
      %shift_left3A_332 = arith.constant 7 : i32
      %shift_left3A_333 = arith.shli %shift_right_logical3A_331, %shift_left3A_332 : i32
      %multiple_of3A_334 = tpu.assume_multiple %shift_left3A_333, 128 : i32
      %mul3A_335 = arith.constant 16 : i32
      %mul3A_336 = arith.muli %scan3A_24, %mul3A_335 : i32
      %add3A_337 = arith.constant 10 : i32
      %add3A_338 = arith.addi %mul3A_336, %add3A_337 : i32
      %dma_start3A_339 = arith.constant 0 : i32
      %dma_start3A_340 = arith.constant 0 : i32
      %dma_start3A_341 = arith.constant 0 : i32
      %dma_start3A_342 = tpu.memref_slice %arg11[%dma_start3A_339, %add3A_338, %dma_start3A_340, %dma_start3A_341] : memref<2x32x8x128xf32, #tpu.memory_space<vmem>> -> memref<1x1x8x128xf32, #tpu.memory_space<vmem>>
      %dma_start3A_343 = tpu.memref_squeeze %dma_start3A_342 : memref<1x1x8x128xf32, #tpu.memory_space<vmem>> -> memref<8x128xf32, #tpu.memory_space<vmem>>
      %dma_start3A_344 = tpu.memref_slice %arg6[%multiple_of3A_329, %multiple_of3A_334] : memref<64x1000000xf32, #tpu.memory_space<hbm>> -> memref<8x128xf32, #tpu.memory_space<hbm>>
      %dma_start3A_345 = arith.constant 0 : i32
      %dma_start3A_346 = arith.constant 0 : i32
      %dma_start3A_347 = tpu.memref_slice %arg11[%dma_start3A_339, %add3A_338, %dma_start3A_345, %dma_start3A_346] : memref<2x32x8x128xf32, #tpu.memory_space<vmem>> -> memref<1x1x8x128xf32, #tpu.memory_space<vmem>>
      %dma_start3A_348 = tpu.memref_squeeze %dma_start3A_347 : memref<1x1x8x128xf32, #tpu.memory_space<vmem>> -> memref<8x128xf32, #tpu.memory_space<vmem>>
      %dma_start3A_349 = tpu.memref_slice %arg6[%multiple_of3A_329, %multiple_of3A_334] : memref<64x1000000xf32, #tpu.memory_space<hbm>> -> memref<8x128xf32, #tpu.memory_space<hbm>>
      tpu.enqueue_dma source(%dma_start3A_349 : memref<8x128xf32, #tpu.memory_space<hbm>>) target(%dma_start3A_348 : memref<8x128xf32, #tpu.memory_space<vmem>>) target_semaphore(%arg16 : memref<!tpu.dma_semaphore, #tpu.memory_space<semaphore_mem>>)
      %slice3A_350 = vector.extract_strided_slice %get3A_30 {offsets = [11], sizes = [1], strides = [1]} : vector<16xi32> to vector<1xi32>
      %squeeze3A_351 = vector.extract %slice3A_350[0] : i32 from vector<1xi32>
      %slice3A_352 = vector.extract_strided_slice %get3A_36 {offsets = [11], sizes = [1], strides = [1]} : vector<16xi32> to vector<1xi32>
      %squeeze3A_353 = vector.extract %slice3A_352[0] : i32 from vector<1xi32>
      %shift_right_logical3A_354 = arith.constant 3 : i32
      %shift_right_logical3A_355 = arith.shrui %squeeze3A_353, %shift_right_logical3A_354 : i32
      %shift_left3A_356 = arith.constant 3 : i32
      %shift_left3A_357 = arith.shli %shift_right_logical3A_355, %shift_left3A_356 : i32
      %multiple_of3A_358 = tpu.assume_multiple %shift_left3A_357, 8 : i32
      %shift_right_logical3A_359 = arith.constant 7 : i32
      %shift_right_logical3A_360 = arith.shrui %squeeze3A_351, %shift_right_logical3A_359 : i32
      %shift_left3A_361 = arith.constant 7 : i32
      %shift_left3A_362 = arith.shli %shift_right_logical3A_360, %shift_left3A_361 : i32
      %multiple_of3A_363 = tpu.assume_multiple %shift_left3A_362, 128 : i32
      %mul3A_364 = arith.constant 16 : i32
      %mul3A_365 = arith.muli %scan3A_24, %mul3A_364 : i32
      %add3A_366 = arith.constant 11 : i32
      %add3A_367 = arith.addi %mul3A_365, %add3A_366 : i32
      %dma_start3A_368 = arith.constant 0 : i32
      %dma_start3A_369 = arith.constant 0 : i32
      %dma_start3A_370 = arith.constant 0 : i32
      %dma_start3A_371 = tpu.memref_slice %arg11[%dma_start3A_368, %add3A_367, %dma_start3A_369, %dma_start3A_370] : memref<2x32x8x128xf32, #tpu.memory_space<vmem>> -> memref<1x1x8x128xf32, #tpu.memory_space<vmem>>
      %dma_start3A_372 = tpu.memref_squeeze %dma_start3A_371 : memref<1x1x8x128xf32, #tpu.memory_space<vmem>> -> memref<8x128xf32, #tpu.memory_space<vmem>>
      %dma_start3A_373 = tpu.memref_slice %arg6[%multiple_of3A_358, %multiple_of3A_363] : memref<64x1000000xf32, #tpu.memory_space<hbm>> -> memref<8x128xf32, #tpu.memory_space<hbm>>
      %dma_start3A_374 = arith.constant 0 : i32
      %dma_start3A_375 = arith.constant 0 : i32
      %dma_start3A_376 = tpu.memref_slice %arg11[%dma_start3A_368, %add3A_367, %dma_start3A_374, %dma_start3A_375] : memref<2x32x8x128xf32, #tpu.memory_space<vmem>> -> memref<1x1x8x128xf32, #tpu.memory_space<vmem>>
      %dma_start3A_377 = tpu.memref_squeeze %dma_start3A_376 : memref<1x1x8x128xf32, #tpu.memory_space<vmem>> -> memref<8x128xf32, #tpu.memory_space<vmem>>
      %dma_start3A_378 = tpu.memref_slice %arg6[%multiple_of3A_358, %multiple_of3A_363] : memref<64x1000000xf32, #tpu.memory_space<hbm>> -> memref<8x128xf32, #tpu.memory_space<hbm>>
      tpu.enqueue_dma source(%dma_start3A_378 : memref<8x128xf32, #tpu.memory_space<hbm>>) target(%dma_start3A_377 : memref<8x128xf32, #tpu.memory_space<vmem>>) target_semaphore(%arg16 : memref<!tpu.dma_semaphore, #tpu.memory_space<semaphore_mem>>)
      %slice3A_379 = vector.extract_strided_slice %get3A_30 {offsets = [12], sizes = [1], strides = [1]} : vector<16xi32> to vector<1xi32>
      %squeeze3A_380 = vector.extract %slice3A_379[0] : i32 from vector<1xi32>
      %slice3A_381 = vector.extract_strided_slice %get3A_36 {offsets = [12], sizes = [1], strides = [1]} : vector<16xi32> to vector<1xi32>
      %squeeze3A_382 = vector.extract %slice3A_381[0] : i32 from vector<1xi32>
      %shift_right_logical3A_383 = arith.constant 3 : i32
      %shift_right_logical3A_384 = arith.shrui %squeeze3A_382, %shift_right_logical3A_383 : i32
      %shift_left3A_385 = arith.constant 3 : i32
      %shift_left3A_386 = arith.shli %shift_right_logical3A_384, %shift_left3A_385 : i32
      %multiple_of3A_387 = tpu.assume_multiple %shift_left3A_386, 8 : i32
      %shift_right_logical3A_388 = arith.constant 7 : i32
      %shift_right_logical3A_389 = arith.shrui %squeeze3A_380, %shift_right_logical3A_388 : i32
      %shift_left3A_390 = arith.constant 7 : i32
      %shift_left3A_391 = arith.shli %shift_right_logical3A_389, %shift_left3A_390 : i32
      %multiple_of3A_392 = tpu.assume_multiple %shift_left3A_391, 128 : i32
      %mul3A_393 = arith.constant 16 : i32
      %mul3A_394 = arith.muli %scan3A_24, %mul3A_393 : i32
      %add3A_395 = arith.constant 12 : i32
      %add3A_396 = arith.addi %mul3A_394, %add3A_395 : i32
      %dma_start3A_397 = arith.constant 0 : i32
      %dma_start3A_398 = arith.constant 0 : i32
      %dma_start3A_399 = arith.constant 0 : i32
      %dma_start3A_400 = tpu.memref_slice %arg11[%dma_start3A_397, %add3A_396, %dma_start3A_398, %dma_start3A_399] : memref<2x32x8x128xf32, #tpu.memory_space<vmem>> -> memref<1x1x8x128xf32, #tpu.memory_space<vmem>>
      %dma_start3A_401 = tpu.memref_squeeze %dma_start3A_400 : memref<1x1x8x128xf32, #tpu.memory_space<vmem>> -> memref<8x128xf32, #tpu.memory_space<vmem>>
      %dma_start3A_402 = tpu.memref_slice %arg6[%multiple_of3A_387, %multiple_of3A_392] : memref<64x1000000xf32, #tpu.memory_space<hbm>> -> memref<8x128xf32, #tpu.memory_space<hbm>>
      %dma_start3A_403 = arith.constant 0 : i32
      %dma_start3A_404 = arith.constant 0 : i32
      %dma_start3A_405 = tpu.memref_slice %arg11[%dma_start3A_397, %add3A_396, %dma_start3A_403, %dma_start3A_404] : memref<2x32x8x128xf32, #tpu.memory_space<vmem>> -> memref<1x1x8x128xf32, #tpu.memory_space<vmem>>
      %dma_start3A_406 = tpu.memref_squeeze %dma_start3A_405 : memref<1x1x8x128xf32, #tpu.memory_space<vmem>> -> memref<8x128xf32, #tpu.memory_space<vmem>>
      %dma_start3A_407 = tpu.memref_slice %arg6[%multiple_of3A_387, %multiple_of3A_392] : memref<64x1000000xf32, #tpu.memory_space<hbm>> -> memref<8x128xf32, #tpu.memory_space<hbm>>
      tpu.enqueue_dma source(%dma_start3A_407 : memref<8x128xf32, #tpu.memory_space<hbm>>) target(%dma_start3A_406 : memref<8x128xf32, #tpu.memory_space<vmem>>) target_semaphore(%arg16 : memref<!tpu.dma_semaphore, #tpu.memory_space<semaphore_mem>>)
      %slice3A_408 = vector.extract_strided_slice %get3A_30 {offsets = [13], sizes = [1], strides = [1]} : vector<16xi32> to vector<1xi32>
      %squeeze3A_409 = vector.extract %slice3A_408[0] : i32 from vector<1xi32>
      %slice3A_410 = vector.extract_strided_slice %get3A_36 {offsets = [13], sizes = [1], strides = [1]} : vector<16xi32> to vector<1xi32>
      %squeeze3A_411 = vector.extract %slice3A_410[0] : i32 from vector<1xi32>
      %shift_right_logical3A_412 = arith.constant 3 : i32
      %shift_right_logical3A_413 = arith.shrui %squeeze3A_411, %shift_right_logical3A_412 : i32
      %shift_left3A_414 = arith.constant 3 : i32
      %shift_left3A_415 = arith.shli %shift_right_logical3A_413, %shift_left3A_414 : i32
      %multiple_of3A_416 = tpu.assume_multiple %shift_left3A_415, 8 : i32
      %shift_right_logical3A_417 = arith.constant 7 : i32
      %shift_right_logical3A_418 = arith.shrui %squeeze3A_409, %shift_right_logical3A_417 : i32
      %shift_left3A_419 = arith.constant 7 : i32
      %shift_left3A_420 = arith.shli %shift_right_logical3A_418, %shift_left3A_419 : i32
      %multiple_of3A_421 = tpu.assume_multiple %shift_left3A_420, 128 : i32
      %mul3A_422 = arith.constant 16 : i32
      %mul3A_423 = arith.muli %scan3A_24, %mul3A_422 : i32
      %add3A_424 = arith.constant 13 : i32
      %add3A_425 = arith.addi %mul3A_423, %add3A_424 : i32
      %dma_start3A_426 = arith.constant 0 : i32
      %dma_start3A_427 = arith.constant 0 : i32
      %dma_start3A_428 = arith.constant 0 : i32
      %dma_start3A_429 = tpu.memref_slice %arg11[%dma_start3A_426, %add3A_425, %dma_start3A_427, %dma_start3A_428] : memref<2x32x8x128xf32, #tpu.memory_space<vmem>> -> memref<1x1x8x128xf32, #tpu.memory_space<vmem>>
      %dma_start3A_430 = tpu.memref_squeeze %dma_start3A_429 : memref<1x1x8x128xf32, #tpu.memory_space<vmem>> -> memref<8x128xf32, #tpu.memory_space<vmem>>
      %dma_start3A_431 = tpu.memref_slice %arg6[%multiple_of3A_416, %multiple_of3A_421] : memref<64x1000000xf32, #tpu.memory_space<hbm>> -> memref<8x128xf32, #tpu.memory_space<hbm>>
      %dma_start3A_432 = arith.constant 0 : i32
      %dma_start3A_433 = arith.constant 0 : i32
      %dma_start3A_434 = tpu.memref_slice %arg11[%dma_start3A_426, %add3A_425, %dma_start3A_432, %dma_start3A_433] : memref<2x32x8x128xf32, #tpu.memory_space<vmem>> -> memref<1x1x8x128xf32, #tpu.memory_space<vmem>>
      %dma_start3A_435 = tpu.memref_squeeze %dma_start3A_434 : memref<1x1x8x128xf32, #tpu.memory_space<vmem>> -> memref<8x128xf32, #tpu.memory_space<vmem>>
      %dma_start3A_436 = tpu.memref_slice %arg6[%multiple_of3A_416, %multiple_of3A_421] : memref<64x1000000xf32, #tpu.memory_space<hbm>> -> memref<8x128xf32, #tpu.memory_space<hbm>>
      tpu.enqueue_dma source(%dma_start3A_436 : memref<8x128xf32, #tpu.memory_space<hbm>>) target(%dma_start3A_435 : memref<8x128xf32, #tpu.memory_space<vmem>>) target_semaphore(%arg16 : memref<!tpu.dma_semaphore, #tpu.memory_space<semaphore_mem>>)
      %slice3A_437 = vector.extract_strided_slice %get3A_30 {offsets = [14], sizes = [1], strides = [1]} : vector<16xi32> to vector<1xi32>
      %squeeze3A_438 = vector.extract %slice3A_437[0] : i32 from vector<1xi32>
      %slice3A_439 = vector.extract_strided_slice %get3A_36 {offsets = [14], sizes = [1], strides = [1]} : vector<16xi32> to vector<1xi32>
      %squeeze3A_440 = vector.extract %slice3A_439[0] : i32 from vector<1xi32>
      %shift_right_logical3A_441 = arith.constant 3 : i32
      %shift_right_logical3A_442 = arith.shrui %squeeze3A_440, %shift_right_logical3A_441 : i32
      %shift_left3A_443 = arith.constant 3 : i32
      %shift_left3A_444 = arith.shli %shift_right_logical3A_442, %shift_left3A_443 : i32
      %multiple_of3A_445 = tpu.assume_multiple %shift_left3A_444, 8 : i32
      %shift_right_logical3A_446 = arith.constant 7 : i32
      %shift_right_logical3A_447 = arith.shrui %squeeze3A_438, %shift_right_logical3A_446 : i32
      %shift_left3A_448 = arith.constant 7 : i32
      %shift_left3A_449 = arith.shli %shift_right_logical3A_447, %shift_left3A_448 : i32
      %multiple_of3A_450 = tpu.assume_multiple %shift_left3A_449, 128 : i32
      %mul3A_451 = arith.constant 16 : i32
      %mul3A_452 = arith.muli %scan3A_24, %mul3A_451 : i32
      %add3A_453 = arith.constant 14 : i32
      %add3A_454 = arith.addi %mul3A_452, %add3A_453 : i32
      %dma_start3A_455 = arith.constant 0 : i32
      %dma_start3A_456 = arith.constant 0 : i32
      %dma_start3A_457 = arith.constant 0 : i32
      %dma_start3A_458 = tpu.memref_slice %arg11[%dma_start3A_455, %add3A_454, %dma_start3A_456, %dma_start3A_457] : memref<2x32x8x128xf32, #tpu.memory_space<vmem>> -> memref<1x1x8x128xf32, #tpu.memory_space<vmem>>
      %dma_start3A_459 = tpu.memref_squeeze %dma_start3A_458 : memref<1x1x8x128xf32, #tpu.memory_space<vmem>> -> memref<8x128xf32, #tpu.memory_space<vmem>>
      %dma_start3A_460 = tpu.memref_slice %arg6[%multiple_of3A_445, %multiple_of3A_450] : memref<64x1000000xf32, #tpu.memory_space<hbm>> -> memref<8x128xf32, #tpu.memory_space<hbm>>
      %dma_start3A_461 = arith.constant 0 : i32
      %dma_start3A_462 = arith.constant 0 : i32
      %dma_start3A_463 = tpu.memref_slice %arg11[%dma_start3A_455, %add3A_454, %dma_start3A_461, %dma_start3A_462] : memref<2x32x8x128xf32, #tpu.memory_space<vmem>> -> memref<1x1x8x128xf32, #tpu.memory_space<vmem>>
      %dma_start3A_464 = tpu.memref_squeeze %dma_start3A_463 : memref<1x1x8x128xf32, #tpu.memory_space<vmem>> -> memref<8x128xf32, #tpu.memory_space<vmem>>
      %dma_start3A_465 = tpu.memref_slice %arg6[%multiple_of3A_445, %multiple_of3A_450] : memref<64x1000000xf32, #tpu.memory_space<hbm>> -> memref<8x128xf32, #tpu.memory_space<hbm>>
      tpu.enqueue_dma source(%dma_start3A_465 : memref<8x128xf32, #tpu.memory_space<hbm>>) target(%dma_start3A_464 : memref<8x128xf32, #tpu.memory_space<vmem>>) target_semaphore(%arg16 : memref<!tpu.dma_semaphore, #tpu.memory_space<semaphore_mem>>)
      %slice3A_466 = vector.extract_strided_slice %get3A_30 {offsets = [15], sizes = [1], strides = [1]} : vector<16xi32> to vector<1xi32>
      %squeeze3A_467 = vector.extract %slice3A_466[0] : i32 from vector<1xi32>
      %slice3A_468 = vector.extract_strided_slice %get3A_36 {offsets = [15], sizes = [1], strides = [1]} : vector<16xi32> to vector<1xi32>
      %squeeze3A_469 = vector.extract %slice3A_468[0] : i32 from vector<1xi32>
      %shift_right_logical3A_470 = arith.constant 3 : i32
      %shift_right_logical3A_471 = arith.shrui %squeeze3A_469, %shift_right_logical3A_470 : i32
      %shift_left3A_472 = arith.constant 3 : i32
      %shift_left3A_473 = arith.shli %shift_right_logical3A_471, %shift_left3A_472 : i32
      %multiple_of3A_474 = tpu.assume_multiple %shift_left3A_473, 8 : i32
      %shift_right_logical3A_475 = arith.constant 7 : i32
      %shift_right_logical3A_476 = arith.shrui %squeeze3A_467, %shift_right_logical3A_475 : i32
      %shift_left3A_477 = arith.constant 7 : i32
      %shift_left3A_478 = arith.shli %shift_right_logical3A_476, %shift_left3A_477 : i32
      %multiple_of3A_479 = tpu.assume_multiple %shift_left3A_478, 128 : i32
      %mul3A_480 = arith.constant 16 : i32
      %mul3A_481 = arith.muli %scan3A_24, %mul3A_480 : i32
      %add3A_482 = arith.constant 15 : i32
      %add3A_483 = arith.addi %mul3A_481, %add3A_482 : i32
      %dma_start3A_484 = arith.constant 0 : i32
      %dma_start3A_485 = arith.constant 0 : i32
      %dma_start3A_486 = arith.constant 0 : i32
      %dma_start3A_487 = tpu.memref_slice %arg11[%dma_start3A_484, %add3A_483, %dma_start3A_485, %dma_start3A_486] : memref<2x32x8x128xf32, #tpu.memory_space<vmem>> -> memref<1x1x8x128xf32, #tpu.memory_space<vmem>>
      %dma_start3A_488 = tpu.memref_squeeze %dma_start3A_487 : memref<1x1x8x128xf32, #tpu.memory_space<vmem>> -> memref<8x128xf32, #tpu.memory_space<vmem>>
      %dma_start3A_489 = tpu.memref_slice %arg6[%multiple_of3A_474, %multiple_of3A_479] : memref<64x1000000xf32, #tpu.memory_space<hbm>> -> memref<8x128xf32, #tpu.memory_space<hbm>>
      %dma_start3A_490 = arith.constant 0 : i32
      %dma_start3A_491 = arith.constant 0 : i32
      %dma_start3A_492 = tpu.memref_slice %arg11[%dma_start3A_484, %add3A_483, %dma_start3A_490, %dma_start3A_491] : memref<2x32x8x128xf32, #tpu.memory_space<vmem>> -> memref<1x1x8x128xf32, #tpu.memory_space<vmem>>
      %dma_start3A_493 = tpu.memref_squeeze %dma_start3A_492 : memref<1x1x8x128xf32, #tpu.memory_space<vmem>> -> memref<8x128xf32, #tpu.memory_space<vmem>>
      %dma_start3A_494 = tpu.memref_slice %arg6[%multiple_of3A_474, %multiple_of3A_479] : memref<64x1000000xf32, #tpu.memory_space<hbm>> -> memref<8x128xf32, #tpu.memory_space<hbm>>
      tpu.enqueue_dma source(%dma_start3A_494 : memref<8x128xf32, #tpu.memory_space<hbm>>) target(%dma_start3A_493 : memref<8x128xf32, #tpu.memory_space<vmem>>) target_semaphore(%arg16 : memref<!tpu.dma_semaphore, #tpu.memory_space<semaphore_mem>>)
    }
    %scan3A_9 = arith.constant 2 : i32
    %broadcast_in_dim3A = arith.constant 0.000000e+00 : f32
    %broadcast_in_dim3A_10 = vector.broadcast %broadcast_in_dim3A : f32 to vector<16xf32>
    %scan3A_11 = arith.constant 0 : i32
    %scan3A_12 = arith.constant 0 : i32
    %scan3A_13 = arith.constant 1 : i32
    %scan3A_14 = arith.constant 0 : i32
    %scan3A_15 = arith.constant 0 : i32
    %scan3A_16 = arith.constant 8 : i32
    %scan3A_17 = arith.addi %scan3A_15, %scan3A_16 : i32
    %scan3A_18 = arith.constant 1 : i32
    %scan3A_19 = scf.for %scan3A_24 = %scan3A_15 to %scan3A_17 step %scan3A_18 iter_args(%scan3A_25 = %broadcast_in_dim3A_10) -> (vector<16xf32>)  : i32 {
      %mul3A_26 = arith.constant 2 : i32
      %mul3A_27 = arith.muli %mul3A_26, %scan3A_24 : i32
      %add3A_28 = arith.constant 1 : i32
      %add3A_29 = arith.addi %mul3A_27, %add3A_28 : i32
      %scan3A_30 = arith.constant 0 : i32
      %scan3A_31 = arith.constant 2 : i32
      %scan3A_32 = arith.addi %scan3A_30, %scan3A_31 : i32
      %scan3A_33 = arith.constant 1 : i32
      scf.for %scan3A_72 = %scan3A_30 to %scan3A_32 step %scan3A_33  : i32 {
        %mul3A_73 = arith.constant 32 : i32
        %mul3A_74 = arith.muli %add3A_29, %mul3A_73 : i32
        %mul3A_75 = arith.constant 16 : i32
        %mul3A_76 = arith.muli %scan3A_72, %mul3A_75 : i32
        %add3A_77 = arith.addi %mul3A_74, %mul3A_76 : i32
        %get3A_78 = arith.index_cast %add3A_77 : i32 to index
        %get3A_79 = tpu.vector_load %arg8[%get3A_78] {strides = array<i32>} : memref<512xi32, #tpu.memory_space<vmem>>, vector<16xi32>,
        %mul3A_80 = arith.constant 32 : i32
        %mul3A_81 = arith.muli %add3A_29, %mul3A_80 : i32
        %mul3A_82 = arith.constant 16 : i32
        %mul3A_83 = arith.muli %scan3A_72, %mul3A_82 : i32
        %add3A_84 = arith.addi %mul3A_81, %mul3A_83 : i32
        %get3A_85 = arith.index_cast %add3A_84 : i32 to index
        %get3A_86 = tpu.vector_load %arg9[%get3A_85] {strides = array<i32>} : memref<512xi32, #tpu.memory_space<vmem>>, vector<16xi32>,
        %slice3A = vector.extract_strided_slice %get3A_79 {offsets = [0], sizes = [1], strides = [1]} : vector<16xi32> to vector<1xi32>
        %squeeze3A = vector.extract %slice3A[0] : i32 from vector<1xi32>
        %slice3A_87 = vector.extract_strided_slice %get3A_86 {offsets = [0], sizes = [1], strides = [1]} : vector<16xi32> to vector<1xi32>
        %squeeze3A_88 = vector.extract %slice3A_87[0] : i32 from vector<1xi32>
        %shift_right_logical3A = arith.constant 3 : i32
        %shift_right_logical3A_89 = arith.shrui %squeeze3A_88, %shift_right_logical3A : i32
        %shift_left3A = arith.constant 3 : i32
        %shift_left3A_90 = arith.shli %shift_right_logical3A_89, %shift_left3A : i32
        %multiple_of3A = tpu.assume_multiple %shift_left3A_90, 8 : i32
        %shift_right_logical3A_91 = arith.constant 7 : i32
        %shift_right_logical3A_92 = arith.shrui %squeeze3A, %shift_right_logical3A_91 : i32
        %shift_left3A_93 = arith.constant 7 : i32
        %shift_left3A_94 = arith.shli %shift_right_logical3A_92, %shift_left3A_93 : i32
        %multiple_of3A_95 = tpu.assume_multiple %shift_left3A_94, 128 : i32
        %mul3A_96 = arith.constant 16 : i32
        %mul3A_97 = arith.muli %scan3A_72, %mul3A_96 : i32
        %add3A_98 = arith.constant 0 : i32
        %add3A_99 = arith.addi %mul3A_97, %add3A_98 : i32
        %dma_start3A = arith.constant 1 : i32
        %dma_start3A_100 = arith.constant 0 : i32
        %dma_start3A_101 = arith.constant 0 : i32
        %dma_start3A_102 = tpu.memref_slice %arg11[%dma_start3A, %add3A_99, %dma_start3A_100, %dma_start3A_101] : memref<2x32x8x128xf32, #tpu.memory_space<vmem>> -> memref<1x1x8x128xf32, #tpu.memory_space<vmem>>
        %dma_start3A_103 = tpu.memref_squeeze %dma_start3A_102 : memref<1x1x8x128xf32, #tpu.memory_space<vmem>> -> memref<8x128xf32, #tpu.memory_space<vmem>>
        %dma_start3A_104 = tpu.memref_slice %arg6[%multiple_of3A, %multiple_of3A_95] : memref<64x1000000xf32, #tpu.memory_space<hbm>> -> memref<8x128xf32, #tpu.memory_space<hbm>>
        %dma_start3A_105 = arith.constant 0 : i32
        %dma_start3A_106 = arith.constant 0 : i32
        %dma_start3A_107 = tpu.memref_slice %arg11[%dma_start3A, %add3A_99, %dma_start3A_105, %dma_start3A_106] : memref<2x32x8x128xf32, #tpu.memory_space<vmem>> -> memref<1x1x8x128xf32, #tpu.memory_space<vmem>>
        %dma_start3A_108 = tpu.memref_squeeze %dma_start3A_107 : memref<1x1x8x128xf32, #tpu.memory_space<vmem>> -> memref<8x128xf32, #tpu.memory_space<vmem>>
        %dma_start3A_109 = tpu.memref_slice %arg6[%multiple_of3A, %multiple_of3A_95] : memref<64x1000000xf32, #tpu.memory_space<hbm>> -> memref<8x128xf32, #tpu.memory_space<hbm>>
        tpu.enqueue_dma source(%dma_start3A_109 : memref<8x128xf32, #tpu.memory_space<hbm>>) target(%dma_start3A_108 : memref<8x128xf32, #tpu.memory_space<vmem>>) target_semaphore(%arg17 : memref<!tpu.dma_semaphore, #tpu.memory_space<semaphore_mem>>)
        %slice3A_110 = vector.extract_strided_slice %get3A_79 {offsets = [1], sizes = [1], strides = [1]} : vector<16xi32> to vector<1xi32>
        %squeeze3A_111 = vector.extract %slice3A_110[0] : i32 from vector<1xi32>
        %slice3A_112 = vector.extract_strided_slice %get3A_86 {offsets = [1], sizes = [1], strides = [1]} : vector<16xi32> to vector<1xi32>
        %squeeze3A_113 = vector.extract %slice3A_112[0] : i32 from vector<1xi32>
        %shift_right_logical3A_114 = arith.constant 3 : i32
        %shift_right_logical3A_115 = arith.shrui %squeeze3A_113, %shift_right_logical3A_114 : i32
        %shift_left3A_116 = arith.constant 3 : i32
        %shift_left3A_117 = arith.shli %shift_right_logical3A_115, %shift_left3A_116 : i32
        %multiple_of3A_118 = tpu.assume_multiple %shift_left3A_117, 8 : i32
        %shift_right_logical3A_119 = arith.constant 7 : i32
        %shift_right_logical3A_120 = arith.shrui %squeeze3A_111, %shift_right_logical3A_119 : i32
        %shift_left3A_121 = arith.constant 7 : i32
        %shift_left3A_122 = arith.shli %shift_right_logical3A_120, %shift_left3A_121 : i32
        %multiple_of3A_123 = tpu.assume_multiple %shift_left3A_122, 128 : i32
        %mul3A_124 = arith.constant 16 : i32
        %mul3A_125 = arith.muli %scan3A_72, %mul3A_124 : i32
        %add3A_126 = arith.constant 1 : i32
        %add3A_127 = arith.addi %mul3A_125, %add3A_126 : i32
        %dma_start3A_128 = arith.constant 1 : i32
        %dma_start3A_129 = arith.constant 0 : i32
        %dma_start3A_130 = arith.constant 0 : i32
        %dma_start3A_131 = tpu.memref_slice %arg11[%dma_start3A_128, %add3A_127, %dma_start3A_129, %dma_start3A_130] : memref<2x32x8x128xf32, #tpu.memory_space<vmem>> -> memref<1x1x8x128xf32, #tpu.memory_space<vmem>>
        %dma_start3A_132 = tpu.memref_squeeze %dma_start3A_131 : memref<1x1x8x128xf32, #tpu.memory_space<vmem>> -> memref<8x128xf32, #tpu.memory_space<vmem>>
        %dma_start3A_133 = tpu.memref_slice %arg6[%multiple_of3A_118, %multiple_of3A_123] : memref<64x1000000xf32, #tpu.memory_space<hbm>> -> memref<8x128xf32, #tpu.memory_space<hbm>>
        %dma_start3A_134 = arith.constant 0 : i32
        %dma_start3A_135 = arith.constant 0 : i32
        %dma_start3A_136 = tpu.memref_slice %arg11[%dma_start3A_128, %add3A_127, %dma_start3A_134, %dma_start3A_135] : memref<2x32x8x128xf32, #tpu.memory_space<vmem>> -> memref<1x1x8x128xf32, #tpu.memory_space<vmem>>
        %dma_start3A_137 = tpu.memref_squeeze %dma_start3A_136 : memref<1x1x8x128xf32, #tpu.memory_space<vmem>> -> memref<8x128xf32, #tpu.memory_space<vmem>>
        %dma_start3A_138 = tpu.memref_slice %arg6[%multiple_of3A_118, %multiple_of3A_123] : memref<64x1000000xf32, #tpu.memory_space<hbm>> -> memref<8x128xf32, #tpu.memory_space<hbm>>
        tpu.enqueue_dma source(%dma_start3A_138 : memref<8x128xf32, #tpu.memory_space<hbm>>) target(%dma_start3A_137 : memref<8x128xf32, #tpu.memory_space<vmem>>) target_semaphore(%arg17 : memref<!tpu.dma_semaphore, #tpu.memory_space<semaphore_mem>>)
        %slice3A_139 = vector.extract_strided_slice %get3A_79 {offsets = [2], sizes = [1], strides = [1]} : vector<16xi32> to vector<1xi32>
        %squeeze3A_140 = vector.extract %slice3A_139[0] : i32 from vector<1xi32>
        %slice3A_141 = vector.extract_strided_slice %get3A_86 {offsets = [2], sizes = [1], strides = [1]} : vector<16xi32> to vector<1xi32>
        %squeeze3A_142 = vector.extract %slice3A_141[0] : i32 from vector<1xi32>
        %shift_right_logical3A_143 = arith.constant 3 : i32
        %shift_right_logical3A_144 = arith.shrui %squeeze3A_142, %shift_right_logical3A_143 : i32
        %shift_left3A_145 = arith.constant 3 : i32
        %shift_left3A_146 = arith.shli %shift_right_logical3A_144, %shift_left3A_145 : i32
        %multiple_of3A_147 = tpu.assume_multiple %shift_left3A_146, 8 : i32
        %shift_right_logical3A_148 = arith.constant 7 : i32
        %shift_right_logical3A_149 = arith.shrui %squeeze3A_140, %shift_right_logical3A_148 : i32
        %shift_left3A_150 = arith.constant 7 : i32
        %shift_left3A_151 = arith.shli %shift_right_logical3A_149, %shift_left3A_150 : i32
        %multiple_of3A_152 = tpu.assume_multiple %shift_left3A_151, 128 : i32
        %mul3A_153 = arith.constant 16 : i32
        %mul3A_154 = arith.muli %scan3A_72, %mul3A_153 : i32
        %add3A_155 = arith.constant 2 : i32
        %add3A_156 = arith.addi %mul3A_154, %add3A_155 : i32
        %dma_start3A_157 = arith.constant 1 : i32
        %dma_start3A_158 = arith.constant 0 : i32
        %dma_start3A_159 = arith.constant 0 : i32
        %dma_start3A_160 = tpu.memref_slice %arg11[%dma_start3A_157, %add3A_156, %dma_start3A_158, %dma_start3A_159] : memref<2x32x8x128xf32, #tpu.memory_space<vmem>> -> memref<1x1x8x128xf32, #tpu.memory_space<vmem>>
        %dma_start3A_161 = tpu.memref_squeeze %dma_start3A_160 : memref<1x1x8x128xf32, #tpu.memory_space<vmem>> -> memref<8x128xf32, #tpu.memory_space<vmem>>
        %dma_start3A_162 = tpu.memref_slice %arg6[%multiple_of3A_147, %multiple_of3A_152] : memref<64x1000000xf32, #tpu.memory_space<hbm>> -> memref<8x128xf32, #tpu.memory_space<hbm>>
        %dma_start3A_163 = arith.constant 0 : i32
        %dma_start3A_164 = arith.constant 0 : i32
        %dma_start3A_165 = tpu.memref_slice %arg11[%dma_start3A_157, %add3A_156, %dma_start3A_163, %dma_start3A_164] : memref<2x32x8x128xf32, #tpu.memory_space<vmem>> -> memref<1x1x8x128xf32, #tpu.memory_space<vmem>>
        %dma_start3A_166 = tpu.memref_squeeze %dma_start3A_165 : memref<1x1x8x128xf32, #tpu.memory_space<vmem>> -> memref<8x128xf32, #tpu.memory_space<vmem>>
        %dma_start3A_167 = tpu.memref_slice %arg6[%multiple_of3A_147, %multiple_of3A_152] : memref<64x1000000xf32, #tpu.memory_space<hbm>> -> memref<8x128xf32, #tpu.memory_space<hbm>>
        tpu.enqueue_dma source(%dma_start3A_167 : memref<8x128xf32, #tpu.memory_space<hbm>>) target(%dma_start3A_166 : memref<8x128xf32, #tpu.memory_space<vmem>>) target_semaphore(%arg17 : memref<!tpu.dma_semaphore, #tpu.memory_space<semaphore_mem>>)
        %slice3A_168 = vector.extract_strided_slice %get3A_79 {offsets = [3], sizes = [1], strides = [1]} : vector<16xi32> to vector<1xi32>
        %squeeze3A_169 = vector.extract %slice3A_168[0] : i32 from vector<1xi32>
        %slice3A_170 = vector.extract_strided_slice %get3A_86 {offsets = [3], sizes = [1], strides = [1]} : vector<16xi32> to vector<1xi32>
        %squeeze3A_171 = vector.extract %slice3A_170[0] : i32 from vector<1xi32>
        %shift_right_logical3A_172 = arith.constant 3 : i32
        %shift_right_logical3A_173 = arith.shrui %squeeze3A_171, %shift_right_logical3A_172 : i32
        %shift_left3A_174 = arith.constant 3 : i32
        %shift_left3A_175 = arith.shli %shift_right_logical3A_173, %shift_left3A_174 : i32
        %multiple_of3A_176 = tpu.assume_multiple %shift_left3A_175, 8 : i32
        %shift_right_logical3A_177 = arith.constant 7 : i32
        %shift_right_logical3A_178 = arith.shrui %squeeze3A_169, %shift_right_logical3A_177 : i32
        %shift_left3A_179 = arith.constant 7 : i32
        %shift_left3A_180 = arith.shli %shift_right_logical3A_178, %shift_left3A_179 : i32
        %multiple_of3A_181 = tpu.assume_multiple %shift_left3A_180, 128 : i32
        %mul3A_182 = arith.constant 16 : i32
        %mul3A_183 = arith.muli %scan3A_72, %mul3A_182 : i32
        %add3A_184 = arith.constant 3 : i32
        %add3A_185 = arith.addi %mul3A_183, %add3A_184 : i32
        %dma_start3A_186 = arith.constant 1 : i32
        %dma_start3A_187 = arith.constant 0 : i32
        %dma_start3A_188 = arith.constant 0 : i32
        %dma_start3A_189 = tpu.memref_slice %arg11[%dma_start3A_186, %add3A_185, %dma_start3A_187, %dma_start3A_188] : memref<2x32x8x128xf32, #tpu.memory_space<vmem>> -> memref<1x1x8x128xf32, #tpu.memory_space<vmem>>
        %dma_start3A_190 = tpu.memref_squeeze %dma_start3A_189 : memref<1x1x8x128xf32, #tpu.memory_space<vmem>> -> memref<8x128xf32, #tpu.memory_space<vmem>>
        %dma_start3A_191 = tpu.memref_slice %arg6[%multiple_of3A_176, %multiple_of3A_181] : memref<64x1000000xf32, #tpu.memory_space<hbm>> -> memref<8x128xf32, #tpu.memory_space<hbm>>
        %dma_start3A_192 = arith.constant 0 : i32
        %dma_start3A_193 = arith.constant 0 : i32
        %dma_start3A_194 = tpu.memref_slice %arg11[%dma_start3A_186, %add3A_185, %dma_start3A_192, %dma_start3A_193] : memref<2x32x8x128xf32, #tpu.memory_space<vmem>> -> memref<1x1x8x128xf32, #tpu.memory_space<vmem>>
        %dma_start3A_195 = tpu.memref_squeeze %dma_start3A_194 : memref<1x1x8x128xf32, #tpu.memory_space<vmem>> -> memref<8x128xf32, #tpu.memory_space<vmem>>
        %dma_start3A_196 = tpu.memref_slice %arg6[%multiple_of3A_176, %multiple_of3A_181] : memref<64x1000000xf32, #tpu.memory_space<hbm>> -> memref<8x128xf32, #tpu.memory_space<hbm>>
        tpu.enqueue_dma source(%dma_start3A_196 : memref<8x128xf32, #tpu.memory_space<hbm>>) target(%dma_start3A_195 : memref<8x128xf32, #tpu.memory_space<vmem>>) target_semaphore(%arg17 : memref<!tpu.dma_semaphore, #tpu.memory_space<semaphore_mem>>)
        %slice3A_197 = vector.extract_strided_slice %get3A_79 {offsets = [4], sizes = [1], strides = [1]} : vector<16xi32> to vector<1xi32>
        %squeeze3A_198 = vector.extract %slice3A_197[0] : i32 from vector<1xi32>
        %slice3A_199 = vector.extract_strided_slice %get3A_86 {offsets = [4], sizes = [1], strides = [1]} : vector<16xi32> to vector<1xi32>
        %squeeze3A_200 = vector.extract %slice3A_199[0] : i32 from vector<1xi32>
        %shift_right_logical3A_201 = arith.constant 3 : i32
        %shift_right_logical3A_202 = arith.shrui %squeeze3A_200, %shift_right_logical3A_201 : i32
        %shift_left3A_203 = arith.constant 3 : i32
        %shift_left3A_204 = arith.shli %shift_right_logical3A_202, %shift_left3A_203 : i32
        %multiple_of3A_205 = tpu.assume_multiple %shift_left3A_204, 8 : i32
        %shift_right_logical3A_206 = arith.constant 7 : i32
        %shift_right_logical3A_207 = arith.shrui %squeeze3A_198, %shift_right_logical3A_206 : i32
        %shift_left3A_208 = arith.constant 7 : i32
        %shift_left3A_209 = arith.shli %shift_right_logical3A_207, %shift_left3A_208 : i32
        %multiple_of3A_210 = tpu.assume_multiple %shift_left3A_209, 128 : i32
        %mul3A_211 = arith.constant 16 : i32
        %mul3A_212 = arith.muli %scan3A_72, %mul3A_211 : i32
        %add3A_213 = arith.constant 4 : i32
        %add3A_214 = arith.addi %mul3A_212, %add3A_213 : i32
        %dma_start3A_215 = arith.constant 1 : i32
        %dma_start3A_216 = arith.constant 0 : i32
        %dma_start3A_217 = arith.constant 0 : i32
        %dma_start3A_218 = tpu.memref_slice %arg11[%dma_start3A_215, %add3A_214, %dma_start3A_216, %dma_start3A_217] : memref<2x32x8x128xf32, #tpu.memory_space<vmem>> -> memref<1x1x8x128xf32, #tpu.memory_space<vmem>>
        %dma_start3A_219 = tpu.memref_squeeze %dma_start3A_218 : memref<1x1x8x128xf32, #tpu.memory_space<vmem>> -> memref<8x128xf32, #tpu.memory_space<vmem>>
        %dma_start3A_220 = tpu.memref_slice %arg6[%multiple_of3A_205, %multiple_of3A_210] : memref<64x1000000xf32, #tpu.memory_space<hbm>> -> memref<8x128xf32, #tpu.memory_space<hbm>>
        %dma_start3A_221 = arith.constant 0 : i32
        %dma_start3A_222 = arith.constant 0 : i32
        %dma_start3A_223 = tpu.memref_slice %arg11[%dma_start3A_215, %add3A_214, %dma_start3A_221, %dma_start3A_222] : memref<2x32x8x128xf32, #tpu.memory_space<vmem>> -> memref<1x1x8x128xf32, #tpu.memory_space<vmem>>
        %dma_start3A_224 = tpu.memref_squeeze %dma_start3A_223 : memref<1x1x8x128xf32, #tpu.memory_space<vmem>> -> memref<8x128xf32, #tpu.memory_space<vmem>>
        %dma_start3A_225 = tpu.memref_slice %arg6[%multiple_of3A_205, %multiple_of3A_210] : memref<64x1000000xf32, #tpu.memory_space<hbm>> -> memref<8x128xf32, #tpu.memory_space<hbm>>
        tpu.enqueue_dma source(%dma_start3A_225 : memref<8x128xf32, #tpu.memory_space<hbm>>) target(%dma_start3A_224 : memref<8x128xf32, #tpu.memory_space<vmem>>) target_semaphore(%arg17 : memref<!tpu.dma_semaphore, #tpu.memory_space<semaphore_mem>>)
        %slice3A_226 = vector.extract_strided_slice %get3A_79 {offsets = [5], sizes = [1], strides = [1]} : vector<16xi32> to vector<1xi32>
        %squeeze3A_227 = vector.extract %slice3A_226[0] : i32 from vector<1xi32>
        %slice3A_228 = vector.extract_strided_slice %get3A_86 {offsets = [5], sizes = [1], strides = [1]} : vector<16xi32> to vector<1xi32>
        %squeeze3A_229 = vector.extract %slice3A_228[0] : i32 from vector<1xi32>
        %shift_right_logical3A_230 = arith.constant 3 : i32
        %shift_right_logical3A_231 = arith.shrui %squeeze3A_229, %shift_right_logical3A_230 : i32
        %shift_left3A_232 = arith.constant 3 : i32
        %shift_left3A_233 = arith.shli %shift_right_logical3A_231, %shift_left3A_232 : i32
        %multiple_of3A_234 = tpu.assume_multiple %shift_left3A_233, 8 : i32
        %shift_right_logical3A_235 = arith.constant 7 : i32
        %shift_right_logical3A_236 = arith.shrui %squeeze3A_227, %shift_right_logical3A_235 : i32
        %shift_left3A_237 = arith.constant 7 : i32
        %shift_left3A_238 = arith.shli %shift_right_logical3A_236, %shift_left3A_237 : i32
        %multiple_of3A_239 = tpu.assume_multiple %shift_left3A_238, 128 : i32
        %mul3A_240 = arith.constant 16 : i32
        %mul3A_241 = arith.muli %scan3A_72, %mul3A_240 : i32
        %add3A_242 = arith.constant 5 : i32
        %add3A_243 = arith.addi %mul3A_241, %add3A_242 : i32
        %dma_start3A_244 = arith.constant 1 : i32
        %dma_start3A_245 = arith.constant 0 : i32
        %dma_start3A_246 = arith.constant 0 : i32
        %dma_start3A_247 = tpu.memref_slice %arg11[%dma_start3A_244, %add3A_243, %dma_start3A_245, %dma_start3A_246] : memref<2x32x8x128xf32, #tpu.memory_space<vmem>> -> memref<1x1x8x128xf32, #tpu.memory_space<vmem>>
        %dma_start3A_248 = tpu.memref_squeeze %dma_start3A_247 : memref<1x1x8x128xf32, #tpu.memory_space<vmem>> -> memref<8x128xf32, #tpu.memory_space<vmem>>
        %dma_start3A_249 = tpu.memref_slice %arg6[%multiple_of3A_234, %multiple_of3A_239] : memref<64x1000000xf32, #tpu.memory_space<hbm>> -> memref<8x128xf32, #tpu.memory_space<hbm>>
        %dma_start3A_250 = arith.constant 0 : i32
        %dma_start3A_251 = arith.constant 0 : i32
        %dma_start3A_252 = tpu.memref_slice %arg11[%dma_start3A_244, %add3A_243, %dma_start3A_250, %dma_start3A_251] : memref<2x32x8x128xf32, #tpu.memory_space<vmem>> -> memref<1x1x8x128xf32, #tpu.memory_space<vmem>>
        %dma_start3A_253 = tpu.memref_squeeze %dma_start3A_252 : memref<1x1x8x128xf32, #tpu.memory_space<vmem>> -> memref<8x128xf32, #tpu.memory_space<vmem>>
        %dma_start3A_254 = tpu.memref_slice %arg6[%multiple_of3A_234, %multiple_of3A_239] : memref<64x1000000xf32, #tpu.memory_space<hbm>> -> memref<8x128xf32, #tpu.memory_space<hbm>>
        tpu.enqueue_dma source(%dma_start3A_254 : memref<8x128xf32, #tpu.memory_space<hbm>>) target(%dma_start3A_253 : memref<8x128xf32, #tpu.memory_space<vmem>>) target_semaphore(%arg17 : memref<!tpu.dma_semaphore, #tpu.memory_space<semaphore_mem>>)
        %slice3A_255 = vector.extract_strided_slice %get3A_79 {offsets = [6], sizes = [1], strides = [1]} : vector<16xi32> to vector<1xi32>
        %squeeze3A_256 = vector.extract %slice3A_255[0] : i32 from vector<1xi32>
        %slice3A_257 = vector.extract_strided_slice %get3A_86 {offsets = [6], sizes = [1], strides = [1]} : vector<16xi32> to vector<1xi32>
        %squeeze3A_258 = vector.extract %slice3A_257[0] : i32 from vector<1xi32>
        %shift_right_logical3A_259 = arith.constant 3 : i32
        %shift_right_logical3A_260 = arith.shrui %squeeze3A_258, %shift_right_logical3A_259 : i32
        %shift_left3A_261 = arith.constant 3 : i32
        %shift_left3A_262 = arith.shli %shift_right_logical3A_260, %shift_left3A_261 : i32
        %multiple_of3A_263 = tpu.assume_multiple %shift_left3A_262, 8 : i32
        %shift_right_logical3A_264 = arith.constant 7 : i32
        %shift_right_logical3A_265 = arith.shrui %squeeze3A_256, %shift_right_logical3A_264 : i32
        %shift_left3A_266 = arith.constant 7 : i32
        %shift_left3A_267 = arith.shli %shift_right_logical3A_265, %shift_left3A_266 : i32
        %multiple_of3A_268 = tpu.assume_multiple %shift_left3A_267, 128 : i32
        %mul3A_269 = arith.constant 16 : i32
        %mul3A_270 = arith.muli %scan3A_72, %mul3A_269 : i32
        %add3A_271 = arith.constant 6 : i32
        %add3A_272 = arith.addi %mul3A_270, %add3A_271 : i32
        %dma_start3A_273 = arith.constant 1 : i32
        %dma_start3A_274 = arith.constant 0 : i32
        %dma_start3A_275 = arith.constant 0 : i32
        %dma_start3A_276 = tpu.memref_slice %arg11[%dma_start3A_273, %add3A_272, %dma_start3A_274, %dma_start3A_275] : memref<2x32x8x128xf32, #tpu.memory_space<vmem>> -> memref<1x1x8x128xf32, #tpu.memory_space<vmem>>
        %dma_start3A_277 = tpu.memref_squeeze %dma_start3A_276 : memref<1x1x8x128xf32, #tpu.memory_space<vmem>> -> memref<8x128xf32, #tpu.memory_space<vmem>>
        %dma_start3A_278 = tpu.memref_slice %arg6[%multiple_of3A_263, %multiple_of3A_268] : memref<64x1000000xf32, #tpu.memory_space<hbm>> -> memref<8x128xf32, #tpu.memory_space<hbm>>
        %dma_start3A_279 = arith.constant 0 : i32
        %dma_start3A_280 = arith.constant 0 : i32
        %dma_start3A_281 = tpu.memref_slice %arg11[%dma_start3A_273, %add3A_272, %dma_start3A_279, %dma_start3A_280] : memref<2x32x8x128xf32, #tpu.memory_space<vmem>> -> memref<1x1x8x128xf32, #tpu.memory_space<vmem>>
        %dma_start3A_282 = tpu.memref_squeeze %dma_start3A_281 : memref<1x1x8x128xf32, #tpu.memory_space<vmem>> -> memref<8x128xf32, #tpu.memory_space<vmem>>
        %dma_start3A_283 = tpu.memref_slice %arg6[%multiple_of3A_263, %multiple_of3A_268] : memref<64x1000000xf32, #tpu.memory_space<hbm>> -> memref<8x128xf32, #tpu.memory_space<hbm>>
        tpu.enqueue_dma source(%dma_start3A_283 : memref<8x128xf32, #tpu.memory_space<hbm>>) target(%dma_start3A_282 : memref<8x128xf32, #tpu.memory_space<vmem>>) target_semaphore(%arg17 : memref<!tpu.dma_semaphore, #tpu.memory_space<semaphore_mem>>)
        %slice3A_284 = vector.extract_strided_slice %get3A_79 {offsets = [7], sizes = [1], strides = [1]} : vector<16xi32> to vector<1xi32>
        %squeeze3A_285 = vector.extract %slice3A_284[0] : i32 from vector<1xi32>
        %slice3A_286 = vector.extract_strided_slice %get3A_86 {offsets = [7], sizes = [1], strides = [1]} : vector<16xi32> to vector<1xi32>
        %squeeze3A_287 = vector.extract %slice3A_286[0] : i32 from vector<1xi32>
        %shift_right_logical3A_288 = arith.constant 3 : i32
        %shift_right_logical3A_289 = arith.shrui %squeeze3A_287, %shift_right_logical3A_288 : i32
        %shift_left3A_290 = arith.constant 3 : i32
        %shift_left3A_291 = arith.shli %shift_right_logical3A_289, %shift_left3A_290 : i32
        %multiple_of3A_292 = tpu.assume_multiple %shift_left3A_291, 8 : i32
        %shift_right_logical3A_293 = arith.constant 7 : i32
        %shift_right_logical3A_294 = arith.shrui %squeeze3A_285, %shift_right_logical3A_293 : i32
        %shift_left3A_295 = arith.constant 7 : i32
        %shift_left3A_296 = arith.shli %shift_right_logical3A_294, %shift_left3A_295 : i32
        %multiple_of3A_297 = tpu.assume_multiple %shift_left3A_296, 128 : i32
        %mul3A_298 = arith.constant 16 : i32
        %mul3A_299 = arith.muli %scan3A_72, %mul3A_298 : i32
        %add3A_300 = arith.constant 7 : i32
        %add3A_301 = arith.addi %mul3A_299, %add3A_300 : i32
        %dma_start3A_302 = arith.constant 1 : i32
        %dma_start3A_303 = arith.constant 0 : i32
        %dma_start3A_304 = arith.constant 0 : i32
        %dma_start3A_305 = tpu.memref_slice %arg11[%dma_start3A_302, %add3A_301, %dma_start3A_303, %dma_start3A_304] : memref<2x32x8x128xf32, #tpu.memory_space<vmem>> -> memref<1x1x8x128xf32, #tpu.memory_space<vmem>>
        %dma_start3A_306 = tpu.memref_squeeze %dma_start3A_305 : memref<1x1x8x128xf32, #tpu.memory_space<vmem>> -> memref<8x128xf32, #tpu.memory_space<vmem>>
        %dma_start3A_307 = tpu.memref_slice %arg6[%multiple_of3A_292, %multiple_of3A_297] : memref<64x1000000xf32, #tpu.memory_space<hbm>> -> memref<8x128xf32, #tpu.memory_space<hbm>>
        %dma_start3A_308 = arith.constant 0 : i32
        %dma_start3A_309 = arith.constant 0 : i32
        %dma_start3A_310 = tpu.memref_slice %arg11[%dma_start3A_302, %add3A_301, %dma_start3A_308, %dma_start3A_309] : memref<2x32x8x128xf32, #tpu.memory_space<vmem>> -> memref<1x1x8x128xf32, #tpu.memory_space<vmem>>
        %dma_start3A_311 = tpu.memref_squeeze %dma_start3A_310 : memref<1x1x8x128xf32, #tpu.memory_space<vmem>> -> memref<8x128xf32, #tpu.memory_space<vmem>>
        %dma_start3A_312 = tpu.memref_slice %arg6[%multiple_of3A_292, %multiple_of3A_297] : memref<64x1000000xf32, #tpu.memory_space<hbm>> -> memref<8x128xf32, #tpu.memory_space<hbm>>
        tpu.enqueue_dma source(%dma_start3A_312 : memref<8x128xf32, #tpu.memory_space<hbm>>) target(%dma_start3A_311 : memref<8x128xf32, #tpu.memory_space<vmem>>) target_semaphore(%arg17 : memref<!tpu.dma_semaphore, #tpu.memory_space<semaphore_mem>>)
        %slice3A_313 = vector.extract_strided_slice %get3A_79 {offsets = [8], sizes = [1], strides = [1]} : vector<16xi32> to vector<1xi32>
        %squeeze3A_314 = vector.extract %slice3A_313[0] : i32 from vector<1xi32>
        %slice3A_315 = vector.extract_strided_slice %get3A_86 {offsets = [8], sizes = [1], strides = [1]} : vector<16xi32> to vector<1xi32>
        %squeeze3A_316 = vector.extract %slice3A_315[0] : i32 from vector<1xi32>
        %shift_right_logical3A_317 = arith.constant 3 : i32
        %shift_right_logical3A_318 = arith.shrui %squeeze3A_316, %shift_right_logical3A_317 : i32
        %shift_left3A_319 = arith.constant 3 : i32
        %shift_left3A_320 = arith.shli %shift_right_logical3A_318, %shift_left3A_319 : i32
        %multiple_of3A_321 = tpu.assume_multiple %shift_left3A_320, 8 : i32
        %shift_right_logical3A_322 = arith.constant 7 : i32
        %shift_right_logical3A_323 = arith.shrui %squeeze3A_314, %shift_right_logical3A_322 : i32
        %shift_left3A_324 = arith.constant 7 : i32
        %shift_left3A_325 = arith.shli %shift_right_logical3A_323, %shift_left3A_324 : i32
        %multiple_of3A_326 = tpu.assume_multiple %shift_left3A_325, 128 : i32
        %mul3A_327 = arith.constant 16 : i32
        %mul3A_328 = arith.muli %scan3A_72, %mul3A_327 : i32
        %add3A_329 = arith.constant 8 : i32
        %add3A_330 = arith.addi %mul3A_328, %add3A_329 : i32
        %dma_start3A_331 = arith.constant 1 : i32
        %dma_start3A_332 = arith.constant 0 : i32
        %dma_start3A_333 = arith.constant 0 : i32
        %dma_start3A_334 = tpu.memref_slice %arg11[%dma_start3A_331, %add3A_330, %dma_start3A_332, %dma_start3A_333] : memref<2x32x8x128xf32, #tpu.memory_space<vmem>> -> memref<1x1x8x128xf32, #tpu.memory_space<vmem>>
        %dma_start3A_335 = tpu.memref_squeeze %dma_start3A_334 : memref<1x1x8x128xf32, #tpu.memory_space<vmem>> -> memref<8x128xf32, #tpu.memory_space<vmem>>
        %dma_start3A_336 = tpu.memref_slice %arg6[%multiple_of3A_321, %multiple_of3A_326] : memref<64x1000000xf32, #tpu.memory_space<hbm>> -> memref<8x128xf32, #tpu.memory_space<hbm>>
        %dma_start3A_337 = arith.constant 0 : i32
        %dma_start3A_338 = arith.constant 0 : i32
        %dma_start3A_339 = tpu.memref_slice %arg11[%dma_start3A_331, %add3A_330, %dma_start3A_337, %dma_start3A_338] : memref<2x32x8x128xf32, #tpu.memory_space<vmem>> -> memref<1x1x8x128xf32, #tpu.memory_space<vmem>>
        %dma_start3A_340 = tpu.memref_squeeze %dma_start3A_339 : memref<1x1x8x128xf32, #tpu.memory_space<vmem>> -> memref<8x128xf32, #tpu.memory_space<vmem>>
        %dma_start3A_341 = tpu.memref_slice %arg6[%multiple_of3A_321, %multiple_of3A_326] : memref<64x1000000xf32, #tpu.memory_space<hbm>> -> memref<8x128xf32, #tpu.memory_space<hbm>>
        tpu.enqueue_dma source(%dma_start3A_341 : memref<8x128xf32, #tpu.memory_space<hbm>>) target(%dma_start3A_340 : memref<8x128xf32, #tpu.memory_space<vmem>>) target_semaphore(%arg17 : memref<!tpu.dma_semaphore, #tpu.memory_space<semaphore_mem>>)
        %slice3A_342 = vector.extract_strided_slice %get3A_79 {offsets = [9], sizes = [1], strides = [1]} : vector<16xi32> to vector<1xi32>
        %squeeze3A_343 = vector.extract %slice3A_342[0] : i32 from vector<1xi32>
        %slice3A_344 = vector.extract_strided_slice %get3A_86 {offsets = [9], sizes = [1], strides = [1]} : vector<16xi32> to vector<1xi32>
        %squeeze3A_345 = vector.extract %slice3A_344[0] : i32 from vector<1xi32>
        %shift_right_logical3A_346 = arith.constant 3 : i32
        %shift_right_logical3A_347 = arith.shrui %squeeze3A_345, %shift_right_logical3A_346 : i32
        %shift_left3A_348 = arith.constant 3 : i32
        %shift_left3A_349 = arith.shli %shift_right_logical3A_347, %shift_left3A_348 : i32
        %multiple_of3A_350 = tpu.assume_multiple %shift_left3A_349, 8 : i32
        %shift_right_logical3A_351 = arith.constant 7 : i32
        %shift_right_logical3A_352 = arith.shrui %squeeze3A_343, %shift_right_logical3A_351 : i32
        %shift_left3A_353 = arith.constant 7 : i32
        %shift_left3A_354 = arith.shli %shift_right_logical3A_352, %shift_left3A_353 : i32
        %multiple_of3A_355 = tpu.assume_multiple %shift_left3A_354, 128 : i32
        %mul3A_356 = arith.constant 16 : i32
        %mul3A_357 = arith.muli %scan3A_72, %mul3A_356 : i32
        %add3A_358 = arith.constant 9 : i32
        %add3A_359 = arith.addi %mul3A_357, %add3A_358 : i32
        %dma_start3A_360 = arith.constant 1 : i32
        %dma_start3A_361 = arith.constant 0 : i32
        %dma_start3A_362 = arith.constant 0 : i32
        %dma_start3A_363 = tpu.memref_slice %arg11[%dma_start3A_360, %add3A_359, %dma_start3A_361, %dma_start3A_362] : memref<2x32x8x128xf32, #tpu.memory_space<vmem>> -> memref<1x1x8x128xf32, #tpu.memory_space<vmem>>
        %dma_start3A_364 = tpu.memref_squeeze %dma_start3A_363 : memref<1x1x8x128xf32, #tpu.memory_space<vmem>> -> memref<8x128xf32, #tpu.memory_space<vmem>>
        %dma_start3A_365 = tpu.memref_slice %arg6[%multiple_of3A_350, %multiple_of3A_355] : memref<64x1000000xf32, #tpu.memory_space<hbm>> -> memref<8x128xf32, #tpu.memory_space<hbm>>
        %dma_start3A_366 = arith.constant 0 : i32
        %dma_start3A_367 = arith.constant 0 : i32
        %dma_start3A_368 = tpu.memref_slice %arg11[%dma_start3A_360, %add3A_359, %dma_start3A_366, %dma_start3A_367] : memref<2x32x8x128xf32, #tpu.memory_space<vmem>> -> memref<1x1x8x128xf32, #tpu.memory_space<vmem>>
        %dma_start3A_369 = tpu.memref_squeeze %dma_start3A_368 : memref<1x1x8x128xf32, #tpu.memory_space<vmem>> -> memref<8x128xf32, #tpu.memory_space<vmem>>
        %dma_start3A_370 = tpu.memref_slice %arg6[%multiple_of3A_350, %multiple_of3A_355] : memref<64x1000000xf32, #tpu.memory_space<hbm>> -> memref<8x128xf32, #tpu.memory_space<hbm>>
        tpu.enqueue_dma source(%dma_start3A_370 : memref<8x128xf32, #tpu.memory_space<hbm>>) target(%dma_start3A_369 : memref<8x128xf32, #tpu.memory_space<vmem>>) target_semaphore(%arg17 : memref<!tpu.dma_semaphore, #tpu.memory_space<semaphore_mem>>)
        %slice3A_371 = vector.extract_strided_slice %get3A_79 {offsets = [10], sizes = [1], strides = [1]} : vector<16xi32> to vector<1xi32>
        %squeeze3A_372 = vector.extract %slice3A_371[0] : i32 from vector<1xi32>
        %slice3A_373 = vector.extract_strided_slice %get3A_86 {offsets = [10], sizes = [1], strides = [1]} : vector<16xi32> to vector<1xi32>
        %squeeze3A_374 = vector.extract %slice3A_373[0] : i32 from vector<1xi32>
        %shift_right_logical3A_375 = arith.constant 3 : i32
        %shift_right_logical3A_376 = arith.shrui %squeeze3A_374, %shift_right_logical3A_375 : i32
        %shift_left3A_377 = arith.constant 3 : i32
        %shift_left3A_378 = arith.shli %shift_right_logical3A_376, %shift_left3A_377 : i32
        %multiple_of3A_379 = tpu.assume_multiple %shift_left3A_378, 8 : i32
        %shift_right_logical3A_380 = arith.constant 7 : i32
        %shift_right_logical3A_381 = arith.shrui %squeeze3A_372, %shift_right_logical3A_380 : i32
        %shift_left3A_382 = arith.constant 7 : i32
        %shift_left3A_383 = arith.shli %shift_right_logical3A_381, %shift_left3A_382 : i32
        %multiple_of3A_384 = tpu.assume_multiple %shift_left3A_383, 128 : i32
        %mul3A_385 = arith.constant 16 : i32
        %mul3A_386 = arith.muli %scan3A_72, %mul3A_385 : i32
        %add3A_387 = arith.constant 10 : i32
        %add3A_388 = arith.addi %mul3A_386, %add3A_387 : i32
        %dma_start3A_389 = arith.constant 1 : i32
        %dma_start3A_390 = arith.constant 0 : i32
        %dma_start3A_391 = arith.constant 0 : i32
        %dma_start3A_392 = tpu.memref_slice %arg11[%dma_start3A_389, %add3A_388, %dma_start3A_390, %dma_start3A_391] : memref<2x32x8x128xf32, #tpu.memory_space<vmem>> -> memref<1x1x8x128xf32, #tpu.memory_space<vmem>>
        %dma_start3A_393 = tpu.memref_squeeze %dma_start3A_392 : memref<1x1x8x128xf32, #tpu.memory_space<vmem>> -> memref<8x128xf32, #tpu.memory_space<vmem>>
        %dma_start3A_394 = tpu.memref_slice %arg6[%multiple_of3A_379, %multiple_of3A_384] : memref<64x1000000xf32, #tpu.memory_space<hbm>> -> memref<8x128xf32, #tpu.memory_space<hbm>>
        %dma_start3A_395 = arith.constant 0 : i32
        %dma_start3A_396 = arith.constant 0 : i32
        %dma_start3A_397 = tpu.memref_slice %arg11[%dma_start3A_389, %add3A_388, %dma_start3A_395, %dma_start3A_396] : memref<2x32x8x128xf32, #tpu.memory_space<vmem>> -> memref<1x1x8x128xf32, #tpu.memory_space<vmem>>
        %dma_start3A_398 = tpu.memref_squeeze %dma_start3A_397 : memref<1x1x8x128xf32, #tpu.memory_space<vmem>> -> memref<8x128xf32, #tpu.memory_space<vmem>>
        %dma_start3A_399 = tpu.memref_slice %arg6[%multiple_of3A_379, %multiple_of3A_384] : memref<64x1000000xf32, #tpu.memory_space<hbm>> -> memref<8x128xf32, #tpu.memory_space<hbm>>
        tpu.enqueue_dma source(%dma_start3A_399 : memref<8x128xf32, #tpu.memory_space<hbm>>) target(%dma_start3A_398 : memref<8x128xf32, #tpu.memory_space<vmem>>) target_semaphore(%arg17 : memref<!tpu.dma_semaphore, #tpu.memory_space<semaphore_mem>>)
        %slice3A_400 = vector.extract_strided_slice %get3A_79 {offsets = [11], sizes = [1], strides = [1]} : vector<16xi32> to vector<1xi32>
        %squeeze3A_401 = vector.extract %slice3A_400[0] : i32 from vector<1xi32>
        %slice3A_402 = vector.extract_strided_slice %get3A_86 {offsets = [11], sizes = [1], strides = [1]} : vector<16xi32> to vector<1xi32>
        %squeeze3A_403 = vector.extract %slice3A_402[0] : i32 from vector<1xi32>
        %shift_right_logical3A_404 = arith.constant 3 : i32
        %shift_right_logical3A_405 = arith.shrui %squeeze3A_403, %shift_right_logical3A_404 : i32
        %shift_left3A_406 = arith.constant 3 : i32
        %shift_left3A_407 = arith.shli %shift_right_logical3A_405, %shift_left3A_406 : i32
        %multiple_of3A_408 = tpu.assume_multiple %shift_left3A_407, 8 : i32
        %shift_right_logical3A_409 = arith.constant 7 : i32
        %shift_right_logical3A_410 = arith.shrui %squeeze3A_401, %shift_right_logical3A_409 : i32
        %shift_left3A_411 = arith.constant 7 : i32
        %shift_left3A_412 = arith.shli %shift_right_logical3A_410, %shift_left3A_411 : i32
        %multiple_of3A_413 = tpu.assume_multiple %shift_left3A_412, 128 : i32
        %mul3A_414 = arith.constant 16 : i32
        %mul3A_415 = arith.muli %scan3A_72, %mul3A_414 : i32
        %add3A_416 = arith.constant 11 : i32
        %add3A_417 = arith.addi %mul3A_415, %add3A_416 : i32
        %dma_start3A_418 = arith.constant 1 : i32
        %dma_start3A_419 = arith.constant 0 : i32
        %dma_start3A_420 = arith.constant 0 : i32
        %dma_start3A_421 = tpu.memref_slice %arg11[%dma_start3A_418, %add3A_417, %dma_start3A_419, %dma_start3A_420] : memref<2x32x8x128xf32, #tpu.memory_space<vmem>> -> memref<1x1x8x128xf32, #tpu.memory_space<vmem>>
        %dma_start3A_422 = tpu.memref_squeeze %dma_start3A_421 : memref<1x1x8x128xf32, #tpu.memory_space<vmem>> -> memref<8x128xf32, #tpu.memory_space<vmem>>
        %dma_start3A_423 = tpu.memref_slice %arg6[%multiple_of3A_408, %multiple_of3A_413] : memref<64x1000000xf32, #tpu.memory_space<hbm>> -> memref<8x128xf32, #tpu.memory_space<hbm>>
        %dma_start3A_424 = arith.constant 0 : i32
        %dma_start3A_425 = arith.constant 0 : i32
        %dma_start3A_426 = tpu.memref_slice %arg11[%dma_start3A_418, %add3A_417, %dma_start3A_424, %dma_start3A_425] : memref<2x32x8x128xf32, #tpu.memory_space<vmem>> -> memref<1x1x8x128xf32, #tpu.memory_space<vmem>>
        %dma_start3A_427 = tpu.memref_squeeze %dma_start3A_426 : memref<1x1x8x128xf32, #tpu.memory_space<vmem>> -> memref<8x128xf32, #tpu.memory_space<vmem>>
        %dma_start3A_428 = tpu.memref_slice %arg6[%multiple_of3A_408, %multiple_of3A_413] : memref<64x1000000xf32, #tpu.memory_space<hbm>> -> memref<8x128xf32, #tpu.memory_space<hbm>>
        tpu.enqueue_dma source(%dma_start3A_428 : memref<8x128xf32, #tpu.memory_space<hbm>>) target(%dma_start3A_427 : memref<8x128xf32, #tpu.memory_space<vmem>>) target_semaphore(%arg17 : memref<!tpu.dma_semaphore, #tpu.memory_space<semaphore_mem>>)
        %slice3A_429 = vector.extract_strided_slice %get3A_79 {offsets = [12], sizes = [1], strides = [1]} : vector<16xi32> to vector<1xi32>
        %squeeze3A_430 = vector.extract %slice3A_429[0] : i32 from vector<1xi32>
        %slice3A_431 = vector.extract_strided_slice %get3A_86 {offsets = [12], sizes = [1], strides = [1]} : vector<16xi32> to vector<1xi32>
        %squeeze3A_432 = vector.extract %slice3A_431[0] : i32 from vector<1xi32>
        %shift_right_logical3A_433 = arith.constant 3 : i32
        %shift_right_logical3A_434 = arith.shrui %squeeze3A_432, %shift_right_logical3A_433 : i32
        %shift_left3A_435 = arith.constant 3 : i32
        %shift_left3A_436 = arith.shli %shift_right_logical3A_434, %shift_left3A_435 : i32
        %multiple_of3A_437 = tpu.assume_multiple %shift_left3A_436, 8 : i32
        %shift_right_logical3A_438 = arith.constant 7 : i32
        %shift_right_logical3A_439 = arith.shrui %squeeze3A_430, %shift_right_logical3A_438 : i32
        %shift_left3A_440 = arith.constant 7 : i32
        %shift_left3A_441 = arith.shli %shift_right_logical3A_439, %shift_left3A_440 : i32
        %multiple_of3A_442 = tpu.assume_multiple %shift_left3A_441, 128 : i32
        %mul3A_443 = arith.constant 16 : i32
        %mul3A_444 = arith.muli %scan3A_72, %mul3A_443 : i32
        %add3A_445 = arith.constant 12 : i32
        %add3A_446 = arith.addi %mul3A_444, %add3A_445 : i32
        %dma_start3A_447 = arith.constant 1 : i32
        %dma_start3A_448 = arith.constant 0 : i32
        %dma_start3A_449 = arith.constant 0 : i32
        %dma_start3A_450 = tpu.memref_slice %arg11[%dma_start3A_447, %add3A_446, %dma_start3A_448, %dma_start3A_449] : memref<2x32x8x128xf32, #tpu.memory_space<vmem>> -> memref<1x1x8x128xf32, #tpu.memory_space<vmem>>
        %dma_start3A_451 = tpu.memref_squeeze %dma_start3A_450 : memref<1x1x8x128xf32, #tpu.memory_space<vmem>> -> memref<8x128xf32, #tpu.memory_space<vmem>>
        %dma_start3A_452 = tpu.memref_slice %arg6[%multiple_of3A_437, %multiple_of3A_442] : memref<64x1000000xf32, #tpu.memory_space<hbm>> -> memref<8x128xf32, #tpu.memory_space<hbm>>
        %dma_start3A_453 = arith.constant 0 : i32
        %dma_start3A_454 = arith.constant 0 : i32
        %dma_start3A_455 = tpu.memref_slice %arg11[%dma_start3A_447, %add3A_446, %dma_start3A_453, %dma_start3A_454] : memref<2x32x8x128xf32, #tpu.memory_space<vmem>> -> memref<1x1x8x128xf32, #tpu.memory_space<vmem>>
        %dma_start3A_456 = tpu.memref_squeeze %dma_start3A_455 : memref<1x1x8x128xf32, #tpu.memory_space<vmem>> -> memref<8x128xf32, #tpu.memory_space<vmem>>
        %dma_start3A_457 = tpu.memref_slice %arg6[%multiple_of3A_437, %multiple_of3A_442] : memref<64x1000000xf32, #tpu.memory_space<hbm>> -> memref<8x128xf32, #tpu.memory_space<hbm>>
        tpu.enqueue_dma source(%dma_start3A_457 : memref<8x128xf32, #tpu.memory_space<hbm>>) target(%dma_start3A_456 : memref<8x128xf32, #tpu.memory_space<vmem>>) target_semaphore(%arg17 : memref<!tpu.dma_semaphore, #tpu.memory_space<semaphore_mem>>)
        %slice3A_458 = vector.extract_strided_slice %get3A_79 {offsets = [13], sizes = [1], strides = [1]} : vector<16xi32> to vector<1xi32>
        %squeeze3A_459 = vector.extract %slice3A_458[0] : i32 from vector<1xi32>
        %slice3A_460 = vector.extract_strided_slice %get3A_86 {offsets = [13], sizes = [1], strides = [1]} : vector<16xi32> to vector<1xi32>
        %squeeze3A_461 = vector.extract %slice3A_460[0] : i32 from vector<1xi32>
        %shift_right_logical3A_462 = arith.constant 3 : i32
        %shift_right_logical3A_463 = arith.shrui %squeeze3A_461, %shift_right_logical3A_462 : i32
        %shift_left3A_464 = arith.constant 3 : i32
        %shift_left3A_465 = arith.shli %shift_right_logical3A_463, %shift_left3A_464 : i32
        %multiple_of3A_466 = tpu.assume_multiple %shift_left3A_465, 8 : i32
        %shift_right_logical3A_467 = arith.constant 7 : i32
        %shift_right_logical3A_468 = arith.shrui %squeeze3A_459, %shift_right_logical3A_467 : i32
        %shift_left3A_469 = arith.constant 7 : i32
        %shift_left3A_470 = arith.shli %shift_right_logical3A_468, %shift_left3A_469 : i32
        %multiple_of3A_471 = tpu.assume_multiple %shift_left3A_470, 128 : i32
        %mul3A_472 = arith.constant 16 : i32
        %mul3A_473 = arith.muli %scan3A_72, %mul3A_472 : i32
        %add3A_474 = arith.constant 13 : i32
        %add3A_475 = arith.addi %mul3A_473, %add3A_474 : i32
        %dma_start3A_476 = arith.constant 1 : i32
        %dma_start3A_477 = arith.constant 0 : i32
        %dma_start3A_478 = arith.constant 0 : i32
        %dma_start3A_479 = tpu.memref_slice %arg11[%dma_start3A_476, %add3A_475, %dma_start3A_477, %dma_start3A_478] : memref<2x32x8x128xf32, #tpu.memory_space<vmem>> -> memref<1x1x8x128xf32, #tpu.memory_space<vmem>>
        %dma_start3A_480 = tpu.memref_squeeze %dma_start3A_479 : memref<1x1x8x128xf32, #tpu.memory_space<vmem>> -> memref<8x128xf32, #tpu.memory_space<vmem>>
        %dma_start3A_481 = tpu.memref_slice %arg6[%multiple_of3A_466, %multiple_of3A_471] : memref<64x1000000xf32, #tpu.memory_space<hbm>> -> memref<8x128xf32, #tpu.memory_space<hbm>>
        %dma_start3A_482 = arith.constant 0 : i32
        %dma_start3A_483 = arith.constant 0 : i32
        %dma_start3A_484 = tpu.memref_slice %arg11[%dma_start3A_476, %add3A_475, %dma_start3A_482, %dma_start3A_483] : memref<2x32x8x128xf32, #tpu.memory_space<vmem>> -> memref<1x1x8x128xf32, #tpu.memory_space<vmem>>
        %dma_start3A_485 = tpu.memref_squeeze %dma_start3A_484 : memref<1x1x8x128xf32, #tpu.memory_space<vmem>> -> memref<8x128xf32, #tpu.memory_space<vmem>>
        %dma_start3A_486 = tpu.memref_slice %arg6[%multiple_of3A_466, %multiple_of3A_471] : memref<64x1000000xf32, #tpu.memory_space<hbm>> -> memref<8x128xf32, #tpu.memory_space<hbm>>
        tpu.enqueue_dma source(%dma_start3A_486 : memref<8x128xf32, #tpu.memory_space<hbm>>) target(%dma_start3A_485 : memref<8x128xf32, #tpu.memory_space<vmem>>) target_semaphore(%arg17 : memref<!tpu.dma_semaphore, #tpu.memory_space<semaphore_mem>>)
        %slice3A_487 = vector.extract_strided_slice %get3A_79 {offsets = [14], sizes = [1], strides = [1]} : vector<16xi32> to vector<1xi32>
        %squeeze3A_488 = vector.extract %slice3A_487[0] : i32 from vector<1xi32>
        %slice3A_489 = vector.extract_strided_slice %get3A_86 {offsets = [14], sizes = [1], strides = [1]} : vector<16xi32> to vector<1xi32>
        %squeeze3A_490 = vector.extract %slice3A_489[0] : i32 from vector<1xi32>
        %shift_right_logical3A_491 = arith.constant 3 : i32
        %shift_right_logical3A_492 = arith.shrui %squeeze3A_490, %shift_right_logical3A_491 : i32
        %shift_left3A_493 = arith.constant 3 : i32
        %shift_left3A_494 = arith.shli %shift_right_logical3A_492, %shift_left3A_493 : i32
        %multiple_of3A_495 = tpu.assume_multiple %shift_left3A_494, 8 : i32
        %shift_right_logical3A_496 = arith.constant 7 : i32
        %shift_right_logical3A_497 = arith.shrui %squeeze3A_488, %shift_right_logical3A_496 : i32
        %shift_left3A_498 = arith.constant 7 : i32
        %shift_left3A_499 = arith.shli %shift_right_logical3A_497, %shift_left3A_498 : i32
        %multiple_of3A_500 = tpu.assume_multiple %shift_left3A_499, 128 : i32
        %mul3A_501 = arith.constant 16 : i32
        %mul3A_502 = arith.muli %scan3A_72, %mul3A_501 : i32
        %add3A_503 = arith.constant 14 : i32
        %add3A_504 = arith.addi %mul3A_502, %add3A_503 : i32
        %dma_start3A_505 = arith.constant 1 : i32
        %dma_start3A_506 = arith.constant 0 : i32
        %dma_start3A_507 = arith.constant 0 : i32
        %dma_start3A_508 = tpu.memref_slice %arg11[%dma_start3A_505, %add3A_504, %dma_start3A_506, %dma_start3A_507] : memref<2x32x8x128xf32, #tpu.memory_space<vmem>> -> memref<1x1x8x128xf32, #tpu.memory_space<vmem>>
        %dma_start3A_509 = tpu.memref_squeeze %dma_start3A_508 : memref<1x1x8x128xf32, #tpu.memory_space<vmem>> -> memref<8x128xf32, #tpu.memory_space<vmem>>
        %dma_start3A_510 = tpu.memref_slice %arg6[%multiple_of3A_495, %multiple_of3A_500] : memref<64x1000000xf32, #tpu.memory_space<hbm>> -> memref<8x128xf32, #tpu.memory_space<hbm>>
        %dma_start3A_511 = arith.constant 0 : i32
        %dma_start3A_512 = arith.constant 0 : i32
        %dma_start3A_513 = tpu.memref_slice %arg11[%dma_start3A_505, %add3A_504, %dma_start3A_511, %dma_start3A_512] : memref<2x32x8x128xf32, #tpu.memory_space<vmem>> -> memref<1x1x8x128xf32, #tpu.memory_space<vmem>>
        %dma_start3A_514 = tpu.memref_squeeze %dma_start3A_513 : memref<1x1x8x128xf32, #tpu.memory_space<vmem>> -> memref<8x128xf32, #tpu.memory_space<vmem>>
        %dma_start3A_515 = tpu.memref_slice %arg6[%multiple_of3A_495, %multiple_of3A_500] : memref<64x1000000xf32, #tpu.memory_space<hbm>> -> memref<8x128xf32, #tpu.memory_space<hbm>>
        tpu.enqueue_dma source(%dma_start3A_515 : memref<8x128xf32, #tpu.memory_space<hbm>>) target(%dma_start3A_514 : memref<8x128xf32, #tpu.memory_space<vmem>>) target_semaphore(%arg17 : memref<!tpu.dma_semaphore, #tpu.memory_space<semaphore_mem>>)
        %slice3A_516 = vector.extract_strided_slice %get3A_79 {offsets = [15], sizes = [1], strides = [1]} : vector<16xi32> to vector<1xi32>
        %squeeze3A_517 = vector.extract %slice3A_516[0] : i32 from vector<1xi32>
        %slice3A_518 = vector.extract_strided_slice %get3A_86 {offsets = [15], sizes = [1], strides = [1]} : vector<16xi32> to vector<1xi32>
        %squeeze3A_519 = vector.extract %slice3A_518[0] : i32 from vector<1xi32>
        %shift_right_logical3A_520 = arith.constant 3 : i32
        %shift_right_logical3A_521 = arith.shrui %squeeze3A_519, %shift_right_logical3A_520 : i32
        %shift_left3A_522 = arith.constant 3 : i32
        %shift_left3A_523 = arith.shli %shift_right_logical3A_521, %shift_left3A_522 : i32
        %multiple_of3A_524 = tpu.assume_multiple %shift_left3A_523, 8 : i32
        %shift_right_logical3A_525 = arith.constant 7 : i32
        %shift_right_logical3A_526 = arith.shrui %squeeze3A_517, %shift_right_logical3A_525 : i32
        %shift_left3A_527 = arith.constant 7 : i32
        %shift_left3A_528 = arith.shli %shift_right_logical3A_526, %shift_left3A_527 : i32
        %multiple_of3A_529 = tpu.assume_multiple %shift_left3A_528, 128 : i32
        %mul3A_530 = arith.constant 16 : i32
        %mul3A_531 = arith.muli %scan3A_72, %mul3A_530 : i32
        %add3A_532 = arith.constant 15 : i32
        %add3A_533 = arith.addi %mul3A_531, %add3A_532 : i32
        %dma_start3A_534 = arith.constant 1 : i32
        %dma_start3A_535 = arith.constant 0 : i32
        %dma_start3A_536 = arith.constant 0 : i32
        %dma_start3A_537 = tpu.memref_slice %arg11[%dma_start3A_534, %add3A_533, %dma_start3A_535, %dma_start3A_536] : memref<2x32x8x128xf32, #tpu.memory_space<vmem>> -> memref<1x1x8x128xf32, #tpu.memory_space<vmem>>
        %dma_start3A_538 = tpu.memref_squeeze %dma_start3A_537 : memref<1x1x8x128xf32, #tpu.memory_space<vmem>> -> memref<8x128xf32, #tpu.memory_space<vmem>>
        %dma_start3A_539 = tpu.memref_slice %arg6[%multiple_of3A_524, %multiple_of3A_529] : memref<64x1000000xf32, #tpu.memory_space<hbm>> -> memref<8x128xf32, #tpu.memory_space<hbm>>
        %dma_start3A_540 = arith.constant 0 : i32
        %dma_start3A_541 = arith.constant 0 : i32
        %dma_start3A_542 = tpu.memref_slice %arg11[%dma_start3A_534, %add3A_533, %dma_start3A_540, %dma_start3A_541] : memref<2x32x8x128xf32, #tpu.memory_space<vmem>> -> memref<1x1x8x128xf32, #tpu.memory_space<vmem>>
        %dma_start3A_543 = tpu.memref_squeeze %dma_start3A_542 : memref<1x1x8x128xf32, #tpu.memory_space<vmem>> -> memref<8x128xf32, #tpu.memory_space<vmem>>
        %dma_start3A_544 = tpu.memref_slice %arg6[%multiple_of3A_524, %multiple_of3A_529] : memref<64x1000000xf32, #tpu.memory_space<hbm>> -> memref<8x128xf32, #tpu.memory_space<hbm>>
        tpu.enqueue_dma source(%dma_start3A_544 : memref<8x128xf32, #tpu.memory_space<hbm>>) target(%dma_start3A_543 : memref<8x128xf32, #tpu.memory_space<vmem>>) target_semaphore(%arg17 : memref<!tpu.dma_semaphore, #tpu.memory_space<semaphore_mem>>)
      }
      %scan3A_34 = arith.constant 2 : i32
      %scan3A_35 = arith.constant 0 : i32
      %scan3A_36 = arith.constant 32 : i32
      %scan3A_37 = arith.addi %scan3A_35, %scan3A_36 : i32
      %scan3A_38 = arith.constant 1 : i32
      scf.for %scan3A_72 = %scan3A_35 to %scan3A_37 step %scan3A_38  : i32 {
        %dma_wait3A = arith.constant 0 : i32
        %dma_wait3A_73 = arith.constant 0 : i32
        %dma_wait3A_74 = tpu.memref_slice %arg11[%scan3A_11, %scan3A_12, %dma_wait3A, %dma_wait3A_73] : memref<2x32x8x128xf32, #tpu.memory_space<vmem>> -> memref<1x1x8x128xf32, #tpu.memory_space<vmem>>
        %dma_wait3A_75 = tpu.memref_squeeze %dma_wait3A_74 : memref<1x1x8x128xf32, #tpu.memory_space<vmem>> -> memref<8x128xf32, #tpu.memory_space<vmem>>
        %dma_wait3A_76 = arith.constant 0 : i32
        %dma_wait3A_77 = arith.constant 0 : i32
        %dma_wait3A_78 = tpu.memref_slice %arg6[%dma_wait3A_76, %dma_wait3A_77] : memref<64x1000000xf32, #tpu.memory_space<hbm>> -> memref<8x128xf32, #tpu.memory_space<hbm>>
        %dma_wait3A_79 = arith.constant 0 : i32
        %dma_wait3A_80 = arith.constant 0 : i32
        %dma_wait3A_81 = tpu.memref_slice %arg11[%scan3A_11, %scan3A_12, %dma_wait3A_79, %dma_wait3A_80] : memref<2x32x8x128xf32, #tpu.memory_space<vmem>> -> memref<1x1x8x128xf32, #tpu.memory_space<vmem>>
        %dma_wait3A_82 = tpu.memref_squeeze %dma_wait3A_81 : memref<1x1x8x128xf32, #tpu.memory_space<vmem>> -> memref<8x128xf32, #tpu.memory_space<vmem>>
        %dma_wait3A_83 = arith.constant 0 : i32
        %dma_wait3A_84 = arith.constant 0 : i32
        %dma_wait3A_85 = tpu.memref_slice %arg6[%dma_wait3A_83, %dma_wait3A_84] : memref<64x1000000xf32, #tpu.memory_space<hbm>> -> memref<8x128xf32, #tpu.memory_space<hbm>>
        tpu.wait_dma2 semaphore(%arg16 : memref<!tpu.dma_semaphore, #tpu.memory_space<semaphore_mem>>) src(%dma_wait3A_85 : memref<8x128xf32, #tpu.memory_space<hbm>>) dst(%dma_wait3A_82 : memref<8x128xf32, #tpu.memory_space<vmem>>)
      }
      %scan3A_39 = arith.constant 32 : i32
      %mul3A_40 = arith.constant 2 : i32
      %mul3A_41 = arith.muli %mul3A_40, %scan3A_24 : i32
      %iota3A = tpu.iota {dimensions = array<i32: 0>} : vector<16xi32>
      %broadcast_in_dim3A_42 = arith.constant 0 : i32
      %broadcast_in_dim3A_43 = vector.broadcast %broadcast_in_dim3A_42 : i32 to vector<16xi32>
      %scan3A_44 = arith.constant 0 : i32
      %scan3A_45 = arith.constant 2 : i32
      %scan3A_46 = arith.addi %scan3A_44, %scan3A_45 : i32
      %scan3A_47 = arith.constant 1 : i32
      %scan3A_48 = scf.for %scan3A_72 = %scan3A_44 to %scan3A_46 step %scan3A_47 iter_args(%scan3A_73 = %scan3A_25) -> (vector<16xf32>)  : i32 {
        %mul3A_74 = arith.constant 32 : i32
        %mul3A_75 = arith.muli %mul3A_41, %mul3A_74 : i32
        %mul3A_76 = arith.constant 16 : i32
        %mul3A_77 = arith.muli %scan3A_72, %mul3A_76 : i32
        %add3A_78 = arith.addi %mul3A_75, %mul3A_77 : i32
        %get3A_79 = arith.index_cast %add3A_78 : i32 to index
        %get3A_80 = tpu.vector_load %arg8[%get3A_79] {strides = array<i32>} : memref<512xi32, #tpu.memory_space<vmem>>, vector<16xi32>,
        %mul3A_81 = arith.constant 32 : i32
        %mul3A_82 = arith.muli %mul3A_41, %mul3A_81 : i32
        %mul3A_83 = arith.constant 16 : i32
        %mul3A_84 = arith.muli %scan3A_72, %mul3A_83 : i32
        %add3A_85 = arith.addi %mul3A_82, %mul3A_84 : i32
        %get3A_86 = arith.index_cast %add3A_85 : i32 to index
        %get3A_87 = tpu.vector_load %arg9[%get3A_86] {strides = array<i32>} : memref<512xi32, #tpu.memory_space<vmem>>, vector<16xi32>,
        %mul3A_88 = arith.constant 16 : i32
        %mul3A_89 = arith.muli %scan3A_72, %mul3A_88 : i32
        %add3A_90 = vector.broadcast %mul3A_89 : i32 to vector<16xi32>
        %add3A_91 = arith.addi %iota3A, %add3A_90 : vector<16xi32>
        %broadcast_in_dim3A_92 = arith.constant 7 : i32
        %broadcast_in_dim3A_93 = vector.broadcast %broadcast_in_dim3A_92 : i32 to vector<16xi32>
        %and3A = arith.andi %get3A_87, %broadcast_in_dim3A_93 : vector<16xi32>
        %broadcast_in_dim3A_94 = arith.constant 127 : i32
        %broadcast_in_dim3A_95 = vector.broadcast %broadcast_in_dim3A_94 : i32 to vector<16xi32>
        %and3A_96 = arith.andi %get3A_80, %broadcast_in_dim3A_95 : vector<16xi32>
        %gather3A = tpu.vector_load_idx %arg11[%broadcast_in_dim3A_43, %add3A_91, %and3A, %and3A_96] : memref<2x32x8x128xf32, #tpu.memory_space<vmem>>[vector<16xi32>, vector<16xi32>, vector<16xi32>, vector<16xi32>], vector<16xf32>,
        %mul3A_97 = arith.constant 32 : i32
        %mul3A_98 = arith.muli %mul3A_41, %mul3A_97 : i32
        %mul3A_99 = arith.constant 16 : i32
        %mul3A_100 = arith.muli %scan3A_72, %mul3A_99 : i32
        %add3A_101 = arith.addi %mul3A_98, %mul3A_100 : i32
        %get3A_102 = arith.index_cast %add3A_101 : i32 to index
        %get3A_103 = tpu.vector_load %arg10[%get3A_102] {strides = array<i32>} : memref<512xf32, #tpu.memory_space<vmem>>, vector<16xf32>,
        %mul3A_104 = arith.mulf %get3A_5, %gather3A : vector<16xf32>
        %sub3A = arith.subf %get3A_3, %mul3A_104 : vector<16xf32>
        %bitcast_convert_type3A = tpu.bitcast %sub3A : vector<16xf32> -> vector<16xi32>
        %broadcast_in_dim3A_105 = arith.constant 23 : i32
        %broadcast_in_dim3A_106 = vector.broadcast %broadcast_in_dim3A_105 : i32 to vector<16xi32>
        %shift_right_logical3A = arith.shrui %bitcast_convert_type3A, %broadcast_in_dim3A_106 : vector<16xi32>
        %sub3A_107 = arith.constant 127 : i32
        %sub3A_108 = vector.broadcast %sub3A_107 : i32 to vector<16xi32>
        %sub3A_109 = arith.subi %shift_right_logical3A, %sub3A_108 : vector<16xi32>
        %broadcast_in_dim3A_110 = arith.constant 8388607 : i32
        %broadcast_in_dim3A_111 = vector.broadcast %broadcast_in_dim3A_110 : i32 to vector<16xi32>
        %and3A_112 = arith.andi %bitcast_convert_type3A, %broadcast_in_dim3A_111 : vector<16xi32>
        %broadcast_in_dim3A_113 = arith.constant 1065353216 : i32
        %broadcast_in_dim3A_114 = vector.broadcast %broadcast_in_dim3A_113 : i32 to vector<16xi32>
        %or3A = arith.ori %and3A_112, %broadcast_in_dim3A_114 : vector<16xi32>
        %bitcast_convert_type3A_115 = tpu.bitcast %or3A : vector<16xi32> -> vector<16xf32>
        %gt3A = arith.constant 1.41421354 : f32
        %gt3A_116 = vector.broadcast %gt3A : f32 to vector<16xf32>
        %gt3A_117 = arith.cmpf ogt, %bitcast_convert_type3A_115, %gt3A_116 : vector<16xf32>
        %mul3A_118 = arith.constant 5.000000e-01 : f32
        %mul3A_119 = vector.broadcast %mul3A_118 : f32 to vector<16xf32>
        %mul3A_120 = arith.mulf %bitcast_convert_type3A_115, %mul3A_119 : vector<16xf32>
        %select_n3A = arith.select %gt3A_117, %mul3A_120, %bitcast_convert_type3A_115 : vector<16xi1>, vector<16xf32>
        %jit3A = arith.constant 1 : i32
        %jit3A_121 = arith.constant 0 : i32
        %broadcast_in_dim3A_122 = vector.broadcast %jit3A : i32 to vector<16xi32>
        %broadcast_in_dim3A_123 = vector.broadcast %jit3A_121 : i32 to vector<16xi32>
        %select_n3A_124 = arith.select %gt3A_117, %broadcast_in_dim3A_122, %broadcast_in_dim3A_123 : vector<16xi1>, vector<16xi32>
        %add3A_125 = arith.addi %sub3A_109, %select_n3A_124 : vector<16xi32>
        %sub3A_126 = arith.constant 1.000000e+00 : f32
        %sub3A_127 = vector.broadcast %sub3A_126 : f32 to vector<16xf32>
        %sub3A_128 = arith.subf %select_n3A, %sub3A_127 : vector<16xf32>
        %add3A_129 = arith.constant 1.000000e+00 : f32
        %add3A_130 = vector.broadcast %add3A_129 : f32 to vector<16xf32>
        %add3A_131 = arith.addf %select_n3A, %add3A_130 : vector<16xf32>
        %div3A = arith.divf %sub3A_128, %add3A_131 : vector<16xf32>
        %mul3A_132 = arith.mulf %div3A, %div3A : vector<16xf32>
        %mul3A_133 = arith.constant 2.000000e+00 : f32
        %mul3A_134 = vector.broadcast %mul3A_133 : f32 to vector<16xf32>
        %mul3A_135 = arith.mulf %mul3A_134, %div3A : vector<16xf32>
        %div3A_136 = arith.constant 9.000000e+00 : f32
        %div3A_137 = vector.broadcast %div3A_136 : f32 to vector<16xf32>
        %div3A_138 = arith.divf %mul3A_132, %div3A_137 : vector<16xf32>
        %add3A_139 = arith.constant 0.142857149 : f32
        %add3A_140 = vector.broadcast %add3A_139 : f32 to vector<16xf32>
        %add3A_141 = arith.addf %add3A_140, %div3A_138 : vector<16xf32>
        %mul3A_142 = arith.mulf %mul3A_132, %add3A_141 : vector<16xf32>
        %add3A_143 = arith.constant 2.000000e-01 : f32
        %add3A_144 = vector.broadcast %add3A_143 : f32 to vector<16xf32>
        %add3A_145 = arith.addf %add3A_144, %mul3A_142 : vector<16xf32>
        %mul3A_146 = arith.mulf %mul3A_132, %add3A_145 : vector<16xf32>
        %add3A_147 = arith.constant 0.333333343 : f32
        %add3A_148 = vector.broadcast %add3A_147 : f32 to vector<16xf32>
        %add3A_149 = arith.addf %add3A_148, %mul3A_146 : vector<16xf32>
        %mul3A_150 = arith.mulf %mul3A_132, %add3A_149 : vector<16xf32>
        %add3A_151 = arith.constant 1.000000e+00 : f32
        %add3A_152 = vector.broadcast %add3A_151 : f32 to vector<16xf32>
        %add3A_153 = arith.addf %add3A_152, %mul3A_150 : vector<16xf32>
        %mul3A_154 = arith.mulf %mul3A_135, %add3A_153 : vector<16xf32>
        %convert_element_type3A_155 = arith.sitofp %add3A_125 : vector<16xi32> to vector<16xf32>
        %mul3A_156 = arith.constant 0.693147182 : f32
        %mul3A_157 = vector.broadcast %mul3A_156 : f32 to vector<16xf32>
        %mul3A_158 = arith.mulf %convert_element_type3A_155, %mul3A_157 : vector<16xf32>
        %add3A_159 = arith.addf %mul3A_158, %mul3A_154 : vector<16xf32>
        %mul3A_160 = arith.mulf %get3A_103, %add3A_159 : vector<16xf32>
        %add3A_161 = arith.addf %scan3A_73, %mul3A_160 : vector<16xf32>
        scf.yield %add3A_161 : vector<16xf32>
      }
      %scan3A_49 = arith.constant 2 : i32
      %lt3A = arith.constant 7 : i32
      %lt3A_50 = arith.cmpi slt, %scan3A_24, %lt3A : i32
      %convert_element_type3A_51 = arith.extui %lt3A_50 : i1 to i32
      %cond3A_52 = arith.constant 0 : i32
      %cond3A_53 = arith.cmpi ne, %convert_element_type3A_51, %cond3A_52 : i32
      scf.if %cond3A_53 {
        %mul3A_72 = arith.constant 2 : i32
        %mul3A_73 = arith.muli %mul3A_72, %scan3A_24 : i32
        %add3A_74 = arith.constant 2 : i32
        %add3A_75 = arith.addi %mul3A_73, %add3A_74 : i32
        %scan3A_76 = arith.constant 0 : i32
        %scan3A_77 = arith.constant 2 : i32
        %scan3A_78 = arith.addi %scan3A_76, %scan3A_77 : i32
        %scan3A_79 = arith.constant 1 : i32
        scf.for %scan3A_81 = %scan3A_76 to %scan3A_78 step %scan3A_79  : i32 {
          %mul3A_82 = arith.constant 32 : i32
          %mul3A_83 = arith.muli %add3A_75, %mul3A_82 : i32
          %mul3A_84 = arith.constant 16 : i32
          %mul3A_85 = arith.muli %scan3A_81, %mul3A_84 : i32
          %add3A_86 = arith.addi %mul3A_83, %mul3A_85 : i32
          %get3A_87 = arith.index_cast %add3A_86 : i32 to index
          %get3A_88 = tpu.vector_load %arg8[%get3A_87] {strides = array<i32>} : memref<512xi32, #tpu.memory_space<vmem>>, vector<16xi32>,
          %mul3A_89 = arith.constant 32 : i32
          %mul3A_90 = arith.muli %add3A_75, %mul3A_89 : i32
          %mul3A_91 = arith.constant 16 : i32
          %mul3A_92 = arith.muli %scan3A_81, %mul3A_91 : i32
          %add3A_93 = arith.addi %mul3A_90, %mul3A_92 : i32
          %get3A_94 = arith.index_cast %add3A_93 : i32 to index
          %get3A_95 = tpu.vector_load %arg9[%get3A_94] {strides = array<i32>} : memref<512xi32, #tpu.memory_space<vmem>>, vector<16xi32>,
          %slice3A = vector.extract_strided_slice %get3A_88 {offsets = [0], sizes = [1], strides = [1]} : vector<16xi32> to vector<1xi32>
          %squeeze3A = vector.extract %slice3A[0] : i32 from vector<1xi32>
          %slice3A_96 = vector.extract_strided_slice %get3A_95 {offsets = [0], sizes = [1], strides = [1]} : vector<16xi32> to vector<1xi32>
          %squeeze3A_97 = vector.extract %slice3A_96[0] : i32 from vector<1xi32>
          %shift_right_logical3A = arith.constant 3 : i32
          %shift_right_logical3A_98 = arith.shrui %squeeze3A_97, %shift_right_logical3A : i32
          %shift_left3A = arith.constant 3 : i32
          %shift_left3A_99 = arith.shli %shift_right_logical3A_98, %shift_left3A : i32
          %multiple_of3A = tpu.assume_multiple %shift_left3A_99, 8 : i32
          %shift_right_logical3A_100 = arith.constant 7 : i32
          %shift_right_logical3A_101 = arith.shrui %squeeze3A, %shift_right_logical3A_100 : i32
          %shift_left3A_102 = arith.constant 7 : i32
          %shift_left3A_103 = arith.shli %shift_right_logical3A_101, %shift_left3A_102 : i32
          %multiple_of3A_104 = tpu.assume_multiple %shift_left3A_103, 128 : i32
          %mul3A_105 = arith.constant 16 : i32
          %mul3A_106 = arith.muli %scan3A_81, %mul3A_105 : i32
          %add3A_107 = arith.constant 0 : i32
          %add3A_108 = arith.addi %mul3A_106, %add3A_107 : i32
          %dma_start3A = arith.constant 0 : i32
          %dma_start3A_109 = arith.constant 0 : i32
          %dma_start3A_110 = arith.constant 0 : i32
          %dma_start3A_111 = tpu.memref_slice %arg11[%dma_start3A, %add3A_108, %dma_start3A_109, %dma_start3A_110] : memref<2x32x8x128xf32, #tpu.memory_space<vmem>> -> memref<1x1x8x128xf32, #tpu.memory_space<vmem>>
          %dma_start3A_112 = tpu.memref_squeeze %dma_start3A_111 : memref<1x1x8x128xf32, #tpu.memory_space<vmem>> -> memref<8x128xf32, #tpu.memory_space<vmem>>
          %dma_start3A_113 = tpu.memref_slice %arg6[%multiple_of3A, %multiple_of3A_104] : memref<64x1000000xf32, #tpu.memory_space<hbm>> -> memref<8x128xf32, #tpu.memory_space<hbm>>
          %dma_start3A_114 = arith.constant 0 : i32
          %dma_start3A_115 = arith.constant 0 : i32
          %dma_start3A_116 = tpu.memref_slice %arg11[%dma_start3A, %add3A_108, %dma_start3A_114, %dma_start3A_115] : memref<2x32x8x128xf32, #tpu.memory_space<vmem>> -> memref<1x1x8x128xf32, #tpu.memory_space<vmem>>
          %dma_start3A_117 = tpu.memref_squeeze %dma_start3A_116 : memref<1x1x8x128xf32, #tpu.memory_space<vmem>> -> memref<8x128xf32, #tpu.memory_space<vmem>>
          %dma_start3A_118 = tpu.memref_slice %arg6[%multiple_of3A, %multiple_of3A_104] : memref<64x1000000xf32, #tpu.memory_space<hbm>> -> memref<8x128xf32, #tpu.memory_space<hbm>>
          tpu.enqueue_dma source(%dma_start3A_118 : memref<8x128xf32, #tpu.memory_space<hbm>>) target(%dma_start3A_117 : memref<8x128xf32, #tpu.memory_space<vmem>>) target_semaphore(%arg16 : memref<!tpu.dma_semaphore, #tpu.memory_space<semaphore_mem>>)
          %slice3A_119 = vector.extract_strided_slice %get3A_88 {offsets = [1], sizes = [1], strides = [1]} : vector<16xi32> to vector<1xi32>
          %squeeze3A_120 = vector.extract %slice3A_119[0] : i32 from vector<1xi32>
          %slice3A_121 = vector.extract_strided_slice %get3A_95 {offsets = [1], sizes = [1], strides = [1]} : vector<16xi32> to vector<1xi32>
          %squeeze3A_122 = vector.extract %slice3A_121[0] : i32 from vector<1xi32>
          %shift_right_logical3A_123 = arith.constant 3 : i32
          %shift_right_logical3A_124 = arith.shrui %squeeze3A_122, %shift_right_logical3A_123 : i32
          %shift_left3A_125 = arith.constant 3 : i32
          %shift_left3A_126 = arith.shli %shift_right_logical3A_124, %shift_left3A_125 : i32
          %multiple_of3A_127 = tpu.assume_multiple %shift_left3A_126, 8 : i32
          %shift_right_logical3A_128 = arith.constant 7 : i32
          %shift_right_logical3A_129 = arith.shrui %squeeze3A_120, %shift_right_logical3A_128 : i32
          %shift_left3A_130 = arith.constant 7 : i32
          %shift_left3A_131 = arith.shli %shift_right_logical3A_129, %shift_left3A_130 : i32
          %multiple_of3A_132 = tpu.assume_multiple %shift_left3A_131, 128 : i32
          %mul3A_133 = arith.constant 16 : i32
          %mul3A_134 = arith.muli %scan3A_81, %mul3A_133 : i32
          %add3A_135 = arith.constant 1 : i32
          %add3A_136 = arith.addi %mul3A_134, %add3A_135 : i32
          %dma_start3A_137 = arith.constant 0 : i32
          %dma_start3A_138 = arith.constant 0 : i32
          %dma_start3A_139 = arith.constant 0 : i32
          %dma_start3A_140 = tpu.memref_slice %arg11[%dma_start3A_137, %add3A_136, %dma_start3A_138, %dma_start3A_139] : memref<2x32x8x128xf32, #tpu.memory_space<vmem>> -> memref<1x1x8x128xf32, #tpu.memory_space<vmem>>
          %dma_start3A_141 = tpu.memref_squeeze %dma_start3A_140 : memref<1x1x8x128xf32, #tpu.memory_space<vmem>> -> memref<8x128xf32, #tpu.memory_space<vmem>>
          %dma_start3A_142 = tpu.memref_slice %arg6[%multiple_of3A_127, %multiple_of3A_132] : memref<64x1000000xf32, #tpu.memory_space<hbm>> -> memref<8x128xf32, #tpu.memory_space<hbm>>
          %dma_start3A_143 = arith.constant 0 : i32
          %dma_start3A_144 = arith.constant 0 : i32
          %dma_start3A_145 = tpu.memref_slice %arg11[%dma_start3A_137, %add3A_136, %dma_start3A_143, %dma_start3A_144] : memref<2x32x8x128xf32, #tpu.memory_space<vmem>> -> memref<1x1x8x128xf32, #tpu.memory_space<vmem>>
          %dma_start3A_146 = tpu.memref_squeeze %dma_start3A_145 : memref<1x1x8x128xf32, #tpu.memory_space<vmem>> -> memref<8x128xf32, #tpu.memory_space<vmem>>
          %dma_start3A_147 = tpu.memref_slice %arg6[%multiple_of3A_127, %multiple_of3A_132] : memref<64x1000000xf32, #tpu.memory_space<hbm>> -> memref<8x128xf32, #tpu.memory_space<hbm>>
          tpu.enqueue_dma source(%dma_start3A_147 : memref<8x128xf32, #tpu.memory_space<hbm>>) target(%dma_start3A_146 : memref<8x128xf32, #tpu.memory_space<vmem>>) target_semaphore(%arg16 : memref<!tpu.dma_semaphore, #tpu.memory_space<semaphore_mem>>)
          %slice3A_148 = vector.extract_strided_slice %get3A_88 {offsets = [2], sizes = [1], strides = [1]} : vector<16xi32> to vector<1xi32>
          %squeeze3A_149 = vector.extract %slice3A_148[0] : i32 from vector<1xi32>
          %slice3A_150 = vector.extract_strided_slice %get3A_95 {offsets = [2], sizes = [1], strides = [1]} : vector<16xi32> to vector<1xi32>
          %squeeze3A_151 = vector.extract %slice3A_150[0] : i32 from vector<1xi32>
          %shift_right_logical3A_152 = arith.constant 3 : i32
          %shift_right_logical3A_153 = arith.shrui %squeeze3A_151, %shift_right_logical3A_152 : i32
          %shift_left3A_154 = arith.constant 3 : i32
          %shift_left3A_155 = arith.shli %shift_right_logical3A_153, %shift_left3A_154 : i32
          %multiple_of3A_156 = tpu.assume_multiple %shift_left3A_155, 8 : i32
          %shift_right_logical3A_157 = arith.constant 7 : i32
          %shift_right_logical3A_158 = arith.shrui %squeeze3A_149, %shift_right_logical3A_157 : i32
          %shift_left3A_159 = arith.constant 7 : i32
          %shift_left3A_160 = arith.shli %shift_right_logical3A_158, %shift_left3A_159 : i32
          %multiple_of3A_161 = tpu.assume_multiple %shift_left3A_160, 128 : i32
          %mul3A_162 = arith.constant 16 : i32
          %mul3A_163 = arith.muli %scan3A_81, %mul3A_162 : i32
          %add3A_164 = arith.constant 2 : i32
          %add3A_165 = arith.addi %mul3A_163, %add3A_164 : i32
          %dma_start3A_166 = arith.constant 0 : i32
          %dma_start3A_167 = arith.constant 0 : i32
          %dma_start3A_168 = arith.constant 0 : i32
          %dma_start3A_169 = tpu.memref_slice %arg11[%dma_start3A_166, %add3A_165, %dma_start3A_167, %dma_start3A_168] : memref<2x32x8x128xf32, #tpu.memory_space<vmem>> -> memref<1x1x8x128xf32, #tpu.memory_space<vmem>>
          %dma_start3A_170 = tpu.memref_squeeze %dma_start3A_169 : memref<1x1x8x128xf32, #tpu.memory_space<vmem>> -> memref<8x128xf32, #tpu.memory_space<vmem>>
          %dma_start3A_171 = tpu.memref_slice %arg6[%multiple_of3A_156, %multiple_of3A_161] : memref<64x1000000xf32, #tpu.memory_space<hbm>> -> memref<8x128xf32, #tpu.memory_space<hbm>>
          %dma_start3A_172 = arith.constant 0 : i32
          %dma_start3A_173 = arith.constant 0 : i32
          %dma_start3A_174 = tpu.memref_slice %arg11[%dma_start3A_166, %add3A_165, %dma_start3A_172, %dma_start3A_173] : memref<2x32x8x128xf32, #tpu.memory_space<vmem>> -> memref<1x1x8x128xf32, #tpu.memory_space<vmem>>
          %dma_start3A_175 = tpu.memref_squeeze %dma_start3A_174 : memref<1x1x8x128xf32, #tpu.memory_space<vmem>> -> memref<8x128xf32, #tpu.memory_space<vmem>>
          %dma_start3A_176 = tpu.memref_slice %arg6[%multiple_of3A_156, %multiple_of3A_161] : memref<64x1000000xf32, #tpu.memory_space<hbm>> -> memref<8x128xf32, #tpu.memory_space<hbm>>
          tpu.enqueue_dma source(%dma_start3A_176 : memref<8x128xf32, #tpu.memory_space<hbm>>) target(%dma_start3A_175 : memref<8x128xf32, #tpu.memory_space<vmem>>) target_semaphore(%arg16 : memref<!tpu.dma_semaphore, #tpu.memory_space<semaphore_mem>>)
          %slice3A_177 = vector.extract_strided_slice %get3A_88 {offsets = [3], sizes = [1], strides = [1]} : vector<16xi32> to vector<1xi32>
          %squeeze3A_178 = vector.extract %slice3A_177[0] : i32 from vector<1xi32>
          %slice3A_179 = vector.extract_strided_slice %get3A_95 {offsets = [3], sizes = [1], strides = [1]} : vector<16xi32> to vector<1xi32>
          %squeeze3A_180 = vector.extract %slice3A_179[0] : i32 from vector<1xi32>
          %shift_right_logical3A_181 = arith.constant 3 : i32
          %shift_right_logical3A_182 = arith.shrui %squeeze3A_180, %shift_right_logical3A_181 : i32
          %shift_left3A_183 = arith.constant 3 : i32
          %shift_left3A_184 = arith.shli %shift_right_logical3A_182, %shift_left3A_183 : i32
          %multiple_of3A_185 = tpu.assume_multiple %shift_left3A_184, 8 : i32
          %shift_right_logical3A_186 = arith.constant 7 : i32
          %shift_right_logical3A_187 = arith.shrui %squeeze3A_178, %shift_right_logical3A_186 : i32
          %shift_left3A_188 = arith.constant 7 : i32
          %shift_left3A_189 = arith.shli %shift_right_logical3A_187, %shift_left3A_188 : i32
          %multiple_of3A_190 = tpu.assume_multiple %shift_left3A_189, 128 : i32
          %mul3A_191 = arith.constant 16 : i32
          %mul3A_192 = arith.muli %scan3A_81, %mul3A_191 : i32
          %add3A_193 = arith.constant 3 : i32
          %add3A_194 = arith.addi %mul3A_192, %add3A_193 : i32
          %dma_start3A_195 = arith.constant 0 : i32
          %dma_start3A_196 = arith.constant 0 : i32
          %dma_start3A_197 = arith.constant 0 : i32
          %dma_start3A_198 = tpu.memref_slice %arg11[%dma_start3A_195, %add3A_194, %dma_start3A_196, %dma_start3A_197] : memref<2x32x8x128xf32, #tpu.memory_space<vmem>> -> memref<1x1x8x128xf32, #tpu.memory_space<vmem>>
          %dma_start3A_199 = tpu.memref_squeeze %dma_start3A_198 : memref<1x1x8x128xf32, #tpu.memory_space<vmem>> -> memref<8x128xf32, #tpu.memory_space<vmem>>
          %dma_start3A_200 = tpu.memref_slice %arg6[%multiple_of3A_185, %multiple_of3A_190] : memref<64x1000000xf32, #tpu.memory_space<hbm>> -> memref<8x128xf32, #tpu.memory_space<hbm>>
          %dma_start3A_201 = arith.constant 0 : i32
          %dma_start3A_202 = arith.constant 0 : i32
          %dma_start3A_203 = tpu.memref_slice %arg11[%dma_start3A_195, %add3A_194, %dma_start3A_201, %dma_start3A_202] : memref<2x32x8x128xf32, #tpu.memory_space<vmem>> -> memref<1x1x8x128xf32, #tpu.memory_space<vmem>>
          %dma_start3A_204 = tpu.memref_squeeze %dma_start3A_203 : memref<1x1x8x128xf32, #tpu.memory_space<vmem>> -> memref<8x128xf32, #tpu.memory_space<vmem>>
          %dma_start3A_205 = tpu.memref_slice %arg6[%multiple_of3A_185, %multiple_of3A_190] : memref<64x1000000xf32, #tpu.memory_space<hbm>> -> memref<8x128xf32, #tpu.memory_space<hbm>>
          tpu.enqueue_dma source(%dma_start3A_205 : memref<8x128xf32, #tpu.memory_space<hbm>>) target(%dma_start3A_204 : memref<8x128xf32, #tpu.memory_space<vmem>>) target_semaphore(%arg16 : memref<!tpu.dma_semaphore, #tpu.memory_space<semaphore_mem>>)
          %slice3A_206 = vector.extract_strided_slice %get3A_88 {offsets = [4], sizes = [1], strides = [1]} : vector<16xi32> to vector<1xi32>
          %squeeze3A_207 = vector.extract %slice3A_206[0] : i32 from vector<1xi32>
          %slice3A_208 = vector.extract_strided_slice %get3A_95 {offsets = [4], sizes = [1], strides = [1]} : vector<16xi32> to vector<1xi32>
          %squeeze3A_209 = vector.extract %slice3A_208[0] : i32 from vector<1xi32>
          %shift_right_logical3A_210 = arith.constant 3 : i32
          %shift_right_logical3A_211 = arith.shrui %squeeze3A_209, %shift_right_logical3A_210 : i32
          %shift_left3A_212 = arith.constant 3 : i32
          %shift_left3A_213 = arith.shli %shift_right_logical3A_211, %shift_left3A_212 : i32
          %multiple_of3A_214 = tpu.assume_multiple %shift_left3A_213, 8 : i32
          %shift_right_logical3A_215 = arith.constant 7 : i32
          %shift_right_logical3A_216 = arith.shrui %squeeze3A_207, %shift_right_logical3A_215 : i32
          %shift_left3A_217 = arith.constant 7 : i32
          %shift_left3A_218 = arith.shli %shift_right_logical3A_216, %shift_left3A_217 : i32
          %multiple_of3A_219 = tpu.assume_multiple %shift_left3A_218, 128 : i32
          %mul3A_220 = arith.constant 16 : i32
          %mul3A_221 = arith.muli %scan3A_81, %mul3A_220 : i32
          %add3A_222 = arith.constant 4 : i32
          %add3A_223 = arith.addi %mul3A_221, %add3A_222 : i32
          %dma_start3A_224 = arith.constant 0 : i32
          %dma_start3A_225 = arith.constant 0 : i32
          %dma_start3A_226 = arith.constant 0 : i32
          %dma_start3A_227 = tpu.memref_slice %arg11[%dma_start3A_224, %add3A_223, %dma_start3A_225, %dma_start3A_226] : memref<2x32x8x128xf32, #tpu.memory_space<vmem>> -> memref<1x1x8x128xf32, #tpu.memory_space<vmem>>
          %dma_start3A_228 = tpu.memref_squeeze %dma_start3A_227 : memref<1x1x8x128xf32, #tpu.memory_space<vmem>> -> memref<8x128xf32, #tpu.memory_space<vmem>>
          %dma_start3A_229 = tpu.memref_slice %arg6[%multiple_of3A_214, %multiple_of3A_219] : memref<64x1000000xf32, #tpu.memory_space<hbm>> -> memref<8x128xf32, #tpu.memory_space<hbm>>
          %dma_start3A_230 = arith.constant 0 : i32
          %dma_start3A_231 = arith.constant 0 : i32
          %dma_start3A_232 = tpu.memref_slice %arg11[%dma_start3A_224, %add3A_223, %dma_start3A_230, %dma_start3A_231] : memref<2x32x8x128xf32, #tpu.memory_space<vmem>> -> memref<1x1x8x128xf32, #tpu.memory_space<vmem>>
          %dma_start3A_233 = tpu.memref_squeeze %dma_start3A_232 : memref<1x1x8x128xf32, #tpu.memory_space<vmem>> -> memref<8x128xf32, #tpu.memory_space<vmem>>
          %dma_start3A_234 = tpu.memref_slice %arg6[%multiple_of3A_214, %multiple_of3A_219] : memref<64x1000000xf32, #tpu.memory_space<hbm>> -> memref<8x128xf32, #tpu.memory_space<hbm>>
          tpu.enqueue_dma source(%dma_start3A_234 : memref<8x128xf32, #tpu.memory_space<hbm>>) target(%dma_start3A_233 : memref<8x128xf32, #tpu.memory_space<vmem>>) target_semaphore(%arg16 : memref<!tpu.dma_semaphore, #tpu.memory_space<semaphore_mem>>)
          %slice3A_235 = vector.extract_strided_slice %get3A_88 {offsets = [5], sizes = [1], strides = [1]} : vector<16xi32> to vector<1xi32>
          %squeeze3A_236 = vector.extract %slice3A_235[0] : i32 from vector<1xi32>
          %slice3A_237 = vector.extract_strided_slice %get3A_95 {offsets = [5], sizes = [1], strides = [1]} : vector<16xi32> to vector<1xi32>
          %squeeze3A_238 = vector.extract %slice3A_237[0] : i32 from vector<1xi32>
          %shift_right_logical3A_239 = arith.constant 3 : i32
          %shift_right_logical3A_240 = arith.shrui %squeeze3A_238, %shift_right_logical3A_239 : i32
          %shift_left3A_241 = arith.constant 3 : i32
          %shift_left3A_242 = arith.shli %shift_right_logical3A_240, %shift_left3A_241 : i32
          %multiple_of3A_243 = tpu.assume_multiple %shift_left3A_242, 8 : i32
          %shift_right_logical3A_244 = arith.constant 7 : i32
          %shift_right_logical3A_245 = arith.shrui %squeeze3A_236, %shift_right_logical3A_244 : i32
          %shift_left3A_246 = arith.constant 7 : i32
          %shift_left3A_247 = arith.shli %shift_right_logical3A_245, %shift_left3A_246 : i32
          %multiple_of3A_248 = tpu.assume_multiple %shift_left3A_247, 128 : i32
          %mul3A_249 = arith.constant 16 : i32
          %mul3A_250 = arith.muli %scan3A_81, %mul3A_249 : i32
          %add3A_251 = arith.constant 5 : i32
          %add3A_252 = arith.addi %mul3A_250, %add3A_251 : i32
          %dma_start3A_253 = arith.constant 0 : i32
          %dma_start3A_254 = arith.constant 0 : i32
          %dma_start3A_255 = arith.constant 0 : i32
          %dma_start3A_256 = tpu.memref_slice %arg11[%dma_start3A_253, %add3A_252, %dma_start3A_254, %dma_start3A_255] : memref<2x32x8x128xf32, #tpu.memory_space<vmem>> -> memref<1x1x8x128xf32, #tpu.memory_space<vmem>>
          %dma_start3A_257 = tpu.memref_squeeze %dma_start3A_256 : memref<1x1x8x128xf32, #tpu.memory_space<vmem>> -> memref<8x128xf32, #tpu.memory_space<vmem>>
          %dma_start3A_258 = tpu.memref_slice %arg6[%multiple_of3A_243, %multiple_of3A_248] : memref<64x1000000xf32, #tpu.memory_space<hbm>> -> memref<8x128xf32, #tpu.memory_space<hbm>>
          %dma_start3A_259 = arith.constant 0 : i32
          %dma_start3A_260 = arith.constant 0 : i32
          %dma_start3A_261 = tpu.memref_slice %arg11[%dma_start3A_253, %add3A_252, %dma_start3A_259, %dma_start3A_260] : memref<2x32x8x128xf32, #tpu.memory_space<vmem>> -> memref<1x1x8x128xf32, #tpu.memory_space<vmem>>
          %dma_start3A_262 = tpu.memref_squeeze %dma_start3A_261 : memref<1x1x8x128xf32, #tpu.memory_space<vmem>> -> memref<8x128xf32, #tpu.memory_space<vmem>>
          %dma_start3A_263 = tpu.memref_slice %arg6[%multiple_of3A_243, %multiple_of3A_248] : memref<64x1000000xf32, #tpu.memory_space<hbm>> -> memref<8x128xf32, #tpu.memory_space<hbm>>
          tpu.enqueue_dma source(%dma_start3A_263 : memref<8x128xf32, #tpu.memory_space<hbm>>) target(%dma_start3A_262 : memref<8x128xf32, #tpu.memory_space<vmem>>) target_semaphore(%arg16 : memref<!tpu.dma_semaphore, #tpu.memory_space<semaphore_mem>>)
          %slice3A_264 = vector.extract_strided_slice %get3A_88 {offsets = [6], sizes = [1], strides = [1]} : vector<16xi32> to vector<1xi32>
          %squeeze3A_265 = vector.extract %slice3A_264[0] : i32 from vector<1xi32>
          %slice3A_266 = vector.extract_strided_slice %get3A_95 {offsets = [6], sizes = [1], strides = [1]} : vector<16xi32> to vector<1xi32>
          %squeeze3A_267 = vector.extract %slice3A_266[0] : i32 from vector<1xi32>
          %shift_right_logical3A_268 = arith.constant 3 : i32
          %shift_right_logical3A_269 = arith.shrui %squeeze3A_267, %shift_right_logical3A_268 : i32
          %shift_left3A_270 = arith.constant 3 : i32
          %shift_left3A_271 = arith.shli %shift_right_logical3A_269, %shift_left3A_270 : i32
          %multiple_of3A_272 = tpu.assume_multiple %shift_left3A_271, 8 : i32
          %shift_right_logical3A_273 = arith.constant 7 : i32
          %shift_right_logical3A_274 = arith.shrui %squeeze3A_265, %shift_right_logical3A_273 : i32
          %shift_left3A_275 = arith.constant 7 : i32
          %shift_left3A_276 = arith.shli %shift_right_logical3A_274, %shift_left3A_275 : i32
          %multiple_of3A_277 = tpu.assume_multiple %shift_left3A_276, 128 : i32
          %mul3A_278 = arith.constant 16 : i32
          %mul3A_279 = arith.muli %scan3A_81, %mul3A_278 : i32
          %add3A_280 = arith.constant 6 : i32
          %add3A_281 = arith.addi %mul3A_279, %add3A_280 : i32
          %dma_start3A_282 = arith.constant 0 : i32
          %dma_start3A_283 = arith.constant 0 : i32
          %dma_start3A_284 = arith.constant 0 : i32
          %dma_start3A_285 = tpu.memref_slice %arg11[%dma_start3A_282, %add3A_281, %dma_start3A_283, %dma_start3A_284] : memref<2x32x8x128xf32, #tpu.memory_space<vmem>> -> memref<1x1x8x128xf32, #tpu.memory_space<vmem>>
          %dma_start3A_286 = tpu.memref_squeeze %dma_start3A_285 : memref<1x1x8x128xf32, #tpu.memory_space<vmem>> -> memref<8x128xf32, #tpu.memory_space<vmem>>
          %dma_start3A_287 = tpu.memref_slice %arg6[%multiple_of3A_272, %multiple_of3A_277] : memref<64x1000000xf32, #tpu.memory_space<hbm>> -> memref<8x128xf32, #tpu.memory_space<hbm>>
          %dma_start3A_288 = arith.constant 0 : i32
          %dma_start3A_289 = arith.constant 0 : i32
          %dma_start3A_290 = tpu.memref_slice %arg11[%dma_start3A_282, %add3A_281, %dma_start3A_288, %dma_start3A_289] : memref<2x32x8x128xf32, #tpu.memory_space<vmem>> -> memref<1x1x8x128xf32, #tpu.memory_space<vmem>>
          %dma_start3A_291 = tpu.memref_squeeze %dma_start3A_290 : memref<1x1x8x128xf32, #tpu.memory_space<vmem>> -> memref<8x128xf32, #tpu.memory_space<vmem>>
          %dma_start3A_292 = tpu.memref_slice %arg6[%multiple_of3A_272, %multiple_of3A_277] : memref<64x1000000xf32, #tpu.memory_space<hbm>> -> memref<8x128xf32, #tpu.memory_space<hbm>>
          tpu.enqueue_dma source(%dma_start3A_292 : memref<8x128xf32, #tpu.memory_space<hbm>>) target(%dma_start3A_291 : memref<8x128xf32, #tpu.memory_space<vmem>>) target_semaphore(%arg16 : memref<!tpu.dma_semaphore, #tpu.memory_space<semaphore_mem>>)
          %slice3A_293 = vector.extract_strided_slice %get3A_88 {offsets = [7], sizes = [1], strides = [1]} : vector<16xi32> to vector<1xi32>
          %squeeze3A_294 = vector.extract %slice3A_293[0] : i32 from vector<1xi32>
          %slice3A_295 = vector.extract_strided_slice %get3A_95 {offsets = [7], sizes = [1], strides = [1]} : vector<16xi32> to vector<1xi32>
          %squeeze3A_296 = vector.extract %slice3A_295[0] : i32 from vector<1xi32>
          %shift_right_logical3A_297 = arith.constant 3 : i32
          %shift_right_logical3A_298 = arith.shrui %squeeze3A_296, %shift_right_logical3A_297 : i32
          %shift_left3A_299 = arith.constant 3 : i32
          %shift_left3A_300 = arith.shli %shift_right_logical3A_298, %shift_left3A_299 : i32
          %multiple_of3A_301 = tpu.assume_multiple %shift_left3A_300, 8 : i32
          %shift_right_logical3A_302 = arith.constant 7 : i32
          %shift_right_logical3A_303 = arith.shrui %squeeze3A_294, %shift_right_logical3A_302 : i32
          %shift_left3A_304 = arith.constant 7 : i32
          %shift_left3A_305 = arith.shli %shift_right_logical3A_303, %shift_left3A_304 : i32
          %multiple_of3A_306 = tpu.assume_multiple %shift_left3A_305, 128 : i32
          %mul3A_307 = arith.constant 16 : i32
          %mul3A_308 = arith.muli %scan3A_81, %mul3A_307 : i32
          %add3A_309 = arith.constant 7 : i32
          %add3A_310 = arith.addi %mul3A_308, %add3A_309 : i32
          %dma_start3A_311 = arith.constant 0 : i32
          %dma_start3A_312 = arith.constant 0 : i32
          %dma_start3A_313 = arith.constant 0 : i32
          %dma_start3A_314 = tpu.memref_slice %arg11[%dma_start3A_311, %add3A_310, %dma_start3A_312, %dma_start3A_313] : memref<2x32x8x128xf32, #tpu.memory_space<vmem>> -> memref<1x1x8x128xf32, #tpu.memory_space<vmem>>
          %dma_start3A_315 = tpu.memref_squeeze %dma_start3A_314 : memref<1x1x8x128xf32, #tpu.memory_space<vmem>> -> memref<8x128xf32, #tpu.memory_space<vmem>>
          %dma_start3A_316 = tpu.memref_slice %arg6[%multiple_of3A_301, %multiple_of3A_306] : memref<64x1000000xf32, #tpu.memory_space<hbm>> -> memref<8x128xf32, #tpu.memory_space<hbm>>
          %dma_start3A_317 = arith.constant 0 : i32
          %dma_start3A_318 = arith.constant 0 : i32
          %dma_start3A_319 = tpu.memref_slice %arg11[%dma_start3A_311, %add3A_310, %dma_start3A_317, %dma_start3A_318] : memref<2x32x8x128xf32, #tpu.memory_space<vmem>> -> memref<1x1x8x128xf32, #tpu.memory_space<vmem>>
          %dma_start3A_320 = tpu.memref_squeeze %dma_start3A_319 : memref<1x1x8x128xf32, #tpu.memory_space<vmem>> -> memref<8x128xf32, #tpu.memory_space<vmem>>
          %dma_start3A_321 = tpu.memref_slice %arg6[%multiple_of3A_301, %multiple_of3A_306] : memref<64x1000000xf32, #tpu.memory_space<hbm>> -> memref<8x128xf32, #tpu.memory_space<hbm>>
          tpu.enqueue_dma source(%dma_start3A_321 : memref<8x128xf32, #tpu.memory_space<hbm>>) target(%dma_start3A_320 : memref<8x128xf32, #tpu.memory_space<vmem>>) target_semaphore(%arg16 : memref<!tpu.dma_semaphore, #tpu.memory_space<semaphore_mem>>)
          %slice3A_322 = vector.extract_strided_slice %get3A_88 {offsets = [8], sizes = [1], strides = [1]} : vector<16xi32> to vector<1xi32>
          %squeeze3A_323 = vector.extract %slice3A_322[0] : i32 from vector<1xi32>
          %slice3A_324 = vector.extract_strided_slice %get3A_95 {offsets = [8], sizes = [1], strides = [1]} : vector<16xi32> to vector<1xi32>
          %squeeze3A_325 = vector.extract %slice3A_324[0] : i32 from vector<1xi32>
          %shift_right_logical3A_326 = arith.constant 3 : i32
          %shift_right_logical3A_327 = arith.shrui %squeeze3A_325, %shift_right_logical3A_326 : i32
          %shift_left3A_328 = arith.constant 3 : i32
          %shift_left3A_329 = arith.shli %shift_right_logical3A_327, %shift_left3A_328 : i32
          %multiple_of3A_330 = tpu.assume_multiple %shift_left3A_329, 8 : i32
          %shift_right_logical3A_331 = arith.constant 7 : i32
          %shift_right_logical3A_332 = arith.shrui %squeeze3A_323, %shift_right_logical3A_331 : i32
          %shift_left3A_333 = arith.constant 7 : i32
          %shift_left3A_334 = arith.shli %shift_right_logical3A_332, %shift_left3A_333 : i32
          %multiple_of3A_335 = tpu.assume_multiple %shift_left3A_334, 128 : i32
          %mul3A_336 = arith.constant 16 : i32
          %mul3A_337 = arith.muli %scan3A_81, %mul3A_336 : i32
          %add3A_338 = arith.constant 8 : i32
          %add3A_339 = arith.addi %mul3A_337, %add3A_338 : i32
          %dma_start3A_340 = arith.constant 0 : i32
          %dma_start3A_341 = arith.constant 0 : i32
          %dma_start3A_342 = arith.constant 0 : i32
          %dma_start3A_343 = tpu.memref_slice %arg11[%dma_start3A_340, %add3A_339, %dma_start3A_341, %dma_start3A_342] : memref<2x32x8x128xf32, #tpu.memory_space<vmem>> -> memref<1x1x8x128xf32, #tpu.memory_space<vmem>>
          %dma_start3A_344 = tpu.memref_squeeze %dma_start3A_343 : memref<1x1x8x128xf32, #tpu.memory_space<vmem>> -> memref<8x128xf32, #tpu.memory_space<vmem>>
          %dma_start3A_345 = tpu.memref_slice %arg6[%multiple_of3A_330, %multiple_of3A_335] : memref<64x1000000xf32, #tpu.memory_space<hbm>> -> memref<8x128xf32, #tpu.memory_space<hbm>>
          %dma_start3A_346 = arith.constant 0 : i32
          %dma_start3A_347 = arith.constant 0 : i32
          %dma_start3A_348 = tpu.memref_slice %arg11[%dma_start3A_340, %add3A_339, %dma_start3A_346, %dma_start3A_347] : memref<2x32x8x128xf32, #tpu.memory_space<vmem>> -> memref<1x1x8x128xf32, #tpu.memory_space<vmem>>
          %dma_start3A_349 = tpu.memref_squeeze %dma_start3A_348 : memref<1x1x8x128xf32, #tpu.memory_space<vmem>> -> memref<8x128xf32, #tpu.memory_space<vmem>>
          %dma_start3A_350 = tpu.memref_slice %arg6[%multiple_of3A_330, %multiple_of3A_335] : memref<64x1000000xf32, #tpu.memory_space<hbm>> -> memref<8x128xf32, #tpu.memory_space<hbm>>
          tpu.enqueue_dma source(%dma_start3A_350 : memref<8x128xf32, #tpu.memory_space<hbm>>) target(%dma_start3A_349 : memref<8x128xf32, #tpu.memory_space<vmem>>) target_semaphore(%arg16 : memref<!tpu.dma_semaphore, #tpu.memory_space<semaphore_mem>>)
          %slice3A_351 = vector.extract_strided_slice %get3A_88 {offsets = [9], sizes = [1], strides = [1]} : vector<16xi32> to vector<1xi32>
          %squeeze3A_352 = vector.extract %slice3A_351[0] : i32 from vector<1xi32>
          %slice3A_353 = vector.extract_strided_slice %get3A_95 {offsets = [9], sizes = [1], strides = [1]} : vector<16xi32> to vector<1xi32>
          %squeeze3A_354 = vector.extract %slice3A_353[0] : i32 from vector<1xi32>
          %shift_right_logical3A_355 = arith.constant 3 : i32
          %shift_right_logical3A_356 = arith.shrui %squeeze3A_354, %shift_right_logical3A_355 : i32
          %shift_left3A_357 = arith.constant 3 : i32
          %shift_left3A_358 = arith.shli %shift_right_logical3A_356, %shift_left3A_357 : i32
          %multiple_of3A_359 = tpu.assume_multiple %shift_left3A_358, 8 : i32
          %shift_right_logical3A_360 = arith.constant 7 : i32
          %shift_right_logical3A_361 = arith.shrui %squeeze3A_352, %shift_right_logical3A_360 : i32
          %shift_left3A_362 = arith.constant 7 : i32
          %shift_left3A_363 = arith.shli %shift_right_logical3A_361, %shift_left3A_362 : i32
          %multiple_of3A_364 = tpu.assume_multiple %shift_left3A_363, 128 : i32
          %mul3A_365 = arith.constant 16 : i32
          %mul3A_366 = arith.muli %scan3A_81, %mul3A_365 : i32
          %add3A_367 = arith.constant 9 : i32
          %add3A_368 = arith.addi %mul3A_366, %add3A_367 : i32
          %dma_start3A_369 = arith.constant 0 : i32
          %dma_start3A_370 = arith.constant 0 : i32
          %dma_start3A_371 = arith.constant 0 : i32
          %dma_start3A_372 = tpu.memref_slice %arg11[%dma_start3A_369, %add3A_368, %dma_start3A_370, %dma_start3A_371] : memref<2x32x8x128xf32, #tpu.memory_space<vmem>> -> memref<1x1x8x128xf32, #tpu.memory_space<vmem>>
          %dma_start3A_373 = tpu.memref_squeeze %dma_start3A_372 : memref<1x1x8x128xf32, #tpu.memory_space<vmem>> -> memref<8x128xf32, #tpu.memory_space<vmem>>
          %dma_start3A_374 = tpu.memref_slice %arg6[%multiple_of3A_359, %multiple_of3A_364] : memref<64x1000000xf32, #tpu.memory_space<hbm>> -> memref<8x128xf32, #tpu.memory_space<hbm>>
          %dma_start3A_375 = arith.constant 0 : i32
          %dma_start3A_376 = arith.constant 0 : i32
          %dma_start3A_377 = tpu.memref_slice %arg11[%dma_start3A_369, %add3A_368, %dma_start3A_375, %dma_start3A_376] : memref<2x32x8x128xf32, #tpu.memory_space<vmem>> -> memref<1x1x8x128xf32, #tpu.memory_space<vmem>>
          %dma_start3A_378 = tpu.memref_squeeze %dma_start3A_377 : memref<1x1x8x128xf32, #tpu.memory_space<vmem>> -> memref<8x128xf32, #tpu.memory_space<vmem>>
          %dma_start3A_379 = tpu.memref_slice %arg6[%multiple_of3A_359, %multiple_of3A_364] : memref<64x1000000xf32, #tpu.memory_space<hbm>> -> memref<8x128xf32, #tpu.memory_space<hbm>>
          tpu.enqueue_dma source(%dma_start3A_379 : memref<8x128xf32, #tpu.memory_space<hbm>>) target(%dma_start3A_378 : memref<8x128xf32, #tpu.memory_space<vmem>>) target_semaphore(%arg16 : memref<!tpu.dma_semaphore, #tpu.memory_space<semaphore_mem>>)
          %slice3A_380 = vector.extract_strided_slice %get3A_88 {offsets = [10], sizes = [1], strides = [1]} : vector<16xi32> to vector<1xi32>
          %squeeze3A_381 = vector.extract %slice3A_380[0] : i32 from vector<1xi32>
          %slice3A_382 = vector.extract_strided_slice %get3A_95 {offsets = [10], sizes = [1], strides = [1]} : vector<16xi32> to vector<1xi32>
          %squeeze3A_383 = vector.extract %slice3A_382[0] : i32 from vector<1xi32>
          %shift_right_logical3A_384 = arith.constant 3 : i32
          %shift_right_logical3A_385 = arith.shrui %squeeze3A_383, %shift_right_logical3A_384 : i32
          %shift_left3A_386 = arith.constant 3 : i32
          %shift_left3A_387 = arith.shli %shift_right_logical3A_385, %shift_left3A_386 : i32
          %multiple_of3A_388 = tpu.assume_multiple %shift_left3A_387, 8 : i32
          %shift_right_logical3A_389 = arith.constant 7 : i32
          %shift_right_logical3A_390 = arith.shrui %squeeze3A_381, %shift_right_logical3A_389 : i32
          %shift_left3A_391 = arith.constant 7 : i32
          %shift_left3A_392 = arith.shli %shift_right_logical3A_390, %shift_left3A_391 : i32
          %multiple_of3A_393 = tpu.assume_multiple %shift_left3A_392, 128 : i32
          %mul3A_394 = arith.constant 16 : i32
          %mul3A_395 = arith.muli %scan3A_81, %mul3A_394 : i32
          %add3A_396 = arith.constant 10 : i32
          %add3A_397 = arith.addi %mul3A_395, %add3A_396 : i32
          %dma_start3A_398 = arith.constant 0 : i32
          %dma_start3A_399 = arith.constant 0 : i32
          %dma_start3A_400 = arith.constant 0 : i32
          %dma_start3A_401 = tpu.memref_slice %arg11[%dma_start3A_398, %add3A_397, %dma_start3A_399, %dma_start3A_400] : memref<2x32x8x128xf32, #tpu.memory_space<vmem>> -> memref<1x1x8x128xf32, #tpu.memory_space<vmem>>
          %dma_start3A_402 = tpu.memref_squeeze %dma_start3A_401 : memref<1x1x8x128xf32, #tpu.memory_space<vmem>> -> memref<8x128xf32, #tpu.memory_space<vmem>>
          %dma_start3A_403 = tpu.memref_slice %arg6[%multiple_of3A_388, %multiple_of3A_393] : memref<64x1000000xf32, #tpu.memory_space<hbm>> -> memref<8x128xf32, #tpu.memory_space<hbm>>
          %dma_start3A_404 = arith.constant 0 : i32
          %dma_start3A_405 = arith.constant 0 : i32
          %dma_start3A_406 = tpu.memref_slice %arg11[%dma_start3A_398, %add3A_397, %dma_start3A_404, %dma_start3A_405] : memref<2x32x8x128xf32, #tpu.memory_space<vmem>> -> memref<1x1x8x128xf32, #tpu.memory_space<vmem>>
          %dma_start3A_407 = tpu.memref_squeeze %dma_start3A_406 : memref<1x1x8x128xf32, #tpu.memory_space<vmem>> -> memref<8x128xf32, #tpu.memory_space<vmem>>
          %dma_start3A_408 = tpu.memref_slice %arg6[%multiple_of3A_388, %multiple_of3A_393] : memref<64x1000000xf32, #tpu.memory_space<hbm>> -> memref<8x128xf32, #tpu.memory_space<hbm>>
          tpu.enqueue_dma source(%dma_start3A_408 : memref<8x128xf32, #tpu.memory_space<hbm>>) target(%dma_start3A_407 : memref<8x128xf32, #tpu.memory_space<vmem>>) target_semaphore(%arg16 : memref<!tpu.dma_semaphore, #tpu.memory_space<semaphore_mem>>)
          %slice3A_409 = vector.extract_strided_slice %get3A_88 {offsets = [11], sizes = [1], strides = [1]} : vector<16xi32> to vector<1xi32>
          %squeeze3A_410 = vector.extract %slice3A_409[0] : i32 from vector<1xi32>
          %slice3A_411 = vector.extract_strided_slice %get3A_95 {offsets = [11], sizes = [1], strides = [1]} : vector<16xi32> to vector<1xi32>
          %squeeze3A_412 = vector.extract %slice3A_411[0] : i32 from vector<1xi32>
          %shift_right_logical3A_413 = arith.constant 3 : i32
          %shift_right_logical3A_414 = arith.shrui %squeeze3A_412, %shift_right_logical3A_413 : i32
          %shift_left3A_415 = arith.constant 3 : i32
          %shift_left3A_416 = arith.shli %shift_right_logical3A_414, %shift_left3A_415 : i32
          %multiple_of3A_417 = tpu.assume_multiple %shift_left3A_416, 8 : i32
          %shift_right_logical3A_418 = arith.constant 7 : i32
          %shift_right_logical3A_419 = arith.shrui %squeeze3A_410, %shift_right_logical3A_418 : i32
          %shift_left3A_420 = arith.constant 7 : i32
          %shift_left3A_421 = arith.shli %shift_right_logical3A_419, %shift_left3A_420 : i32
          %multiple_of3A_422 = tpu.assume_multiple %shift_left3A_421, 128 : i32
          %mul3A_423 = arith.constant 16 : i32
          %mul3A_424 = arith.muli %scan3A_81, %mul3A_423 : i32
          %add3A_425 = arith.constant 11 : i32
          %add3A_426 = arith.addi %mul3A_424, %add3A_425 : i32
          %dma_start3A_427 = arith.constant 0 : i32
          %dma_start3A_428 = arith.constant 0 : i32
          %dma_start3A_429 = arith.constant 0 : i32
          %dma_start3A_430 = tpu.memref_slice %arg11[%dma_start3A_427, %add3A_426, %dma_start3A_428, %dma_start3A_429] : memref<2x32x8x128xf32, #tpu.memory_space<vmem>> -> memref<1x1x8x128xf32, #tpu.memory_space<vmem>>
          %dma_start3A_431 = tpu.memref_squeeze %dma_start3A_430 : memref<1x1x8x128xf32, #tpu.memory_space<vmem>> -> memref<8x128xf32, #tpu.memory_space<vmem>>
          %dma_start3A_432 = tpu.memref_slice %arg6[%multiple_of3A_417, %multiple_of3A_422] : memref<64x1000000xf32, #tpu.memory_space<hbm>> -> memref<8x128xf32, #tpu.memory_space<hbm>>
          %dma_start3A_433 = arith.constant 0 : i32
          %dma_start3A_434 = arith.constant 0 : i32
          %dma_start3A_435 = tpu.memref_slice %arg11[%dma_start3A_427, %add3A_426, %dma_start3A_433, %dma_start3A_434] : memref<2x32x8x128xf32, #tpu.memory_space<vmem>> -> memref<1x1x8x128xf32, #tpu.memory_space<vmem>>
          %dma_start3A_436 = tpu.memref_squeeze %dma_start3A_435 : memref<1x1x8x128xf32, #tpu.memory_space<vmem>> -> memref<8x128xf32, #tpu.memory_space<vmem>>
          %dma_start3A_437 = tpu.memref_slice %arg6[%multiple_of3A_417, %multiple_of3A_422] : memref<64x1000000xf32, #tpu.memory_space<hbm>> -> memref<8x128xf32, #tpu.memory_space<hbm>>
          tpu.enqueue_dma source(%dma_start3A_437 : memref<8x128xf32, #tpu.memory_space<hbm>>) target(%dma_start3A_436 : memref<8x128xf32, #tpu.memory_space<vmem>>) target_semaphore(%arg16 : memref<!tpu.dma_semaphore, #tpu.memory_space<semaphore_mem>>)
          %slice3A_438 = vector.extract_strided_slice %get3A_88 {offsets = [12], sizes = [1], strides = [1]} : vector<16xi32> to vector<1xi32>
          %squeeze3A_439 = vector.extract %slice3A_438[0] : i32 from vector<1xi32>
          %slice3A_440 = vector.extract_strided_slice %get3A_95 {offsets = [12], sizes = [1], strides = [1]} : vector<16xi32> to vector<1xi32>
          %squeeze3A_441 = vector.extract %slice3A_440[0] : i32 from vector<1xi32>
          %shift_right_logical3A_442 = arith.constant 3 : i32
          %shift_right_logical3A_443 = arith.shrui %squeeze3A_441, %shift_right_logical3A_442 : i32
          %shift_left3A_444 = arith.constant 3 : i32
          %shift_left3A_445 = arith.shli %shift_right_logical3A_443, %shift_left3A_444 : i32
          %multiple_of3A_446 = tpu.assume_multiple %shift_left3A_445, 8 : i32
          %shift_right_logical3A_447 = arith.constant 7 : i32
          %shift_right_logical3A_448 = arith.shrui %squeeze3A_439, %shift_right_logical3A_447 : i32
          %shift_left3A_449 = arith.constant 7 : i32
          %shift_left3A_450 = arith.shli %shift_right_logical3A_448, %shift_left3A_449 : i32
          %multiple_of3A_451 = tpu.assume_multiple %shift_left3A_450, 128 : i32
          %mul3A_452 = arith.constant 16 : i32
          %mul3A_453 = arith.muli %scan3A_81, %mul3A_452 : i32
          %add3A_454 = arith.constant 12 : i32
          %add3A_455 = arith.addi %mul3A_453, %add3A_454 : i32
          %dma_start3A_456 = arith.constant 0 : i32
          %dma_start3A_457 = arith.constant 0 : i32
          %dma_start3A_458 = arith.constant 0 : i32
          %dma_start3A_459 = tpu.memref_slice %arg11[%dma_start3A_456, %add3A_455, %dma_start3A_457, %dma_start3A_458] : memref<2x32x8x128xf32, #tpu.memory_space<vmem>> -> memref<1x1x8x128xf32, #tpu.memory_space<vmem>>
          %dma_start3A_460 = tpu.memref_squeeze %dma_start3A_459 : memref<1x1x8x128xf32, #tpu.memory_space<vmem>> -> memref<8x128xf32, #tpu.memory_space<vmem>>
          %dma_start3A_461 = tpu.memref_slice %arg6[%multiple_of3A_446, %multiple_of3A_451] : memref<64x1000000xf32, #tpu.memory_space<hbm>> -> memref<8x128xf32, #tpu.memory_space<hbm>>
          %dma_start3A_462 = arith.constant 0 : i32
          %dma_start3A_463 = arith.constant 0 : i32
          %dma_start3A_464 = tpu.memref_slice %arg11[%dma_start3A_456, %add3A_455, %dma_start3A_462, %dma_start3A_463] : memref<2x32x8x128xf32, #tpu.memory_space<vmem>> -> memref<1x1x8x128xf32, #tpu.memory_space<vmem>>
          %dma_start3A_465 = tpu.memref_squeeze %dma_start3A_464 : memref<1x1x8x128xf32, #tpu.memory_space<vmem>> -> memref<8x128xf32, #tpu.memory_space<vmem>>
          %dma_start3A_466 = tpu.memref_slice %arg6[%multiple_of3A_446, %multiple_of3A_451] : memref<64x1000000xf32, #tpu.memory_space<hbm>> -> memref<8x128xf32, #tpu.memory_space<hbm>>
          tpu.enqueue_dma source(%dma_start3A_466 : memref<8x128xf32, #tpu.memory_space<hbm>>) target(%dma_start3A_465 : memref<8x128xf32, #tpu.memory_space<vmem>>) target_semaphore(%arg16 : memref<!tpu.dma_semaphore, #tpu.memory_space<semaphore_mem>>)
          %slice3A_467 = vector.extract_strided_slice %get3A_88 {offsets = [13], sizes = [1], strides = [1]} : vector<16xi32> to vector<1xi32>
          %squeeze3A_468 = vector.extract %slice3A_467[0] : i32 from vector<1xi32>
          %slice3A_469 = vector.extract_strided_slice %get3A_95 {offsets = [13], sizes = [1], strides = [1]} : vector<16xi32> to vector<1xi32>
          %squeeze3A_470 = vector.extract %slice3A_469[0] : i32 from vector<1xi32>
          %shift_right_logical3A_471 = arith.constant 3 : i32
          %shift_right_logical3A_472 = arith.shrui %squeeze3A_470, %shift_right_logical3A_471 : i32
          %shift_left3A_473 = arith.constant 3 : i32
          %shift_left3A_474 = arith.shli %shift_right_logical3A_472, %shift_left3A_473 : i32
          %multiple_of3A_475 = tpu.assume_multiple %shift_left3A_474, 8 : i32
          %shift_right_logical3A_476 = arith.constant 7 : i32
          %shift_right_logical3A_477 = arith.shrui %squeeze3A_468, %shift_right_logical3A_476 : i32
          %shift_left3A_478 = arith.constant 7 : i32
          %shift_left3A_479 = arith.shli %shift_right_logical3A_477, %shift_left3A_478 : i32
          %multiple_of3A_480 = tpu.assume_multiple %shift_left3A_479, 128 : i32
          %mul3A_481 = arith.constant 16 : i32
          %mul3A_482 = arith.muli %scan3A_81, %mul3A_481 : i32
          %add3A_483 = arith.constant 13 : i32
          %add3A_484 = arith.addi %mul3A_482, %add3A_483 : i32
          %dma_start3A_485 = arith.constant 0 : i32
          %dma_start3A_486 = arith.constant 0 : i32
          %dma_start3A_487 = arith.constant 0 : i32
          %dma_start3A_488 = tpu.memref_slice %arg11[%dma_start3A_485, %add3A_484, %dma_start3A_486, %dma_start3A_487] : memref<2x32x8x128xf32, #tpu.memory_space<vmem>> -> memref<1x1x8x128xf32, #tpu.memory_space<vmem>>
          %dma_start3A_489 = tpu.memref_squeeze %dma_start3A_488 : memref<1x1x8x128xf32, #tpu.memory_space<vmem>> -> memref<8x128xf32, #tpu.memory_space<vmem>>
          %dma_start3A_490 = tpu.memref_slice %arg6[%multiple_of3A_475, %multiple_of3A_480] : memref<64x1000000xf32, #tpu.memory_space<hbm>> -> memref<8x128xf32, #tpu.memory_space<hbm>>
          %dma_start3A_491 = arith.constant 0 : i32
          %dma_start3A_492 = arith.constant 0 : i32
          %dma_start3A_493 = tpu.memref_slice %arg11[%dma_start3A_485, %add3A_484, %dma_start3A_491, %dma_start3A_492] : memref<2x32x8x128xf32, #tpu.memory_space<vmem>> -> memref<1x1x8x128xf32, #tpu.memory_space<vmem>>
          %dma_start3A_494 = tpu.memref_squeeze %dma_start3A_493 : memref<1x1x8x128xf32, #tpu.memory_space<vmem>> -> memref<8x128xf32, #tpu.memory_space<vmem>>
          %dma_start3A_495 = tpu.memref_slice %arg6[%multiple_of3A_475, %multiple_of3A_480] : memref<64x1000000xf32, #tpu.memory_space<hbm>> -> memref<8x128xf32, #tpu.memory_space<hbm>>
          tpu.enqueue_dma source(%dma_start3A_495 : memref<8x128xf32, #tpu.memory_space<hbm>>) target(%dma_start3A_494 : memref<8x128xf32, #tpu.memory_space<vmem>>) target_semaphore(%arg16 : memref<!tpu.dma_semaphore, #tpu.memory_space<semaphore_mem>>)
          %slice3A_496 = vector.extract_strided_slice %get3A_88 {offsets = [14], sizes = [1], strides = [1]} : vector<16xi32> to vector<1xi32>
          %squeeze3A_497 = vector.extract %slice3A_496[0] : i32 from vector<1xi32>
          %slice3A_498 = vector.extract_strided_slice %get3A_95 {offsets = [14], sizes = [1], strides = [1]} : vector<16xi32> to vector<1xi32>
          %squeeze3A_499 = vector.extract %slice3A_498[0] : i32 from vector<1xi32>
          %shift_right_logical3A_500 = arith.constant 3 : i32
          %shift_right_logical3A_501 = arith.shrui %squeeze3A_499, %shift_right_logical3A_500 : i32
          %shift_left3A_502 = arith.constant 3 : i32
          %shift_left3A_503 = arith.shli %shift_right_logical3A_501, %shift_left3A_502 : i32
          %multiple_of3A_504 = tpu.assume_multiple %shift_left3A_503, 8 : i32
          %shift_right_logical3A_505 = arith.constant 7 : i32
          %shift_right_logical3A_506 = arith.shrui %squeeze3A_497, %shift_right_logical3A_505 : i32
          %shift_left3A_507 = arith.constant 7 : i32
          %shift_left3A_508 = arith.shli %shift_right_logical3A_506, %shift_left3A_507 : i32
          %multiple_of3A_509 = tpu.assume_multiple %shift_left3A_508, 128 : i32
          %mul3A_510 = arith.constant 16 : i32
          %mul3A_511 = arith.muli %scan3A_81, %mul3A_510 : i32
          %add3A_512 = arith.constant 14 : i32
          %add3A_513 = arith.addi %mul3A_511, %add3A_512 : i32
          %dma_start3A_514 = arith.constant 0 : i32
          %dma_start3A_515 = arith.constant 0 : i32
          %dma_start3A_516 = arith.constant 0 : i32
          %dma_start3A_517 = tpu.memref_slice %arg11[%dma_start3A_514, %add3A_513, %dma_start3A_515, %dma_start3A_516] : memref<2x32x8x128xf32, #tpu.memory_space<vmem>> -> memref<1x1x8x128xf32, #tpu.memory_space<vmem>>
          %dma_start3A_518 = tpu.memref_squeeze %dma_start3A_517 : memref<1x1x8x128xf32, #tpu.memory_space<vmem>> -> memref<8x128xf32, #tpu.memory_space<vmem>>
          %dma_start3A_519 = tpu.memref_slice %arg6[%multiple_of3A_504, %multiple_of3A_509] : memref<64x1000000xf32, #tpu.memory_space<hbm>> -> memref<8x128xf32, #tpu.memory_space<hbm>>
          %dma_start3A_520 = arith.constant 0 : i32
          %dma_start3A_521 = arith.constant 0 : i32
          %dma_start3A_522 = tpu.memref_slice %arg11[%dma_start3A_514, %add3A_513, %dma_start3A_520, %dma_start3A_521] : memref<2x32x8x128xf32, #tpu.memory_space<vmem>> -> memref<1x1x8x128xf32, #tpu.memory_space<vmem>>
          %dma_start3A_523 = tpu.memref_squeeze %dma_start3A_522 : memref<1x1x8x128xf32, #tpu.memory_space<vmem>> -> memref<8x128xf32, #tpu.memory_space<vmem>>
          %dma_start3A_524 = tpu.memref_slice %arg6[%multiple_of3A_504, %multiple_of3A_509] : memref<64x1000000xf32, #tpu.memory_space<hbm>> -> memref<8x128xf32, #tpu.memory_space<hbm>>
          tpu.enqueue_dma source(%dma_start3A_524 : memref<8x128xf32, #tpu.memory_space<hbm>>) target(%dma_start3A_523 : memref<8x128xf32, #tpu.memory_space<vmem>>) target_semaphore(%arg16 : memref<!tpu.dma_semaphore, #tpu.memory_space<semaphore_mem>>)
          %slice3A_525 = vector.extract_strided_slice %get3A_88 {offsets = [15], sizes = [1], strides = [1]} : vector<16xi32> to vector<1xi32>
          %squeeze3A_526 = vector.extract %slice3A_525[0] : i32 from vector<1xi32>
          %slice3A_527 = vector.extract_strided_slice %get3A_95 {offsets = [15], sizes = [1], strides = [1]} : vector<16xi32> to vector<1xi32>
          %squeeze3A_528 = vector.extract %slice3A_527[0] : i32 from vector<1xi32>
          %shift_right_logical3A_529 = arith.constant 3 : i32
          %shift_right_logical3A_530 = arith.shrui %squeeze3A_528, %shift_right_logical3A_529 : i32
          %shift_left3A_531 = arith.constant 3 : i32
          %shift_left3A_532 = arith.shli %shift_right_logical3A_530, %shift_left3A_531 : i32
          %multiple_of3A_533 = tpu.assume_multiple %shift_left3A_532, 8 : i32
          %shift_right_logical3A_534 = arith.constant 7 : i32
          %shift_right_logical3A_535 = arith.shrui %squeeze3A_526, %shift_right_logical3A_534 : i32
          %shift_left3A_536 = arith.constant 7 : i32
          %shift_left3A_537 = arith.shli %shift_right_logical3A_535, %shift_left3A_536 : i32
          %multiple_of3A_538 = tpu.assume_multiple %shift_left3A_537, 128 : i32
          %mul3A_539 = arith.constant 16 : i32
          %mul3A_540 = arith.muli %scan3A_81, %mul3A_539 : i32
          %add3A_541 = arith.constant 15 : i32
          %add3A_542 = arith.addi %mul3A_540, %add3A_541 : i32
          %dma_start3A_543 = arith.constant 0 : i32
          %dma_start3A_544 = arith.constant 0 : i32
          %dma_start3A_545 = arith.constant 0 : i32
          %dma_start3A_546 = tpu.memref_slice %arg11[%dma_start3A_543, %add3A_542, %dma_start3A_544, %dma_start3A_545] : memref<2x32x8x128xf32, #tpu.memory_space<vmem>> -> memref<1x1x8x128xf32, #tpu.memory_space<vmem>>
          %dma_start3A_547 = tpu.memref_squeeze %dma_start3A_546 : memref<1x1x8x128xf32, #tpu.memory_space<vmem>> -> memref<8x128xf32, #tpu.memory_space<vmem>>
          %dma_start3A_548 = tpu.memref_slice %arg6[%multiple_of3A_533, %multiple_of3A_538] : memref<64x1000000xf32, #tpu.memory_space<hbm>> -> memref<8x128xf32, #tpu.memory_space<hbm>>
          %dma_start3A_549 = arith.constant 0 : i32
          %dma_start3A_550 = arith.constant 0 : i32
          %dma_start3A_551 = tpu.memref_slice %arg11[%dma_start3A_543, %add3A_542, %dma_start3A_549, %dma_start3A_550] : memref<2x32x8x128xf32, #tpu.memory_space<vmem>> -> memref<1x1x8x128xf32, #tpu.memory_space<vmem>>
          %dma_start3A_552 = tpu.memref_squeeze %dma_start3A_551 : memref<1x1x8x128xf32, #tpu.memory_space<vmem>> -> memref<8x128xf32, #tpu.memory_space<vmem>>
          %dma_start3A_553 = tpu.memref_slice %arg6[%multiple_of3A_533, %multiple_of3A_538] : memref<64x1000000xf32, #tpu.memory_space<hbm>> -> memref<8x128xf32, #tpu.memory_space<hbm>>
          tpu.enqueue_dma source(%dma_start3A_553 : memref<8x128xf32, #tpu.memory_space<hbm>>) target(%dma_start3A_552 : memref<8x128xf32, #tpu.memory_space<vmem>>) target_semaphore(%arg16 : memref<!tpu.dma_semaphore, #tpu.memory_space<semaphore_mem>>)
        }
        %scan3A_80 = arith.constant 2 : i32
      } else {
      }
      %scan3A_54 = arith.constant 0 : i32
      %scan3A_55 = arith.constant 32 : i32
      %scan3A_56 = arith.addi %scan3A_54, %scan3A_55 : i32
      %scan3A_57 = arith.constant 1 : i32
      scf.for %scan3A_72 = %scan3A_54 to %scan3A_56 step %scan3A_57  : i32 {
        %dma_wait3A = arith.constant 0 : i32
        %dma_wait3A_73 = arith.constant 0 : i32
        %dma_wait3A_74 = tpu.memref_slice %arg11[%scan3A_13, %scan3A_14, %dma_wait3A, %dma_wait3A_73] : memref<2x32x8x128xf32, #tpu.memory_space<vmem>> -> memref<1x1x8x128xf32, #tpu.memory_space<vmem>>
        %dma_wait3A_75 = tpu.memref_squeeze %dma_wait3A_74 : memref<1x1x8x128xf32, #tpu.memory_space<vmem>> -> memref<8x128xf32, #tpu.memory_space<vmem>>
        %dma_wait3A_76 = arith.constant 0 : i32
        %dma_wait3A_77 = arith.constant 0 : i32
        %dma_wait3A_78 = tpu.memref_slice %arg6[%dma_wait3A_76, %dma_wait3A_77] : memref<64x1000000xf32, #tpu.memory_space<hbm>> -> memref<8x128xf32, #tpu.memory_space<hbm>>
        %dma_wait3A_79 = arith.constant 0 : i32
        %dma_wait3A_80 = arith.constant 0 : i32
        %dma_wait3A_81 = tpu.memref_slice %arg11[%scan3A_13, %scan3A_14, %dma_wait3A_79, %dma_wait3A_80] : memref<2x32x8x128xf32, #tpu.memory_space<vmem>> -> memref<1x1x8x128xf32, #tpu.memory_space<vmem>>
        %dma_wait3A_82 = tpu.memref_squeeze %dma_wait3A_81 : memref<1x1x8x128xf32, #tpu.memory_space<vmem>> -> memref<8x128xf32, #tpu.memory_space<vmem>>
        %dma_wait3A_83 = arith.constant 0 : i32
        %dma_wait3A_84 = arith.constant 0 : i32
        %dma_wait3A_85 = tpu.memref_slice %arg6[%dma_wait3A_83, %dma_wait3A_84] : memref<64x1000000xf32, #tpu.memory_space<hbm>> -> memref<8x128xf32, #tpu.memory_space<hbm>>
        tpu.wait_dma2 semaphore(%arg17 : memref<!tpu.dma_semaphore, #tpu.memory_space<semaphore_mem>>) src(%dma_wait3A_85 : memref<8x128xf32, #tpu.memory_space<hbm>>) dst(%dma_wait3A_82 : memref<8x128xf32, #tpu.memory_space<vmem>>)
      }
      %scan3A_58 = arith.constant 32 : i32
      %mul3A_59 = arith.constant 2 : i32
      %mul3A_60 = arith.muli %mul3A_59, %scan3A_24 : i32
      %add3A_61 = arith.constant 1 : i32
      %add3A_62 = arith.addi %mul3A_60, %add3A_61 : i32
      %iota3A_63 = tpu.iota {dimensions = array<i32: 0>} : vector<16xi32>
      %broadcast_in_dim3A_64 = arith.constant 1 : i32
      %broadcast_in_dim3A_65 = vector.broadcast %broadcast_in_dim3A_64 : i32 to vector<16xi32>
      %scan3A_66 = arith.constant 0 : i32
      %scan3A_67 = arith.constant 2 : i32
      %scan3A_68 = arith.addi %scan3A_66, %scan3A_67 : i32
      %scan3A_69 = arith.constant 1 : i32
      %scan3A_70 = scf.for %scan3A_72 = %scan3A_66 to %scan3A_68 step %scan3A_69 iter_args(%scan3A_73 = %scan3A_48) -> (vector<16xf32>)  : i32 {
        %mul3A_74 = arith.constant 32 : i32
        %mul3A_75 = arith.muli %add3A_62, %mul3A_74 : i32
        %mul3A_76 = arith.constant 16 : i32
        %mul3A_77 = arith.muli %scan3A_72, %mul3A_76 : i32
        %add3A_78 = arith.addi %mul3A_75, %mul3A_77 : i32
        %get3A_79 = arith.index_cast %add3A_78 : i32 to index
        %get3A_80 = tpu.vector_load %arg8[%get3A_79] {strides = array<i32>} : memref<512xi32, #tpu.memory_space<vmem>>, vector<16xi32>,
        %mul3A_81 = arith.constant 32 : i32
        %mul3A_82 = arith.muli %add3A_62, %mul3A_81 : i32
        %mul3A_83 = arith.constant 16 : i32
        %mul3A_84 = arith.muli %scan3A_72, %mul3A_83 : i32
        %add3A_85 = arith.addi %mul3A_82, %mul3A_84 : i32
        %get3A_86 = arith.index_cast %add3A_85 : i32 to index
        %get3A_87 = tpu.vector_load %arg9[%get3A_86] {strides = array<i32>} : memref<512xi32, #tpu.memory_space<vmem>>, vector<16xi32>,
        %mul3A_88 = arith.constant 16 : i32
        %mul3A_89 = arith.muli %scan3A_72, %mul3A_88 : i32
        %add3A_90 = vector.broadcast %mul3A_89 : i32 to vector<16xi32>
        %add3A_91 = arith.addi %iota3A_63, %add3A_90 : vector<16xi32>
        %broadcast_in_dim3A_92 = arith.constant 7 : i32
        %broadcast_in_dim3A_93 = vector.broadcast %broadcast_in_dim3A_92 : i32 to vector<16xi32>
        %and3A = arith.andi %get3A_87, %broadcast_in_dim3A_93 : vector<16xi32>
        %broadcast_in_dim3A_94 = arith.constant 127 : i32
        %broadcast_in_dim3A_95 = vector.broadcast %broadcast_in_dim3A_94 : i32 to vector<16xi32>
        %and3A_96 = arith.andi %get3A_80, %broadcast_in_dim3A_95 : vector<16xi32>
        %gather3A = tpu.vector_load_idx %arg11[%broadcast_in_dim3A_65, %add3A_91, %and3A, %and3A_96] : memref<2x32x8x128xf32, #tpu.memory_space<vmem>>[vector<16xi32>, vector<16xi32>, vector<16xi32>, vector<16xi32>], vector<16xf32>,
        %mul3A_97 = arith.constant 32 : i32
        %mul3A_98 = arith.muli %add3A_62, %mul3A_97 : i32
        %mul3A_99 = arith.constant 16 : i32
        %mul3A_100 = arith.muli %scan3A_72, %mul3A_99 : i32
        %add3A_101 = arith.addi %mul3A_98, %mul3A_100 : i32
        %get3A_102 = arith.index_cast %add3A_101 : i32 to index
        %get3A_103 = tpu.vector_load %arg10[%get3A_102] {strides = array<i32>} : memref<512xf32, #tpu.memory_space<vmem>>, vector<16xf32>,
        %mul3A_104 = arith.mulf %get3A_5, %gather3A : vector<16xf32>
        %sub3A = arith.subf %get3A_3, %mul3A_104 : vector<16xf32>
        %bitcast_convert_type3A = tpu.bitcast %sub3A : vector<16xf32> -> vector<16xi32>
        %broadcast_in_dim3A_105 = arith.constant 23 : i32
        %broadcast_in_dim3A_106 = vector.broadcast %broadcast_in_dim3A_105 : i32 to vector<16xi32>
        %shift_right_logical3A = arith.shrui %bitcast_convert_type3A, %broadcast_in_dim3A_106 : vector<16xi32>
        %sub3A_107 = arith.constant 127 : i32
        %sub3A_108 = vector.broadcast %sub3A_107 : i32 to vector<16xi32>
        %sub3A_109 = arith.subi %shift_right_logical3A, %sub3A_108 : vector<16xi32>
        %broadcast_in_dim3A_110 = arith.constant 8388607 : i32
        %broadcast_in_dim3A_111 = vector.broadcast %broadcast_in_dim3A_110 : i32 to vector<16xi32>
        %and3A_112 = arith.andi %bitcast_convert_type3A, %broadcast_in_dim3A_111 : vector<16xi32>
        %broadcast_in_dim3A_113 = arith.constant 1065353216 : i32
        %broadcast_in_dim3A_114 = vector.broadcast %broadcast_in_dim3A_113 : i32 to vector<16xi32>
        %or3A = arith.ori %and3A_112, %broadcast_in_dim3A_114 : vector<16xi32>
        %bitcast_convert_type3A_115 = tpu.bitcast %or3A : vector<16xi32> -> vector<16xf32>
        %gt3A = arith.constant 1.41421354 : f32
        %gt3A_116 = vector.broadcast %gt3A : f32 to vector<16xf32>
        %gt3A_117 = arith.cmpf ogt, %bitcast_convert_type3A_115, %gt3A_116 : vector<16xf32>
        %mul3A_118 = arith.constant 5.000000e-01 : f32
        %mul3A_119 = vector.broadcast %mul3A_118 : f32 to vector<16xf32>
        %mul3A_120 = arith.mulf %bitcast_convert_type3A_115, %mul3A_119 : vector<16xf32>
        %select_n3A = arith.select %gt3A_117, %mul3A_120, %bitcast_convert_type3A_115 : vector<16xi1>, vector<16xf32>
        %jit3A = arith.constant 1 : i32
        %jit3A_121 = arith.constant 0 : i32
        %broadcast_in_dim3A_122 = vector.broadcast %jit3A : i32 to vector<16xi32>
        %broadcast_in_dim3A_123 = vector.broadcast %jit3A_121 : i32 to vector<16xi32>
        %select_n3A_124 = arith.select %gt3A_117, %broadcast_in_dim3A_122, %broadcast_in_dim3A_123 : vector<16xi1>, vector<16xi32>
        %add3A_125 = arith.addi %sub3A_109, %select_n3A_124 : vector<16xi32>
        %sub3A_126 = arith.constant 1.000000e+00 : f32
        %sub3A_127 = vector.broadcast %sub3A_126 : f32 to vector<16xf32>
        %sub3A_128 = arith.subf %select_n3A, %sub3A_127 : vector<16xf32>
        %add3A_129 = arith.constant 1.000000e+00 : f32
        %add3A_130 = vector.broadcast %add3A_129 : f32 to vector<16xf32>
        %add3A_131 = arith.addf %select_n3A, %add3A_130 : vector<16xf32>
        %div3A = arith.divf %sub3A_128, %add3A_131 : vector<16xf32>
        %mul3A_132 = arith.mulf %div3A, %div3A : vector<16xf32>
        %mul3A_133 = arith.constant 2.000000e+00 : f32
        %mul3A_134 = vector.broadcast %mul3A_133 : f32 to vector<16xf32>
        %mul3A_135 = arith.mulf %mul3A_134, %div3A : vector<16xf32>
        %div3A_136 = arith.constant 9.000000e+00 : f32
        %div3A_137 = vector.broadcast %div3A_136 : f32 to vector<16xf32>
        %div3A_138 = arith.divf %mul3A_132, %div3A_137 : vector<16xf32>
        %add3A_139 = arith.constant 0.142857149 : f32
        %add3A_140 = vector.broadcast %add3A_139 : f32 to vector<16xf32>
        %add3A_141 = arith.addf %add3A_140, %div3A_138 : vector<16xf32>
        %mul3A_142 = arith.mulf %mul3A_132, %add3A_141 : vector<16xf32>
        %add3A_143 = arith.constant 2.000000e-01 : f32
        %add3A_144 = vector.broadcast %add3A_143 : f32 to vector<16xf32>
        %add3A_145 = arith.addf %add3A_144, %mul3A_142 : vector<16xf32>
        %mul3A_146 = arith.mulf %mul3A_132, %add3A_145 : vector<16xf32>
        %add3A_147 = arith.constant 0.333333343 : f32
        %add3A_148 = vector.broadcast %add3A_147 : f32 to vector<16xf32>
        %add3A_149 = arith.addf %add3A_148, %mul3A_146 : vector<16xf32>
        %mul3A_150 = arith.mulf %mul3A_132, %add3A_149 : vector<16xf32>
        %add3A_151 = arith.constant 1.000000e+00 : f32
        %add3A_152 = vector.broadcast %add3A_151 : f32 to vector<16xf32>
        %add3A_153 = arith.addf %add3A_152, %mul3A_150 : vector<16xf32>
        %mul3A_154 = arith.mulf %mul3A_135, %add3A_153 : vector<16xf32>
        %convert_element_type3A_155 = arith.sitofp %add3A_125 : vector<16xi32> to vector<16xf32>
        %mul3A_156 = arith.constant 0.693147182 : f32
        %mul3A_157 = vector.broadcast %mul3A_156 : f32 to vector<16xf32>
        %mul3A_158 = arith.mulf %convert_element_type3A_155, %mul3A_157 : vector<16xf32>
        %add3A_159 = arith.addf %mul3A_158, %mul3A_154 : vector<16xf32>
        %mul3A_160 = arith.mulf %get3A_103, %add3A_159 : vector<16xf32>
        %add3A_161 = arith.addf %scan3A_73, %mul3A_160 : vector<16xf32>
        scf.yield %add3A_161 : vector<16xf32>
      }
      %scan3A_71 = arith.constant 2 : i32
      scf.yield %scan3A_70 : vector<16xf32>
    }
    %scan3A_20 = arith.constant 8 : i32
    %swap3A = arith.constant 0 : index
    %swap3A_21 = tpu.vector_load %arg13[%swap3A] {strides = array<i32>} : memref<16xf32, #tpu.memory_space<vmem>>, vector<16xf32>,
    tpu.vector_store %arg13[%swap3A], %scan3A_19 {strides = array<i32>} : memref<16xf32, #tpu.memory_space<vmem>>, vector<16xf32>,
    "tpu.region"() ({
      %run_scoped3A = tpu.sem_alloc : memref<!tpu.dma_semaphore, #tpu.memory_space<semaphore_mem>>
      %dma_start3A = arith.constant 0 : i32
      %dma_start3A_24 = tpu.memref_slice %arg15[%arg0, %arg1, %dma_start3A] : memref<2x16x16xf32, #tpu.memory_space<hbm>> -> memref<1x1x16xf32, #tpu.memory_space<hbm>>
      %dma_start3A_25 = tpu.memref_squeeze %dma_start3A_24 : memref<1x1x16xf32, #tpu.memory_space<hbm>> -> memref<16xf32, #tpu.memory_space<hbm>>
      %dma_start3A_26 = arith.constant 0 : i32
      %dma_start3A_27 = tpu.memref_slice %arg15[%arg0, %arg1, %dma_start3A_26] : memref<2x16x16xf32, #tpu.memory_space<hbm>> -> memref<1x1x16xf32, #tpu.memory_space<hbm>>
      %dma_start3A_28 = tpu.memref_squeeze %dma_start3A_27 : memref<1x1x16xf32, #tpu.memory_space<hbm>> -> memref<16xf32, #tpu.memory_space<hbm>>
      tpu.enqueue_dma source(%arg13 : memref<16xf32, #tpu.memory_space<vmem>>) target(%dma_start3A_28 : memref<16xf32, #tpu.memory_space<hbm>>) target_semaphore(%run_scoped3A : memref<!tpu.dma_semaphore, #tpu.memory_space<semaphore_mem>>)
      %dma_wait3A = arith.constant 0 : i32
      %dma_wait3A_29 = tpu.memref_slice %arg15[%arg0, %arg1, %dma_wait3A] : memref<2x16x16xf32, #tpu.memory_space<hbm>> -> memref<1x1x16xf32, #tpu.memory_space<hbm>>
      %dma_wait3A_30 = tpu.memref_squeeze %dma_wait3A_29 : memref<1x1x16xf32, #tpu.memory_space<hbm>> -> memref<16xf32, #tpu.memory_space<hbm>>
      %dma_wait3A_31 = arith.constant 0 : i32
      %dma_wait3A_32 = tpu.memref_slice %arg15[%arg0, %arg1, %dma_wait3A_31] : memref<2x16x16xf32, #tpu.memory_space<hbm>> -> memref<1x1x16xf32, #tpu.memory_space<hbm>>
      %dma_wait3A_33 = tpu.memref_squeeze %dma_wait3A_32 : memref<1x1x16xf32, #tpu.memory_space<hbm>> -> memref<16xf32, #tpu.memory_space<hbm>>
      tpu.wait_dma2 semaphore(%run_scoped3A : memref<!tpu.dma_semaphore, #tpu.memory_space<semaphore_mem>>) src(%arg13 : memref<16xf32, #tpu.memory_space<vmem>>) dst(%dma_wait3A_33 : memref<16xf32, #tpu.memory_space<hbm>>)
      tpu.yield
    }) : () -> ()
    %barrier3A = arith.constant 0 : index
    tpu.barrier barrier_id(%barrier3A)
    %eq3A = arith.constant 0 : i32
    %eq3A_22 = arith.cmpi eq, %arg1, %eq3A : i32
    %convert_element_type3A = arith.extui %eq3A_22 : i1 to i32
    %cond3A = arith.constant 0 : i32
    %cond3A_23 = arith.cmpi ne, %convert_element_type3A, %cond3A : i32
    scf.if %cond3A_23 {
      "tpu.region"() ({
        %run_scoped3A = tpu.sem_alloc : memref<!tpu.dma_semaphore, #tpu.memory_space<semaphore_mem>>
        %dma_start3A = arith.constant 0 : i32
        %dma_start3A_155 = arith.constant 0 : i32
        %dma_start3A_156 = tpu.memref_slice %arg15[%arg0, %dma_start3A, %dma_start3A_155] : memref<2x16x16xf32, #tpu.memory_space<hbm>> -> memref<1x16x16xf32, #tpu.memory_space<hbm>>
        %dma_start3A_157 = tpu.memref_squeeze %dma_start3A_156 : memref<1x16x16xf32, #tpu.memory_space<hbm>> -> memref<16x16xf32, #tpu.memory_space<hbm>>
        %dma_start3A_158 = arith.constant 0 : i32
        %dma_start3A_159 = arith.constant 0 : i32
        %dma_start3A_160 = tpu.memref_slice %arg15[%arg0, %dma_start3A_158, %dma_start3A_159] : memref<2x16x16xf32, #tpu.memory_space<hbm>> -> memref<1x16x16xf32, #tpu.memory_space<hbm>>
        %dma_start3A_161 = tpu.memref_squeeze %dma_start3A_160 : memref<1x16x16xf32, #tpu.memory_space<hbm>> -> memref<16x16xf32, #tpu.memory_space<hbm>>
        tpu.enqueue_dma source(%dma_start3A_161 : memref<16x16xf32, #tpu.memory_space<hbm>>) target(%arg14 : memref<16x16xf32, #tpu.memory_space<vmem>>) target_semaphore(%run_scoped3A : memref<!tpu.dma_semaphore, #tpu.memory_space<semaphore_mem>>)
        %dma_wait3A = arith.constant 0 : i32
        %dma_wait3A_162 = arith.constant 0 : i32
        %dma_wait3A_163 = tpu.memref_slice %arg15[%arg0, %dma_wait3A, %dma_wait3A_162] : memref<2x16x16xf32, #tpu.memory_space<hbm>> -> memref<1x16x16xf32, #tpu.memory_space<hbm>>
        %dma_wait3A_164 = tpu.memref_squeeze %dma_wait3A_163 : memref<1x16x16xf32, #tpu.memory_space<hbm>> -> memref<16x16xf32, #tpu.memory_space<hbm>>
        %dma_wait3A_165 = arith.constant 0 : i32
        %dma_wait3A_166 = arith.constant 0 : i32
        %dma_wait3A_167 = tpu.memref_slice %arg15[%arg0, %dma_wait3A_165, %dma_wait3A_166] : memref<2x16x16xf32, #tpu.memory_space<hbm>> -> memref<1x16x16xf32, #tpu.memory_space<hbm>>
        %dma_wait3A_168 = tpu.memref_squeeze %dma_wait3A_167 : memref<1x16x16xf32, #tpu.memory_space<hbm>> -> memref<16x16xf32, #tpu.memory_space<hbm>>
        tpu.wait_dma2 semaphore(%run_scoped3A : memref<!tpu.dma_semaphore, #tpu.memory_space<semaphore_mem>>) src(%dma_wait3A_168 : memref<16x16xf32, #tpu.memory_space<hbm>>) dst(%arg14 : memref<16x16xf32, #tpu.memory_space<vmem>>)
        tpu.yield
      }) : () -> ()
      %broadcast_in_dim3A_24 = arith.constant 0.000000e+00 : f32
      %broadcast_in_dim3A_25 = vector.broadcast %broadcast_in_dim3A_24 : f32 to vector<16xf32>
      %get3A_26 = arith.constant 0 : i32
      %get3A_27 = arith.index_cast %get3A_26 : i32 to index
      %get3A_28 = arith.constant 0 : index
      %get3A_29 = tpu.vector_load %arg14[%get3A_27, %get3A_28] {strides = array<i32>} : memref<16x16xf32, #tpu.memory_space<vmem>>, vector<16xf32>,
      %add3A_30 = arith.addf %broadcast_in_dim3A_25, %get3A_29 : vector<16xf32>
      %get3A_31 = arith.constant 1 : i32
      %get3A_32 = arith.index_cast %get3A_31 : i32 to index
      %get3A_33 = arith.constant 0 : index
      %get3A_34 = tpu.vector_load %arg14[%get3A_32, %get3A_33] {strides = array<i32>} : memref<16x16xf32, #tpu.memory_space<vmem>>, vector<16xf32>,
      %add3A_35 = arith.addf %add3A_30, %get3A_34 : vector<16xf32>
      %get3A_36 = arith.constant 2 : i32
      %get3A_37 = arith.index_cast %get3A_36 : i32 to index
      %get3A_38 = arith.constant 0 : index
      %get3A_39 = tpu.vector_load %arg14[%get3A_37, %get3A_38] {strides = array<i32>} : memref<16x16xf32, #tpu.memory_space<vmem>>, vector<16xf32>,
      %add3A_40 = arith.addf %add3A_35, %get3A_39 : vector<16xf32>
      %get3A_41 = arith.constant 3 : i32
      %get3A_42 = arith.index_cast %get3A_41 : i32 to index
      %get3A_43 = arith.constant 0 : index
      %get3A_44 = tpu.vector_load %arg14[%get3A_42, %get3A_43] {strides = array<i32>} : memref<16x16xf32, #tpu.memory_space<vmem>>, vector<16xf32>,
      %add3A_45 = arith.addf %add3A_40, %get3A_44 : vector<16xf32>
      %get3A_46 = arith.constant 4 : i32
      %get3A_47 = arith.index_cast %get3A_46 : i32 to index
      %get3A_48 = arith.constant 0 : index
      %get3A_49 = tpu.vector_load %arg14[%get3A_47, %get3A_48] {strides = array<i32>} : memref<16x16xf32, #tpu.memory_space<vmem>>, vector<16xf32>,
      %add3A_50 = arith.addf %add3A_45, %get3A_49 : vector<16xf32>
      %get3A_51 = arith.constant 5 : i32
      %get3A_52 = arith.index_cast %get3A_51 : i32 to index
      %get3A_53 = arith.constant 0 : index
      %get3A_54 = tpu.vector_load %arg14[%get3A_52, %get3A_53] {strides = array<i32>} : memref<16x16xf32, #tpu.memory_space<vmem>>, vector<16xf32>,
      %add3A_55 = arith.addf %add3A_50, %get3A_54 : vector<16xf32>
      %get3A_56 = arith.constant 6 : i32
      %get3A_57 = arith.index_cast %get3A_56 : i32 to index
      %get3A_58 = arith.constant 0 : index
      %get3A_59 = tpu.vector_load %arg14[%get3A_57, %get3A_58] {strides = array<i32>} : memref<16x16xf32, #tpu.memory_space<vmem>>, vector<16xf32>,
      %add3A_60 = arith.addf %add3A_55, %get3A_59 : vector<16xf32>
      %get3A_61 = arith.constant 7 : i32
      %get3A_62 = arith.index_cast %get3A_61 : i32 to index
      %get3A_63 = arith.constant 0 : index
      %get3A_64 = tpu.vector_load %arg14[%get3A_62, %get3A_63] {strides = array<i32>} : memref<16x16xf32, #tpu.memory_space<vmem>>, vector<16xf32>,
      %add3A_65 = arith.addf %add3A_60, %get3A_64 : vector<16xf32>
      %get3A_66 = arith.constant 8 : i32
      %get3A_67 = arith.index_cast %get3A_66 : i32 to index
      %get3A_68 = arith.constant 0 : index
      %get3A_69 = tpu.vector_load %arg14[%get3A_67, %get3A_68] {strides = array<i32>} : memref<16x16xf32, #tpu.memory_space<vmem>>, vector<16xf32>,
      %add3A_70 = arith.addf %add3A_65, %get3A_69 : vector<16xf32>
      %get3A_71 = arith.constant 9 : i32
      %get3A_72 = arith.index_cast %get3A_71 : i32 to index
      %get3A_73 = arith.constant 0 : index
      %get3A_74 = tpu.vector_load %arg14[%get3A_72, %get3A_73] {strides = array<i32>} : memref<16x16xf32, #tpu.memory_space<vmem>>, vector<16xf32>,
      %add3A_75 = arith.addf %add3A_70, %get3A_74 : vector<16xf32>
      %get3A_76 = arith.constant 10 : i32
      %get3A_77 = arith.index_cast %get3A_76 : i32 to index
      %get3A_78 = arith.constant 0 : index
      %get3A_79 = tpu.vector_load %arg14[%get3A_77, %get3A_78] {strides = array<i32>} : memref<16x16xf32, #tpu.memory_space<vmem>>, vector<16xf32>,
      %add3A_80 = arith.addf %add3A_75, %get3A_79 : vector<16xf32>
      %get3A_81 = arith.constant 11 : i32
      %get3A_82 = arith.index_cast %get3A_81 : i32 to index
      %get3A_83 = arith.constant 0 : index
      %get3A_84 = tpu.vector_load %arg14[%get3A_82, %get3A_83] {strides = array<i32>} : memref<16x16xf32, #tpu.memory_space<vmem>>, vector<16xf32>,
      %add3A_85 = arith.addf %add3A_80, %get3A_84 : vector<16xf32>
      %get3A_86 = arith.constant 12 : i32
      %get3A_87 = arith.index_cast %get3A_86 : i32 to index
      %get3A_88 = arith.constant 0 : index
      %get3A_89 = tpu.vector_load %arg14[%get3A_87, %get3A_88] {strides = array<i32>} : memref<16x16xf32, #tpu.memory_space<vmem>>, vector<16xf32>,
      %add3A_90 = arith.addf %add3A_85, %get3A_89 : vector<16xf32>
      %get3A_91 = arith.constant 13 : i32
      %get3A_92 = arith.index_cast %get3A_91 : i32 to index
      %get3A_93 = arith.constant 0 : index
      %get3A_94 = tpu.vector_load %arg14[%get3A_92, %get3A_93] {strides = array<i32>} : memref<16x16xf32, #tpu.memory_space<vmem>>, vector<16xf32>,
      %add3A_95 = arith.addf %add3A_90, %get3A_94 : vector<16xf32>
      %get3A_96 = arith.constant 14 : i32
      %get3A_97 = arith.index_cast %get3A_96 : i32 to index
      %get3A_98 = arith.constant 0 : index
      %get3A_99 = tpu.vector_load %arg14[%get3A_97, %get3A_98] {strides = array<i32>} : memref<16x16xf32, #tpu.memory_space<vmem>>, vector<16xf32>,
      %add3A_100 = arith.addf %add3A_95, %get3A_99 : vector<16xf32>
      %get3A_101 = arith.constant 15 : i32
      %get3A_102 = arith.index_cast %get3A_101 : i32 to index
      %get3A_103 = arith.constant 0 : index
      %get3A_104 = tpu.vector_load %arg14[%get3A_102, %get3A_103] {strides = array<i32>} : memref<16x16xf32, #tpu.memory_space<vmem>>, vector<16xf32>,
      %add3A_105 = arith.addf %add3A_100, %get3A_104 : vector<16xf32>
      %slice3A = vector.extract_strided_slice %add3A_105 {offsets = [0], sizes = [1], strides = [1]} : vector<16xf32> to vector<1xf32>
      %squeeze3A = vector.extract %slice3A[0] : f32 from vector<1xf32>
      %slice3A_106 = vector.extract_strided_slice %add3A_105 {offsets = [1], sizes = [1], strides = [1]} : vector<16xf32> to vector<1xf32>
      %squeeze3A_107 = vector.extract %slice3A_106[0] : f32 from vector<1xf32>
      %add3A_108 = arith.addf %squeeze3A, %squeeze3A_107 : f32
      %slice3A_109 = vector.extract_strided_slice %add3A_105 {offsets = [2], sizes = [1], strides = [1]} : vector<16xf32> to vector<1xf32>
      %squeeze3A_110 = vector.extract %slice3A_109[0] : f32 from vector<1xf32>
      %add3A_111 = arith.addf %add3A_108, %squeeze3A_110 : f32
      %slice3A_112 = vector.extract_strided_slice %add3A_105 {offsets = [3], sizes = [1], strides = [1]} : vector<16xf32> to vector<1xf32>
      %squeeze3A_113 = vector.extract %slice3A_112[0] : f32 from vector<1xf32>
      %add3A_114 = arith.addf %add3A_111, %squeeze3A_113 : f32
      %slice3A_115 = vector.extract_strided_slice %add3A_105 {offsets = [4], sizes = [1], strides = [1]} : vector<16xf32> to vector<1xf32>
      %squeeze3A_116 = vector.extract %slice3A_115[0] : f32 from vector<1xf32>
      %add3A_117 = arith.addf %add3A_114, %squeeze3A_116 : f32
      %slice3A_118 = vector.extract_strided_slice %add3A_105 {offsets = [5], sizes = [1], strides = [1]} : vector<16xf32> to vector<1xf32>
      %squeeze3A_119 = vector.extract %slice3A_118[0] : f32 from vector<1xf32>
      %add3A_120 = arith.addf %add3A_117, %squeeze3A_119 : f32
      %slice3A_121 = vector.extract_strided_slice %add3A_105 {offsets = [6], sizes = [1], strides = [1]} : vector<16xf32> to vector<1xf32>
      %squeeze3A_122 = vector.extract %slice3A_121[0] : f32 from vector<1xf32>
      %add3A_123 = arith.addf %add3A_120, %squeeze3A_122 : f32
      %slice3A_124 = vector.extract_strided_slice %add3A_105 {offsets = [7], sizes = [1], strides = [1]} : vector<16xf32> to vector<1xf32>
      %squeeze3A_125 = vector.extract %slice3A_124[0] : f32 from vector<1xf32>
      %add3A_126 = arith.addf %add3A_123, %squeeze3A_125 : f32
      %slice3A_127 = vector.extract_strided_slice %add3A_105 {offsets = [8], sizes = [1], strides = [1]} : vector<16xf32> to vector<1xf32>
      %squeeze3A_128 = vector.extract %slice3A_127[0] : f32 from vector<1xf32>
      %add3A_129 = arith.addf %add3A_126, %squeeze3A_128 : f32
      %slice3A_130 = vector.extract_strided_slice %add3A_105 {offsets = [9], sizes = [1], strides = [1]} : vector<16xf32> to vector<1xf32>
      %squeeze3A_131 = vector.extract %slice3A_130[0] : f32 from vector<1xf32>
      %add3A_132 = arith.addf %add3A_129, %squeeze3A_131 : f32
      %slice3A_133 = vector.extract_strided_slice %add3A_105 {offsets = [10], sizes = [1], strides = [1]} : vector<16xf32> to vector<1xf32>
      %squeeze3A_134 = vector.extract %slice3A_133[0] : f32 from vector<1xf32>
      %add3A_135 = arith.addf %add3A_132, %squeeze3A_134 : f32
      %slice3A_136 = vector.extract_strided_slice %add3A_105 {offsets = [11], sizes = [1], strides = [1]} : vector<16xf32> to vector<1xf32>
      %squeeze3A_137 = vector.extract %slice3A_136[0] : f32 from vector<1xf32>
      %add3A_138 = arith.addf %add3A_135, %squeeze3A_137 : f32
      %slice3A_139 = vector.extract_strided_slice %add3A_105 {offsets = [12], sizes = [1], strides = [1]} : vector<16xf32> to vector<1xf32>
      %squeeze3A_140 = vector.extract %slice3A_139[0] : f32 from vector<1xf32>
      %add3A_141 = arith.addf %add3A_138, %squeeze3A_140 : f32
      %slice3A_142 = vector.extract_strided_slice %add3A_105 {offsets = [13], sizes = [1], strides = [1]} : vector<16xf32> to vector<1xf32>
      %squeeze3A_143 = vector.extract %slice3A_142[0] : f32 from vector<1xf32>
      %add3A_144 = arith.addf %add3A_141, %squeeze3A_143 : f32
      %slice3A_145 = vector.extract_strided_slice %add3A_105 {offsets = [14], sizes = [1], strides = [1]} : vector<16xf32> to vector<1xf32>
      %squeeze3A_146 = vector.extract %slice3A_145[0] : f32 from vector<1xf32>
      %add3A_147 = arith.addf %add3A_144, %squeeze3A_146 : f32
      %slice3A_148 = vector.extract_strided_slice %add3A_105 {offsets = [15], sizes = [1], strides = [1]} : vector<16xf32> to vector<1xf32>
      %squeeze3A_149 = vector.extract %slice3A_148[0] : f32 from vector<1xf32>
      %add3A_150 = arith.addf %add3A_147, %squeeze3A_149 : f32
      %neg3A = arith.constant 0.000000e+00 : f32
      %neg3A_151 = arith.subf %neg3A, %add3A_150 : f32
      %broadcast_in_dim3A_152 = vector.broadcast %neg3A_151 : f32 to vector<16xf32>
      %swap3A_153 = arith.constant 0 : index
      %swap3A_154 = tpu.vector_load %arg13[%swap3A_153] {strides = array<i32>} : memref<16xf32, #tpu.memory_space<vmem>>, vector<16xf32>,
      tpu.vector_store %arg13[%swap3A_153], %broadcast_in_dim3A_152 {strides = array<i32>} : memref<16xf32, #tpu.memory_space<vmem>>, vector<16xf32>,
      "tpu.region"() ({
        %run_scoped3A = tpu.sem_alloc : memref<!tpu.dma_semaphore, #tpu.memory_space<semaphore_mem>>
        %dma_start3A = arith.constant 0 : i32
        %dma_start3A_155 = tpu.memref_slice %arg7[%arg0, %dma_start3A] : memref<2x16xf32, #tpu.memory_space<hbm>> -> memref<1x16xf32, #tpu.memory_space<hbm>>
        %dma_start3A_156 = tpu.memref_squeeze %dma_start3A_155 : memref<1x16xf32, #tpu.memory_space<hbm>> -> memref<16xf32, #tpu.memory_space<hbm>>
        %dma_start3A_157 = arith.constant 0 : i32
        %dma_start3A_158 = tpu.memref_slice %arg7[%arg0, %dma_start3A_157] : memref<2x16xf32, #tpu.memory_space<hbm>> -> memref<1x16xf32, #tpu.memory_space<hbm>>
        %dma_start3A_159 = tpu.memref_squeeze %dma_start3A_158 : memref<1x16xf32, #tpu.memory_space<hbm>> -> memref<16xf32, #tpu.memory_space<hbm>>
        tpu.enqueue_dma source(%arg13 : memref<16xf32, #tpu.memory_space<vmem>>) target(%dma_start3A_159 : memref<16xf32, #tpu.memory_space<hbm>>) target_semaphore(%run_scoped3A : memref<!tpu.dma_semaphore, #tpu.memory_space<semaphore_mem>>)
        %dma_wait3A = arith.constant 0 : i32
        %dma_wait3A_160 = tpu.memref_slice %arg7[%arg0, %dma_wait3A] : memref<2x16xf32, #tpu.memory_space<hbm>> -> memref<1x16xf32, #tpu.memory_space<hbm>>
        %dma_wait3A_161 = tpu.memref_squeeze %dma_wait3A_160 : memref<1x16xf32, #tpu.memory_space<hbm>> -> memref<16xf32, #tpu.memory_space<hbm>>
        %dma_wait3A_162 = arith.constant 0 : i32
        %dma_wait3A_163 = tpu.memref_slice %arg7[%arg0, %dma_wait3A_162] : memref<2x16xf32, #tpu.memory_space<hbm>> -> memref<1x16xf32, #tpu.memory_space<hbm>>
        %dma_wait3A_164 = tpu.memref_squeeze %dma_wait3A_163 : memref<1x16xf32, #tpu.memory_space<hbm>> -> memref<16xf32, #tpu.memory_space<hbm>>
        tpu.wait_dma2 semaphore(%run_scoped3A : memref<!tpu.dma_semaphore, #tpu.memory_space<semaphore_mem>>) src(%arg13 : memref<16xf32, #tpu.memory_space<vmem>>) dst(%dma_wait3A_164 : memref<16xf32, #tpu.memory_space<hbm>>)
        tpu.yield
      }) : () -> ()
    } else {
    }
    return
  }
}

</mosaic_0001>

<sc_bundles>
// kernel: _run.3.cloned.1.call-start
scs
__scs_entry_jumppad:
0x0: {  	(pc) =	sbr.rel $0x88, $3  }
0x1: {  	(tag) =	ssettag $0x0;
	lr =	simm.s32 $0x1  }
0x2: {  	[smem:$0x3F9C] =	sst lr;
	_ =	strace $0xD0000000  }
0x3: {  	_ = 	snop  }
0x4: {  	_ = 	snop  }
0x5: {  	_ = 	snop  }
0x6: {  	_ = 	snop  }
0x7: {  	_ = 	snop  }
__scs_overlays_trampoline_lowered:
0x8: {  	[smem:$0x3FAB] =	sst s0  }
0x9: {  	[smem:$0x3FAC] =	sst s1  }
0xa: {  	[smem:$0x3FAD] =	sst s2  }
0xb: {  	[smem:$0x3FAE] =	sst s3  }
0xc: {  	[smem:$0x3FAF] =	sst s4  }
0xd: {  	[smem:$0x3FB0] =	sst s5  }
0xe: {  	[smem:$0x3FB1] =	sst s6  }
0xf: {  	[smem:$0x3FB2] =	sst s7  }
0x10: {  	[smem:$0x3FB3] =	sst s8  }
0x11: {  	[smem:$0x3FB4] =	sst s9;
	s0 =	simm.s32 @!p0 $0x0  }
0x12: {  	s1 =	sld [smem:$0x3F9A];
	s0 =	simm.s32 @p0 $0x1  }
0x13: {  	[smem:$0x3FB5] =	sst s0;
	s0 =	simm.s32 @!p1 $0x0  }
0x14: {  	s2 =	sld [smem:$0x3F99];
	s0 =	simm.s32 @p1 $0x1  }
0x15: {  	[smem:$0x3FB6] =	sst s0;
	s0 =	simm.s32 @!p2 $0x0  }
0x16: {  	s3 =	sld [smem:$0x3FDB];
	s0 =	simm.s32 @p2 $0x1  }
0x17: {  	s4 =	simm.s32 $0x1BF5;
	[smem:$0x3FB8] =	sst s0  }
0x18: {  	s0 =	sld [smem:$0x3F9B];
	_ =	swait.ge [sflag:s4], $0x0  }
0x19: {  	s7 =	sld [smem:$0x3F9C]  }
0x1a: {  	s8 =	sadd.s32 $0xFFFFE003, lr  }
0x1b: {  	s9 =	sadd.s32 $0xFFFFFEF7, lr;
	s5 =	simm.s32 $0xFFFFFFFF;
	p2 =	slt.u32 s8, $0xFFFFF086  }
0x1c: {  	p1 =	slt.u32 s9, $0xF7A;
	s5 =	simm.s32 @!p2 $0x0  }
0x1d: {  	s5 =	simm.s32 @p1 $0x1;
	p0 =	seq.s32 s7, s2  }
0x1e: {  	s7 =	smul.u32 @!p0 $0xF7A, s2;
	p2 =	seq.s32 @!p0 s5, $0x0  }
0x1f: {  	s9 =	smul.u32 $0xF7A, s1;
	s8 =	simm.s32 @!p0 $0x1BF5;
	p2 =	por !p2, p0  }
0x20: {  	[sflag:s8] =	ssyncset.s32 @!p0 $0xFFFFF086;
	s6 =	sadd.s32 @!p0 s3, s7;
	s7 =	simm.s32 @!p0 $0x108  }
0x21: {  	s3 =	sadd.s32 s3, s9;
	s6 =	sadd.s32 @!p0 $0x88, s6;
	s7 =	simm.s32 @p2 $0x1082  }
0x22: {  	[simem:s7], [sflag:s8] =	dma.local @!p0 [hbm:s6], $0xF7A  }
0x23: {  	s9 =	sor.u32 $0xD0000000, s2;
	s6 =	simm.s32 $0x108;
	_ =	swait.ge @!p0 [sflag:s8], $0x0  }
0x24: {  	s3 =	sadd.s32 $0x88, s3;
	s6 =	simm.s32 @!p1 $0x1082;
	[sflag:s4] =	ssyncset.s32 $0xFFFFF086  }
0x25: {  	[simem:s6], [sflag:s4] =	dma.local [hbm:s3], $0xF7A  }
0x26: {  	[smem:$0x3F9C] =	sst s1;
	(tag) =	ssettag s2;
	_ =	strace s9  }
0x27: {  	s1 =	sld [smem:$0x3FAC]  }
0x28: {  	s2 =	sld [smem:$0x3FAD]  }
0x29: {  	s4 =	sld [smem:$0x3FAF]  }
0x2a: {  	p0 =	seq.s32 s5, $0x0;
	s5 =	sld [smem:$0x3FB0]  }
0x2b: {  	s6 =	sld [smem:$0x3FB1]  }
0x2c: {  	s7 =	sld [smem:$0x3FB2]  }
0x2d: {  	s3 =	simm.s32 $0x108;
	s8 =	sld [smem:$0x3FB3]  }
0x2e: {  	s3 =	simm.s32 @!p0 $0x1082;
	s9 =	sld [smem:$0x3FB4]  }
0x2f: {  	lr =	sadd.s32 s0, s3;
	s0 =	sld [smem:$0x3FAB]  }
0x30: {  	s3 =	sld [smem:$0x3FAE]  }
0x31: {  	[smem:$0x3FB7] =	sst s10  }
0x32: {  	s10 =	sld [smem:$0x3FB5];
	_ =	sdelay $0x3  }
0x33: {  	p0 =	seq.s32 s10, $0x1;
	s10 =	sld [smem:$0x3FB7];
	_ =	sdelay $0x3  }
0x34: {  	[smem:$0x3FB7] =	sst s10  }
0x35: {  	s10 =	sld [smem:$0x3FB6];
	_ =	sdelay $0x3  }
0x36: {  	p1 =	seq.s32 s10, $0x1;
	s10 =	sld [smem:$0x3FB7];
	_ =	sdelay $0x3  }
0x37: {  	[smem:$0x3FB7] =	sst s10  }
0x38: {  	s10 =	sld [smem:$0x3FB8]  }
0x39: {  	_ = 	snop;
	(pc) =	sbr.ind lr, $3  }
0x3a: {  	_ = 	snop  }
0x3b: {  	_ = 	snop  }
0x3c: {  	p2 =	seq.s32 s10, $0x1;
	s10 =	sld [smem:$0x3FB7]  }
0x3d: {  	_ =	shalt  }
0x3e: {  	_ =	shalt  }
0x3f: {  	_ =	shalt  }
0x40: {  	_ =	shalt  }
0x41: {  	_ =	shalt  }
0x42: {  	_ =	shalt  }
0x43: {  	_ =	shalt  }
0x44: {  	_ =	shalt  }
0x45: {  	_ =	shalt  }
0x46: {  	_ =	shalt  }
0x47: {  	_ =	shalt  }
0x48: {  	_ =	shalt  }
0x49: {  	_ =	shalt  }
0x4a: {  	_ =	shalt  }
0x4b: {  	_ =	shalt  }
0x4c: {  	_ =	shalt  }
0x4d: {  	_ =	shalt  }
0x4e: {  	_ =	shalt  }
0x4f: {  	_ =	shalt  }
0x50: {  	_ =	shalt  }
0x51: {  	_ =	shalt  }
0x52: {  	_ =	shalt  }
0x53: {  	_ =	shalt  }
0x54: {  	_ =	shalt  }
0x55: {  	_ =	shalt  }
0x56: {  	_ =	shalt  }
0x57: {  	_ =	shalt  }
0x58: {  	_ =	shalt  }
0x59: {  	_ =	shalt  }
0x5a: {  	_ =	shalt  }
0x5b: {  	_ =	shalt  }
0x5c: {  	_ =	shalt  }
0x5d: {  	_ =	shalt  }
0x5e: {  	_ =	shalt  }
0x5f: {  	_ =	shalt  }
0x60: {  	_ =	shalt  }
0x61: {  	_ =	shalt  }
0x62: {  	_ =	shalt  }
0x63: {  	_ =	shalt  }
0x64: {  	_ =	shalt  }
0x65: {  	_ =	shalt  }
0x66: {  	_ =	shalt  }
0x67: {  	_ =	shalt  }
0x68: {  	_ =	shalt  }
0x69: {  	_ =	shalt  }
0x6a: {  	_ =	shalt  }
0x6b: {  	_ =	shalt  }
0x6c: {  	_ =	shalt  }
0x6d: {  	_ =	shalt  }
0x6e: {  	_ =	shalt  }
0x6f: {  	_ =	shalt  }
0x70: {  	_ =	shalt  }
0x71: {  	_ =	shalt  }
0x72: {  	_ =	shalt  }
0x73: {  	_ =	shalt  }
0x74: {  	_ =	shalt  }
0x75: {  	_ =	shalt  }
0x76: {  	_ =	shalt  }
0x77: {  	_ =	shalt  }
0x78: {  	_ =	shalt  }
0x79: {  	_ =	shalt  }
0x7a: {  	_ =	shalt  }
0x7b: {  	_ =	shalt  }
0x7c: {  	_ =	shalt  }
0x7d: {  	_ =	shalt  }
0x7e: {  	_ =	shalt  }
0x7f: {  	_ =	shalt  }
0x80: {  	_ =	shalt  }
0x81: {  	_ =	shalt  }
0x82: {  	_ =	shalt  }
0x83: {  	_ =	shalt  }
0x84: {  	_ =	shalt  }
0x85: {  	_ =	shalt  }
0x86: {  	_ =	shalt  }
0x87: {  	_ =	shalt  }
.Lfunc_end0:
.L_simem_size_0:
called_computation_lowered:
.L_overlay_start_0:
0x88: {  	s2 =	sld [smem:$0x3FD9]  }
0x89: {  	s3 =	sld [smem:$0x3FFE];
	_ =	sdelay $0x1  }
0x8a: {  	s1 =	srdreg.scid  }
0x8b: {  	s0 =	sand.u32 $0x1, s1  }
0x8c: {  	s19 =	sshll.u32 s0, $0xA;
	s2 =	sadd.s32 s3, s2  }
0x8d: {  	s3 =	sadd.s32 s2, s19  }
0x8e: {  	[smem:$0x3FC3] =	sst s3  }
0x8f: {  	_ = 	snop  }
0x90: {  	s3 =	sld [smem:$0x3FC9]  }
0x91: {  	s4 =	sld [smem:$0x3FC8]  }
0x92: {  	s5 =	sld [smem:$0x3FC7]  }
0x93: {  	s6 =	sld [smem:$0x3FC6]  }
0x94: {  	s7 =	sld [smem:$0x3FC5]  }
0x95: {  	s8 =	sld [smem:$0x3FD0];
	(tm) =	ssettm $0x1  }
0x96: {  	s9 =	sld [smem:$0x3FFB];
	_ =	sdelay $0x3  }
0x97: {  	_ =	strace s9  }
0x98: {  	s9 =	sld [smem:$0x3FFC];
	_ =	sdelay $0x3  }
0x99: {  	_ =	strace s9  }
0x9a: {  	s9 =	sld [smem:$0x3FFD];
	_ =	sdelay $0x3  }
0x9b: {  	_ =	strace s9  }
0x9c: {  	_ =	strace $0x8FFFFFFF  }
0x9d: {  	s20 =	sld [smem:$0x3FDB];
	_ =	sdelay $0x1  }
0x9e: {  	s10 =	simm.s32 $_scs_section_size  }
0x9f: {  	s11 =	simm.s32 $_size__tile_overlayer_lowered;
	s12 =	simm.s32 $_tile_overlayer_lowered  }
0xa0: {  	s23 =	simm.s32 $0x1BFF;
	s22 =	sshll.u32 s12, $0x1;
	s9 =	sadd.s32 s10, s20  }
0xa1: {  	s13 =	simm.s32 $0x0;
	s21 =	sshll.u32 s11, $0x1;
	s11 =	sadd.s32 s22, s9  }
0xa2: {  	[timem:s13], [sflag:s23] =	dma.local [hbm:s11], s21  }
0xa3: {  	_ =	swait.ge [sflag:s23], s21  }
0xa4: {  	s10 =	ssub.s32 $0x0, s21;
	[sflag:s23] =	ssyncset.done $0x0  }
0xa5: {  	[sflag:s23] =	ssyncadd.s32 s10;
	_ =	sdelay $0x1  }
0xa6: {  	s24 =	simm.s32 $0x1B8B  }
0xa7: {  	_ =	swait.ge [sflag:s24], $0x1  }
0xa8: {  	[sflag:s24] =	ssyncset.done $0x0  }
0xa9: {  	s25 =	simm.s32 $0x1B8E;
	[sflag:s24] =	ssyncadd.s32 $0xFFFFFFFF  }
0xaa: {  	s26 =	simm.s32 $execute0_lowered;
	[smem:$0x3FD2] =	sst s25  }
0xab: {  	s10 =	sshll.u32 s26, $0x1;
	_ =	strace $0x80000046;
	[dreg:$0x1] =	wrdreg $0xFFFFFFFF  }
0xac: {  	s28 =	simm.s32 $_size_execute0_lowered;
	s9 =	sadd.s32 s9, s10;
	[dreg:$0x0] =	wrdreg $0x0  }
0xad: {  	s10 =	sshll.u32 s28, $0x1;
	[dreg:$0x2] =	wrdreg s9  }
0xae: {  	[dreg:$0x3] =	wrdreg s10  }
0xaf: {  	[dreg:$0x4] =	wrdreg $0xC0  }
0xb0: {  	_ =	task [dreg:s13], $0x5FFFF  }
0xb1: {  	[dreg:$0x1] =	wrdreg $0xFFFFFFFF  }
0xb2: {  	[dreg:$0x0] =	wrdreg $0x60  }
0xb3: {  	[dreg:$0x2] =	wrdreg s3  }
0xb4: {  	[dreg:$0x3] =	wrdreg s4  }
0xb5: {  	[dreg:$0x4] =	wrdreg s5  }
0xb6: {  	[dreg:$0x5] =	wrdreg s6  }
0xb7: {  	[dreg:$0x6] =	wrdreg s7  }
0xb8: {  	s2 =	sadd.s32 $0x800, s2;
	[dreg:$0x7] =	wrdreg s8  }
0xb9: {  	[dreg:$0x8] =	wrdreg s2  }
0xba: {  	[dreg:$0x9] =	wrdreg $0x9  }
0xbb: {  	_ =	task.clear_ibuf [dreg:s13], $0xAFFFF;
	_ =	strace $0x90000046  }
0xbc: {  	s29 =	simm.s32 $0x9;
	_ =	strace $0x80000048  }
0xbd: {  	_ =	swait.ge [sflag:s29], $0x1  }
0xbe: {  	[sflag:s29] =	ssyncadd.s32 $0xFFFFFFFF  }
0xbf: {  	_ =	strace $0x90000048  }
0xc0: {  	_ =	sfence  }
0xc1: {  	s30 =	sld [smem:$0x0];
	_ =	sdelay $0x2  }
0xc2: {  	s31 =	sshll.u32 s1, $0xD;
	s1 =	sshrl.u32 s1, $0x2  }
0xc3: {  	s3 =	sand.u32 $0x4000, s31;
	s1 =	sadd.s32 s1, s30  }
0xc4: {  	s0 =	sor.u32 s3, s0;
	s1 =	sshll.u32 s1, $0x11  }
0xc5: {  	s0 =	sor.u32 s1, s0  }
0xc6: {  	s0 =	sadd.s32 $0x8F2B, s0  }
0xc7: {  	[sflag:s0] =	ssyncadd.remote.s32 $0x1  }
0xc8: {  	_ =	sfence.sel $0xFFFF  }
0xc9: {  	[dreg:$0x0] =	wrdreg $0xFFFFFFFF;
	(pc) =	sbr.abs _section_cstart, $3  }
0xca: {  	[dreg:$0x1] =	wrdreg $0xFFFFFFFF  }
0xcb: {  	_ =	task.clear_ibuf [dreg:s13], $0x2FFFF;
	_ =	strace $0x9FFFFFFF  }
0xcc: {  	(tm) =	ssettm $0x7FFFFFFF  }
0xcd: {  	_ =	shalt  }
tec
execute0_lowered:
.L_overlay_start_1:
0x0: {  	(tag) =	ssettag $0x1  }
0x1: {  	s5 =	rddreg [dreg:$0x0]  }
0x2: {  	s6 =	rddreg [dreg:$0x1]  }
0x3: {  	s7 =	rddreg [dreg:$0x2]  }
0x4: {  	s1 =	rddreg [dreg:$0x3]  }
0x5: {  	s2 =	rddreg [dreg:$0x4]  }
0x6: {  	s9 =	rddreg [dreg:$0x5]  }
0x7: {  	s3 =	rddreg [dreg:$0x6];
	s4 =	simm.s32 $0x0  }
0x8: {  	[smem:$0x7FF] =	sst s4  }
0x9: {  	s0 =	rddreg [dreg:$0x7];
	s8 =	srdreg.scid;
	v0 =	vimm.f32 $9.000000000e+00;
	_ =	strace $0x80000047  }
0xa: {  	s18 =	stileid.u32;
	s14 =	simm.s32 $0x10600;
	s15 =	simm.s32 $0x1;
	(erf) = vrcp.f32 v0  }
0xb: {  	s16 =	simm.s32 $0x600;
	s17 =	simm.s32 $0x2;
	s20 =	simm.s32 $0x10700  }
0xc: {  	s21 =	simm.s32 $0x0;
	s10 =	sand.u32 $0x1, s8;
	s12 =	sshll.u32 s18, $0x7  }
0xd: {  	s31 =	sshll.u32 s18, $0x4;
	s8 =	ssub.s32 $0x2, s10;
	s13 =	sshll.u32 s10, $0x6  }
0xe: {  	p0 =	sne.s32 s18, $0x0;
	s11 =	sshrl.u32 s8, $0x1;
	s30 =	sor.u32 s13, s12  }
.Ltmp0:
0xf: {  	s12 =	simm.s32 $0x200;
	s13 =	simm.s32 $0x400;
	(pc) =	sbr.rel .LBB2_1-.Ltmp0, $4  }
0x10: {  	v0 =	vlaneseq.u32;
	s11 =	ssub.s32 s8, s11;
	s5 =	sadd.s32 s5, s30;
	s6 =	sadd.s32 s6, s30  }
0x11: {  	s7 =	sadd.s32 s7, s30;
	s8 =	sshll.u32 s10, $0x8;
	s10 =	sshll.u32 s10, $0x4;
	v0 =	vmul.u32 $0x400, v0  }
0x12: {  	v1 =	vimm.s32 $0x0;
	s19 =	sor.u32 s31, s8;
	s9 =	sadd.s32 s9, s10;
	s10 =	smax.u32 s11, $0x1  }
0x13: {  	s11 =	simm.s32 $0x3;
	s18 =	sadd.s32 s3, s19;
	v3 =	vor.u32 $0x4000, v0;
	v4 =	vor.u32 $0x8000, v0;
	v5 =	vor.u32 $0xC000, v0;
	s19 =	simm.s32 $0x10680;
	v2 =	vpop (erf)  }
.LBB2_9:
0x14: {  	[tilespmem:$0x10680] =	vst v8  }
0x15: {  	[hbm4b:s18+s4] =	stream.linear.scatter [tilespmem:s19], [sflag:$0x3], $0x80, $0x38;
	[tilespmem:$0x10F00] =	vst v63  }
.Ltmp1:
0x16: {  	_ =	swait.ge [sflag:s11], $0x80;
	(pc) =	sbr.rel @!p0 .LBB2_10-.Ltmp1, $3  }
0x17: {  	[sflag:s11] =	ssyncset.done $0x0  }
0x18: {  	[sflag:s11] =	ssyncadd.s32 $0xFFFFFF80  }
0x19: {  	[bflag:$0x0] =	sbarrier.arrive $0xFFFF;
	_ =	sdelay $0x1  }
.LBB2_11:
0x1a: {  	s21 =	sadd.s32 $0x1, s21  }
0x1b: {  	p1 =	sne.s32 s21, s10  }
.Ltmp2:
0x1c: {  	_ = 	snop;
	(pc) =	sbr.rel @!p1 .LBB2_12-.Ltmp2, $1  }
0x1d: {  	_ =	sdelay $0x3  }
.LBB2_1:
0x1e: {  	[tilespmem:s4], [sflag:$0x3] =	stream.linear.gather [hbm4b:s5+s4], $0x200, $0x38;
	[tilespmem:$0x10F00] =	vst v63  }
0x1f: {  	_ =	swait.ge [sflag:s11], $0x200  }
0x20: {  	[sflag:s11] =	ssyncset.done $0x0  }
0x21: {  	[sflag:s11] =	ssyncadd.s32 $0xFFFFFE00  }
0x22: {  	[tilespmem:s12], [sflag:$0x3] =	stream.linear.gather [hbm4b:s6+s4], $0x200, $0x38;
	[tilespmem:$0x10F00] =	vst v63  }
0x23: {  	_ =	swait.ge [sflag:s11], $0x200  }
0x24: {  	[sflag:s11] =	ssyncset.done $0x0  }
0x25: {  	[sflag:s11] =	ssyncadd.s32 $0xFFFFFE00  }
0x26: {  	[tilespmem:s13], [sflag:$0x3] =	stream.linear.gather [hbm4b:s7+s4], $0x200, $0x38;
	[tilespmem:$0x10F00] =	vst v63  }
0x27: {  	_ =	swait.ge [sflag:s11], $0x200  }
0x28: {  	[sflag:s11] =	ssyncset.done $0x0  }
0x29: {  	[sflag:s11] =	ssyncadd.s32 $0xFFFFFE00  }
0x2a: {  	[tilespmem:s14], [sflag:$0x3] =	stream.linear.gather [hbm4b:s1+s4], $0x80, $0x38;
	[tilespmem:$0x10F00] =	vst v63  }
0x2b: {  	_ =	swait.ge [sflag:s11], $0x80  }
0x2c: {  	[sflag:s11] =	ssyncset.done $0x0  }
0x2d: {  	[sflag:s11] =	ssyncadd.s32 $0xFFFFFF80  }
0x2e: {  	v6 =	vld [tilespmem:$0x10600]  }
0x2f: {  	p1 =	por $0x1, $0x1;
	s23 =	simm.s32 $0x0;
	v7 =	vld [tilespmem:$0x10610]  }
.LBB2_2:
0x30: {  	s22 =	sshll.u32 s23, $0x4  }
0x31: {  	v8 =	vld [tilespmem:s22+$0x200]  }
0x32: {  	v9 =	vld [tilespmem:s22+$0x0];
	_ =	sdelay $0x3  }
0x33: {  	v10 =	vshrl.u32 v8, $0x3  }
0x34: {  	v8 =	vshll.u32 v9, $0x3;
	v9 =	vmul.u32 $0x7A1400, v10  }
0x35: {  	(v2sf) =	vpush v8, $0x0  }
0x36: {  	(v2sf) =	vpush v9, $0x0;
	_ =	sdelay $0x1  }
0x37: {  	(v2sf) =	vpush v8, $0x1  }
0x38: {  	(v2sf) =	vpush v9, $0x1;
	_ =	sdelay $0x3  }
0x39: {  	(v2sf) =	vpush v8, $0x2;
	_ =	sdelay $0x1  }
0x3a: {  	(v2sf) =	vpush v9, $0x2;
	_ =	sdelay $0x4  }
0x3b: {  	s25 =	spop (v2sf);
	(v2sf) =	vpush v8, $0x3  }
0x3c: {  	s26 =	sshll.u32 s23, $0xE;
	s24 =	spop (v2sf);
	(v2sf) =	vpush v9, $0x3  }
0x3d: {  	s23 =	sand.u32 $0x3FFFC000, s26;
	s22 =	sand.u32 $0x7FFFFC00, s25  }
0x3e: {  	s28 =	sor.u32 $0x600, s23;
	s22 =	sadd.s32 s22, s24;
	s29 =	spop (v2sf)  }
0x3f: {  	(v2sf) =	vpush v8, $0x4;
	s22 =	sshrl.u32 s22, $0x3;
	s24 =	sand.u32 $0x7FFFFC00, s29;
	s30 =	spop (v2sf)  }
0x40: {  	s25 =	sadd.s32 s2, s22;
	s22 =	simm.s32 $0x0;
	s24 =	sadd.s32 s24, s30  }
0x41: {  	(v2sf) =	vpush v9, $0x4;
	[tilespmem:s28], [sflag:$0x1] =	stream.linear.gather [hbm4b:s25+s22], $0x400, $0x38;
	[tilespmem:$0x10F00] =	vst v63  }
0x42: {  	s24 =	sshrl.u32 s24, $0x3  }
0x43: {  	s31 =	sor.u32 $0xA00, s23;
	s25 =	spop (v2sf);
	s24 =	sadd.s32 s2, s24  }
0x44: {  	(v2sf) =	vpush v8, $0x5;
	[tilespmem:s31], [sflag:$0x1] =	stream.linear.gather [hbm4b:s24+s22], $0x400, $0x38;
	[tilespmem:$0x10F00] =	vst v63  }
0x45: {  	s26 =	spop (v2sf);
	s24 =	sand.u32 $0x7FFFFC00, s25  }
0x46: {  	(v2sf) =	vpush v9, $0x5;
	s24 =	sadd.s32 s24, s26  }
0x47: {  	s24 =	sshrl.u32 s24, $0x3  }
0x48: {  	s28 =	sor.u32 $0xE00, s23;
	s24 =	sadd.s32 s2, s24  }
0x49: {  	[tilespmem:s28], [sflag:$0x1] =	stream.linear.gather [hbm4b:s24+s22], $0x400, $0x38;
	[tilespmem:$0x10F00] =	vst v63  }
0x4a: {  	s29 =	spop (v2sf)  }
0x4b: {  	(v2sf) =	vpush v8, $0x6;
	s24 =	sand.u32 $0x7FFFFC00, s29;
	s30 =	spop (v2sf)  }
0x4c: {  	(v2sf) =	vpush v9, $0x6;
	s24 =	sadd.s32 s24, s30  }
0x4d: {  	s24 =	sshrl.u32 s24, $0x3  }
0x4e: {  	s31 =	sor.u32 $0x1200, s23;
	s25 =	spop (v2sf);
	s24 =	sadd.s32 s2, s24  }
0x4f: {  	(v2sf) =	vpush v8, $0x7;
	[tilespmem:s31], [sflag:$0x1] =	stream.linear.gather [hbm4b:s24+s22], $0x400, $0x38;
	[tilespmem:$0x10F00] =	vst v63  }
0x50: {  	s26 =	spop (v2sf);
	s24 =	sand.u32 $0x7FFFFC00, s25  }
0x51: {  	(v2sf) =	vpush v9, $0x7;
	s24 =	sadd.s32 s24, s26  }
0x52: {  	s24 =	sshrl.u32 s24, $0x3  }
0x53: {  	s28 =	sor.u32 $0x1600, s23;
	s29 =	spop (v2sf);
	s24 =	sadd.s32 s2, s24  }
0x54: {  	(v2sf) =	vpush v8, $0x8;
	[tilespmem:s28], [sflag:$0x1] =	stream.linear.gather [hbm4b:s24+s22], $0x400, $0x38;
	[tilespmem:$0x10F00] =	vst v63  }
0x55: {  	s30 =	spop (v2sf);
	s24 =	sand.u32 $0x7FFFFC00, s29  }
0x56: {  	(v2sf) =	vpush v9, $0x8;
	s24 =	sadd.s32 s24, s30  }
0x57: {  	s24 =	sshrl.u32 s24, $0x3  }
0x58: {  	s31 =	sor.u32 $0x1A00, s23;
	s24 =	sadd.s32 s2, s24  }
0x59: {  	[tilespmem:s31], [sflag:$0x1] =	stream.linear.gather [hbm4b:s24+s22], $0x400, $0x38;
	[tilespmem:$0x10F00] =	vst v63  }
0x5a: {  	s25 =	spop (v2sf)  }
0x5b: {  	(v2sf) =	vpush v8, $0x9;
	s24 =	sand.u32 $0x7FFFFC00, s25;
	s26 =	spop (v2sf)  }
0x5c: {  	(v2sf) =	vpush v9, $0x9;
	s24 =	sadd.s32 s24, s26  }
0x5d: {  	s24 =	sshrl.u32 s24, $0x3  }
0x5e: {  	s28 =	sor.u32 $0x1E00, s23;
	s29 =	spop (v2sf);
	s24 =	sadd.s32 s2, s24  }
0x5f: {  	(v2sf) =	vpush v8, $0xA;
	[tilespmem:s28], [sflag:$0x1] =	stream.linear.gather [hbm4b:s24+s22], $0x400, $0x38;
	[tilespmem:$0x10F00] =	vst v63  }
0x60: {  	s30 =	spop (v2sf);
	s24 =	sand.u32 $0x7FFFFC00, s29  }
0x61: {  	(v2sf) =	vpush v9, $0xA;
	s24 =	sadd.s32 s24, s30  }
0x62: {  	s24 =	sshrl.u32 s24, $0x3  }
0x63: {  	s31 =	sor.u32 $0x2200, s23;
	s25 =	spop (v2sf);
	s24 =	sadd.s32 s2, s24  }
0x64: {  	(v2sf) =	vpush v8, $0xB;
	[tilespmem:s31], [sflag:$0x1] =	stream.linear.gather [hbm4b:s24+s22], $0x400, $0x38;
	[tilespmem:$0x10F00] =	vst v63  }
0x65: {  	s26 =	spop (v2sf);
	s24 =	sand.u32 $0x7FFFFC00, s25  }
0x66: {  	(v2sf) =	vpush v9, $0xB;
	s24 =	sadd.s32 s24, s26  }
0x67: {  	s24 =	sshrl.u32 s24, $0x3  }
0x68: {  	s28 =	sor.u32 $0x2600, s23;
	s24 =	sadd.s32 s2, s24  }
0x69: {  	[tilespmem:s28], [sflag:$0x1] =	stream.linear.gather [hbm4b:s24+s22], $0x400, $0x38;
	[tilespmem:$0x10F00] =	vst v63  }
0x6a: {  	s29 =	spop (v2sf)  }
0x6b: {  	(v2sf) =	vpush v8, $0xC;
	s24 =	sand.u32 $0x7FFFFC00, s29;
	s30 =	spop (v2sf)  }
0x6c: {  	(v2sf) =	vpush v9, $0xC;
	s24 =	sadd.s32 s24, s30  }
0x6d: {  	s24 =	sshrl.u32 s24, $0x3  }
0x6e: {  	s31 =	sor.u32 $0x2A00, s23;
	s25 =	spop (v2sf);
	s24 =	sadd.s32 s2, s24  }
0x6f: {  	(v2sf) =	vpush v8, $0xD;
	[tilespmem:s31], [sflag:$0x1] =	stream.linear.gather [hbm4b:s24+s22], $0x400, $0x38;
	[tilespmem:$0x10F00] =	vst v63  }
0x70: {  	s26 =	spop (v2sf);
	s24 =	sand.u32 $0x7FFFFC00, s25  }
0x71: {  	(v2sf) =	vpush v9, $0xD;
	s24 =	sadd.s32 s24, s26  }
0x72: {  	s24 =	sshrl.u32 s24, $0x3  }
0x73: {  	s28 =	sor.u32 $0x2E00, s23;
	s29 =	spop (v2sf);
	s24 =	sadd.s32 s2, s24  }
0x74: {  	(v2sf) =	vpush v8, $0xE;
	[tilespmem:s28], [sflag:$0x1] =	stream.linear.gather [hbm4b:s24+s22], $0x400, $0x38;
	[tilespmem:$0x10F00] =	vst v63  }
0x75: {  	s30 =	spop (v2sf);
	s24 =	sand.u32 $0x7FFFFC00, s29  }
0x76: {  	(v2sf) =	vpush v9, $0xE;
	s24 =	sadd.s32 s24, s30  }
0x77: {  	s24 =	sshrl.u32 s24, $0x3  }
0x78: {  	s31 =	sor.u32 $0x3200, s23;
	s24 =	sadd.s32 s2, s24  }
0x79: {  	[tilespmem:s31], [sflag:$0x1] =	stream.linear.gather [hbm4b:s24+s22], $0x400, $0x38;
	[tilespmem:$0x10F00] =	vst v63  }
0x7a: {  	s25 =	spop (v2sf)  }
0x7b: {  	(v2sf) =	vpush v9, $0xF;
	s24 =	sand.u32 $0x7FFFFC00, s25;
	s26 =	spop (v2sf)  }
0x7c: {  	(v2sf) =	vpush v8, $0xF;
	s24 =	sadd.s32 s24, s26  }
0x7d: {  	s24 =	sshrl.u32 s24, $0x3  }
0x7e: {  	s28 =	sor.u32 $0x3600, s23;
	s29 =	spop (v2sf);
	s24 =	sadd.s32 s2, s24  }
0x7f: {  	[tilespmem:s28], [sflag:$0x1] =	stream.linear.gather [hbm4b:s24+s22], $0x400, $0x38;
	[tilespmem:$0x10F00] =	vst v63  }
0x80: {  	s30 =	spop (v2sf);
	s24 =	sand.u32 $0x7FFFFC00, s29  }
0x81: {  	s24 =	sadd.s32 s24, s30  }
0x82: {  	s24 =	sshrl.u32 s24, $0x3  }
0x83: {  	s31 =	sor.u32 $0x3A00, s23;
	s26 =	spop (v2sf);
	s24 =	sadd.s32 s2, s24  }
0x84: {  	[tilespmem:s31], [sflag:$0x1] =	stream.linear.gather [hbm4b:s24+s22], $0x400, $0x38;
	[tilespmem:$0x10F00] =	vst v63  }
0x85: {  	s28 =	spop (v2sf);
	s24 =	sand.u32 $0x7FFFFC00, s26  }
0x86: {  	s24 =	sadd.s32 s24, s28  }
0x87: {  	s24 =	sshrl.u32 s24, $0x3  }
0x88: {  	s29 =	sor.u32 $0x3E00, s23;
	s24 =	sadd.s32 s2, s24  }
0x89: {  	[tilespmem:s29], [sflag:$0x1] =	stream.linear.gather [hbm4b:s24+s22], $0x400, $0x38;
	[tilespmem:$0x10F00] =	vst v63  }
0x8a: {  	s30 =	spop (v2sf)  }
0x8b: {  	s31 =	spop (v2sf)  }
0x8c: {  	p2 =	por p1, p1;
	s25 =	sand.u32 $0x7FFFFC00, s31  }
.Ltmp3:
0x8d: {  	s24 =	sadd.s32 s25, s30;
	(pc) =	sbr.rel @p2 .LBB2_2-.Ltmp3, $4  }
0x8e: {  	s24 =	sshrl.u32 s24, $0x3  }
0x8f: {  	s23 =	sadd.s32 $0x4200, s23;
	s24 =	sadd.s32 s2, s24  }
0x90: {  	[tilespmem:s23], [sflag:$0x1] =	stream.linear.gather [hbm4b:s24+s22], $0x400, $0x38;
	[tilespmem:$0x10F00] =	vst v63  }
0x91: {  	p1 =	por $0x0, $0x0;
	v8 =	vimm.f32 $0.0e+00;
	s23 =	simm.s32 $0x1  }
.Ltmp4:
0x92: {  	_ = 	snop;
	(pc) =	sbr.rel .LBB2_3-.Ltmp4, $1  }
0x93: {  	_ =	sdelay $0x3  }
.LBB2_8:
0x94: {  	_ =	swait.ge [sflag:s17], $0x400  }
0x95: {  	[sflag:s17] =	ssyncset.done $0x0  }
0x96: {  	[sflag:s17] =	ssyncadd.s32 $0xFFFFFC00  }
0x97: {  	_ =	swait.ge [sflag:s17], $0x400  }
0x98: {  	[sflag:s17] =	ssyncset.done $0x0  }
0x99: {  	[sflag:s17] =	ssyncadd.s32 $0xFFFFFC00  }
0x9a: {  	_ =	swait.ge [sflag:s17], $0x400  }
0x9b: {  	[sflag:s17] =	ssyncset.done $0x0  }
0x9c: {  	[sflag:s17] =	ssyncadd.s32 $0xFFFFFC00  }
0x9d: {  	_ =	swait.ge [sflag:s17], $0x400  }
0x9e: {  	[sflag:s17] =	ssyncset.done $0x0  }
0x9f: {  	[sflag:s17] =	ssyncadd.s32 $0xFFFFFC00  }
0xa0: {  	_ =	swait.ge [sflag:s17], $0x400  }
0xa1: {  	[sflag:s17] =	ssyncset.done $0x0  }
0xa2: {  	[sflag:s17] =	ssyncadd.s32 $0xFFFFFC00  }
0xa3: {  	_ =	swait.ge [sflag:s17], $0x400  }
0xa4: {  	[sflag:s17] =	ssyncset.done $0x0  }
0xa5: {  	[sflag:s17] =	ssyncadd.s32 $0xFFFFFC00  }
0xa6: {  	_ =	swait.ge [sflag:s17], $0x400  }
0xa7: {  	[sflag:s17] =	ssyncset.done $0x0  }
0xa8: {  	[sflag:s17] =	ssyncadd.s32 $0xFFFFFC00  }
0xa9: {  	_ =	swait.ge [sflag:s17], $0x400  }
0xaa: {  	[sflag:s17] =	ssyncset.done $0x0  }
0xab: {  	[sflag:s17] =	ssyncadd.s32 $0xFFFFFC00  }
0xac: {  	_ =	swait.ge [sflag:s17], $0x400  }
0xad: {  	[sflag:s17] =	ssyncset.done $0x0  }
0xae: {  	[sflag:s17] =	ssyncadd.s32 $0xFFFFFC00  }
0xaf: {  	_ =	swait.ge [sflag:s17], $0x400  }
0xb0: {  	[sflag:s17] =	ssyncset.done $0x0  }
0xb1: {  	[sflag:s17] =	ssyncadd.s32 $0xFFFFFC00  }
0xb2: {  	_ =	swait.ge [sflag:s17], $0x400  }
0xb3: {  	[sflag:s17] =	ssyncset.done $0x0  }
0xb4: {  	[sflag:s17] =	ssyncadd.s32 $0xFFFFFC00  }
0xb5: {  	_ =	swait.ge [sflag:s17], $0x400  }
0xb6: {  	[sflag:s17] =	ssyncset.done $0x0  }
0xb7: {  	[sflag:s17] =	ssyncadd.s32 $0xFFFFFC00  }
0xb8: {  	_ =	swait.ge [sflag:s17], $0x400  }
0xb9: {  	[sflag:s17] =	ssyncset.done $0x0  }
0xba: {  	[sflag:s17] =	ssyncadd.s32 $0xFFFFFC00  }
0xbb: {  	_ =	swait.ge [sflag:s17], $0x400  }
0xbc: {  	[sflag:s17] =	ssyncset.done $0x0  }
0xbd: {  	[sflag:s17] =	ssyncadd.s32 $0xFFFFFC00  }
0xbe: {  	_ =	swait.ge [sflag:s17], $0x400  }
0xbf: {  	[sflag:s17] =	ssyncset.done $0x0  }
0xc0: {  	[sflag:s17] =	ssyncadd.s32 $0xFFFFFC00  }
0xc1: {  	_ =	swait.ge [sflag:s17], $0x400  }
0xc2: {  	[sflag:s17] =	ssyncset.done $0x0  }
0xc3: {  	[sflag:s17] =	ssyncadd.s32 $0xFFFFFC00  }
0xc4: {  	_ =	swait.ge [sflag:s17], $0x400  }
0xc5: {  	[sflag:s17] =	ssyncset.done $0x0  }
0xc6: {  	[sflag:s17] =	ssyncadd.s32 $0xFFFFFC00  }
0xc7: {  	_ =	swait.ge [sflag:s17], $0x400  }
0xc8: {  	[sflag:s17] =	ssyncset.done $0x0  }
0xc9: {  	[sflag:s17] =	ssyncadd.s32 $0xFFFFFC00  }
0xca: {  	_ =	swait.ge [sflag:s17], $0x400  }
0xcb: {  	[sflag:s17] =	ssyncset.done $0x0  }
0xcc: {  	[sflag:s17] =	ssyncadd.s32 $0xFFFFFC00  }
0xcd: {  	_ =	swait.ge [sflag:s17], $0x400  }
0xce: {  	[sflag:s17] =	ssyncset.done $0x0  }
0xcf: {  	[sflag:s17] =	ssyncadd.s32 $0xFFFFFC00  }
0xd0: {  	_ =	swait.ge [sflag:s17], $0x400  }
0xd1: {  	[sflag:s17] =	ssyncset.done $0x0  }
0xd2: {  	[sflag:s17] =	ssyncadd.s32 $0xFFFFFC00  }
0xd3: {  	_ =	swait.ge [sflag:s17], $0x400  }
0xd4: {  	[sflag:s17] =	ssyncset.done $0x0  }
0xd5: {  	[sflag:s17] =	ssyncadd.s32 $0xFFFFFC00  }
0xd6: {  	_ =	swait.ge [sflag:s17], $0x400  }
0xd7: {  	[sflag:s17] =	ssyncset.done $0x0  }
0xd8: {  	[sflag:s17] =	ssyncadd.s32 $0xFFFFFC00  }
0xd9: {  	_ =	swait.ge [sflag:s17], $0x400  }
0xda: {  	[sflag:s17] =	ssyncset.done $0x0  }
0xdb: {  	[sflag:s17] =	ssyncadd.s32 $0xFFFFFC00  }
0xdc: {  	_ =	swait.ge [sflag:s17], $0x400  }
0xdd: {  	[sflag:s17] =	ssyncset.done $0x0  }
0xde: {  	[sflag:s17] =	ssyncadd.s32 $0xFFFFFC00  }
0xdf: {  	_ =	swait.ge [sflag:s17], $0x400  }
0xe0: {  	[sflag:s17] =	ssyncset.done $0x0  }
0xe1: {  	[sflag:s17] =	ssyncadd.s32 $0xFFFFFC00  }
0xe2: {  	_ =	swait.ge [sflag:s17], $0x400  }
0xe3: {  	[sflag:s17] =	ssyncset.done $0x0  }
0xe4: {  	[sflag:s17] =	ssyncadd.s32 $0xFFFFFC00  }
0xe5: {  	_ =	swait.ge [sflag:s17], $0x400  }
0xe6: {  	[sflag:s17] =	ssyncset.done $0x0  }
0xe7: {  	[sflag:s17] =	ssyncadd.s32 $0xFFFFFC00  }
0xe8: {  	_ =	swait.ge [sflag:s17], $0x400  }
0xe9: {  	[sflag:s17] =	ssyncset.done $0x0  }
0xea: {  	[sflag:s17] =	ssyncadd.s32 $0xFFFFFC00  }
0xeb: {  	_ =	swait.ge [sflag:s17], $0x400  }
0xec: {  	[sflag:s17] =	ssyncset.done $0x0  }
0xed: {  	[sflag:s17] =	ssyncadd.s32 $0xFFFFFC00  }
0xee: {  	_ =	swait.ge [sflag:s17], $0x400  }
0xef: {  	[sflag:s17] =	ssyncset.done $0x0  }
0xf0: {  	[sflag:s17] =	ssyncadd.s32 $0xFFFFFC00  }
0xf1: {  	_ =	swait.ge [sflag:s17], $0x400  }
0xf2: {  	[sflag:s17] =	ssyncset.done $0x0  }
0xf3: {  	[sflag:s17] =	ssyncadd.s32 $0xFFFFFC00  }
0xf4: {  	v17 =	vld [tilespmem:s24+$0x200]  }
0xf5: {  	v18 =	vld [tilespmem:s24+$0x0]  }
0xf6: {  	s25 =	sor.u32 $0x30, s23;
	v19 =	vld [tilespmem:s23+$0x230]  }
0xf7: {  	v20 =	vld [tilespmem:s25+$0x0];
	_ =	sdelay $0x1  }
0xf8: {  	v17 =	vshll.u32 v17, $0x7  }
0xf9: {  	v18 =	vand.u32 $0x7F, v18;
	v17 =	vand.u32 $0x380, v17  }
0xfa: {  	v34 =	vshll.u32 v19, $0x7;
	v17 =	vor.u32 v18, v17  }
0xfb: {  	v35 =	vand.u32 $0x7F, v20;
	v18 =	vand.u32 $0x380, v34;
	v17 =	vor.u32 v4, v17  }
0xfc: {  	v18 =	vor.u32 v35, v18  }
0xfd: {  	v18 =	vor.u32 v5, v18;
	_ =	sdelay $0x2  }
0xfe: {  	v17 =	vld.idx.msk [tilespmem:v17+s16+$0x0], $0xffff;
	_ =	sdelay $0x1  }
0xff: {  	v18 =	vld.idx.msk [tilespmem:v18+s16+$0x0], $0xffff;
	_ =	sdelay $0x2  }
0x100: {  	v17 =	vmul.f32 v17, v7;
	_ =	sdelay $0x1  }
0x101: {  	v18 =	vmul.f32 v18, v7;
	v17 =	vsub.f32 v6, v17;
	_ =	sdelay $0x1  }
0x102: {  	v18 =	vsub.f32 v6, v18;
	v36 =	vand.u32 $0x7FFFFF, v17  }
0x103: {  	v19 =	vor.u32 $0x3F800000, v36  }
0x104: {  	v15 =	vadd.f32 $-1.000000000e+00, v15;
	v21 =	vand.u32 $0x7FFFFF, v18;
	v37 =	vmul.f32 $5.000000000e-01, v19  }
0x105: {  	vm2 =	vgt.f32 v19, $1.414213540e+00;
	v38 =	vor.u32 $0x3F800000, v21  }
0x106: {  	v15 =	vmul.f32 v16, v15;
	v39 =	vmul.f32 $5.000000000e-01, v38;
	v19 =	vsel vm2, v37, v19  }
0x107: {  	vm3 =	vgt.f32 v38, $1.414213540e+00;
	v20 =	vadd.f32 $1.000000000e+00, v19  }
0x108: {  	v40 =	vmul.f32 v15, v15;
	v16 =	vsel vm3, v39, v38  }
0x109: {  	(erf) = vrcp.f32 v20;
	v20 =	vadd.f32 $1.000000000e+00, v16  }
0x10a: {  	v22 =	vmul.f32 v40, v2  }
0x10b: {  	(erf) = vrcp.f32 v20  }
0x10c: {  	v13 =	vadd.f32 $-1.000000000e+00, v13;
	v41 =	vadd.f32 $1.428571490e-01, v22;
	_ =	sdelay $0x1  }
0x10d: {  	v13 =	vmul.f32 v14, v13;
	v14 =	vmul.f32 v41, v40;
	_ =	sdelay $0x1  }
0x10e: {  	v42 =	vmul.f32 v13, v13;
	v14 =	vadd.f32 $2.000000030e-01, v14  }
0x10f: {  	v24 =	vsel vm1, $0x1, v1;
	v12 =	vshrl.u32 v12, $0x17;
	v19 =	vadd.f32 $-1.000000000e+00, v19  }
0x110: {  	v12 =	vadd.s32 v24, v12;
	v23 =	vmul.f32 v42, v2;
	v14 =	vmul.f32 v14, v40;
	v43 =	vpop (erf)  }
0x111: {  	v12 =	vadd.s32 $0xFFFFFF81, v12;
	v16 =	vadd.f32 $-1.000000000e+00, v16;
	v19 =	vmul.f32 v43, v19  }
0x112: {  	v12 =	vcvt.s32.f32 v12;
	v44 =	vadd.f32 $1.428571490e-01, v23;
	v14 =	vadd.f32 $3.333333430e-01, v14;
	v26 =	vpop (erf)  }
0x113: {  	v50 =	vsel vm0, $0x1, v1;
	v45 =	vmul.f32 v19, v19;
	v16 =	vmul.f32 v26, v16  }
0x114: {  	v10 =	vshrl.u32 v10, $0x17;
	v22 =	vmul.f32 v44, v42;
	v14 =	vmul.f32 v14, v40  }
0x115: {  	v15 =	vadd.f32 v15, v15;
	v25 =	vmul.f32 v45, v2;
	v47 =	vmul.f32 v16, v16  }
0x116: {  	v10 =	vadd.s32 v50, v10;
	v22 =	vadd.f32 $2.000000030e-01, v22;
	v14 =	vadd.f32 $1.000000000e+00, v14  }
0x117: {  	v12 =	vmul.f32 $6.931471820e-01, v12;
	v46 =	vadd.f32 $1.428571490e-01, v25;
	v48 =	vmul.f32 v47, v2  }
0x118: {  	v10 =	vadd.s32 $0xFFFFFF81, v10;
	v22 =	vmul.f32 v22, v42;
	v14 =	vmul.f32 v14, v15  }
0x119: {  	v10 =	vcvt.s32.f32 v10;
	v21 =	vmul.f32 v46, v45;
	v51 =	vadd.f32 $1.428571490e-01, v48  }
0x11a: {  	v22 =	vadd.f32 $3.333333430e-01, v22;
	v12 =	vadd.f32 v14, v12  }
0x11b: {  	v10 =	vmul.f32 $6.931471820e-01, v10;
	v49 =	vadd.f32 $2.000000030e-01, v21;
	v54 =	vmul.f32 v51, v47  }
0x11c: {  	v13 =	vadd.f32 v13, v13;
	v11 =	vmul.f32 v12, v11;
	v20 =	vmul.f32 v22, v42  }
0x11d: {  	v57 =	vshrl.u32 v17, $0x17;
	v52 =	vmul.f32 v49, v45;
	v56 =	vadd.f32 $2.000000030e-01, v54  }
0x11e: {  	v18 =	vshrl.u32 v18, $0x17;
	v58 =	vsel vm2, $0x1, v1;
	v53 =	vadd.f32 $1.000000000e+00, v20  }
0x11f: {  	v15 =	vadd.s32 v58, v57;
	v55 =	vadd.f32 $3.333333430e-01, v52;
	v14 =	vmul.f32 v56, v47  }
0x120: {  	v60 =	vsel vm3, $0x1, v1;
	v15 =	vadd.s32 $0xFFFFFF81, v15;
	v13 =	vmul.f32 v53, v13  }
0x121: {  	v61 =	vadd.s32 v60, v18;
	v12 =	vmul.f32 v55, v45;
	v14 =	vadd.f32 $3.333333430e-01, v14  }
0x122: {  	v15 =	vcvt.s32.f32 v15;
	v10 =	vadd.f32 v13, v10;
	v13 =	vadd.s32 $0xFFFFFF81, v61  }
0x123: {  	v59 =	vadd.f32 v19, v19;
	v12 =	vadd.f32 $1.000000000e+00, v12;
	v14 =	vmul.f32 v14, v47  }
0x124: {  	v62 =	vld [tilespmem:s24+$0x400];
	v15 =	vmul.f32 $6.931471820e-01, v15;
	v13 =	vcvt.s32.f32 v13  }
0x125: {  	v16 =	vadd.f32 v16, v16;
	v12 =	vmul.f32 v12, v59;
	v14 =	vadd.f32 $1.000000000e+00, v14  }
0x126: {  	v8 =	vadd.f32 v11, v8;
	v9 =	vmul.f32 v10, v9;
	v10 =	vld [tilespmem:s23+$0x430]  }
0x127: {  	v13 =	vmul.f32 $6.931471820e-01, v13;
	v11 =	vadd.f32 v12, v15;
	v63 =	vmul.f32 v14, v16  }
0x128: {  	s22 =	sadd.s32 $0x1, s22  }
0x129: {  	p1 =	sne.s32 s22, $0x8;
	v8 =	vadd.f32 v9, v8;
	v9 =	vmul.f32 v11, v62;
	v11 =	vadd.f32 v63, v13  }
.Ltmp5:
0x12a: {  	_ = 	snop;
	(pc) =	sbr.rel @!p1 .LBB2_9-.Ltmp5, $2  }
0x12b: {  	v8 =	vadd.f32 v9, v8;
	v9 =	vmul.f32 v11, v10;
	_ =	sdelay $0x1  }
0x12c: {  	v8 =	vadd.f32 v9, v8;
	_ =	sdelay $0x1  }
.LBB2_3:
0x12d: {  	s23 =	sshll.u32 s22, $0x6  }
0x12e: {  	p1 =	por $0x1, $0x1;
	s25 =	simm.s32 $0x0;
	s24 =	sor.u32 $0x20, s23  }
.LBB2_4:
0x12f: {  	s26 =	sshll.u32 s25, $0x4  }
0x130: {  	s26 =	sor.u32 s24, s26  }
0x131: {  	v9 =	vld [tilespmem:s26+$0x200]  }
0x132: {  	v10 =	vld [tilespmem:s26+$0x0];
	_ =	sdelay $0x3  }
0x133: {  	v11 =	vshrl.u32 v9, $0x3  }
0x134: {  	v9 =	vshll.u32 v10, $0x3;
	v10 =	vmul.u32 $0x7A1400, v11  }
0x135: {  	(v2sf) =	vpush v9, $0x0  }
0x136: {  	(v2sf) =	vpush v10, $0x0;
	_ =	sdelay $0x2  }
0x137: {  	(v2sf) =	vpush v9, $0x1;
	_ =	sdelay $0x1  }
0x138: {  	(v2sf) =	vpush v10, $0x1;
	_ =	sdelay $0x2  }
0x139: {  	(v2sf) =	vpush v9, $0x2;
	_ =	sdelay $0x1  }
0x13a: {  	(v2sf) =	vpush v10, $0x2;
	_ =	sdelay $0x3  }
0x13b: {  	s31 =	spop (v2sf)  }
0x13c: {  	(v2sf) =	vpush v9, $0x3;
	s26 =	sand.u32 $0x7FFFFC00, s31;
	s28 =	spop (v2sf)  }
0x13d: {  	(v2sf) =	vpush v10, $0x3;
	s26 =	sadd.s32 s26, s28;
	s28 =	sshll.u32 s25, $0xE  }
0x13e: {  	s25 =	sand.u32 $0x3FFFC000, s28;
	s26 =	sshrl.u32 s26, $0x3  }
0x13f: {  	s30 =	spop (v2sf);
	s29 =	sadd.s32 $0x8600, s25;
	s26 =	sadd.s32 s2, s26  }
0x140: {  	(v2sf) =	vpush v9, $0x4;
	[tilespmem:s29], [sflag:$0x2] =	stream.linear.gather [hbm4b:s26+s4], $0x400, $0x38;
	[tilespmem:$0x10F00] =	vst v63  }
0x141: {  	s31 =	spop (v2sf);
	s26 =	sand.u32 $0x7FFFFC00, s30  }
0x142: {  	(v2sf) =	vpush v10, $0x4;
	s26 =	sadd.s32 s26, s31  }
0x143: {  	s26 =	sshrl.u32 s26, $0x3  }
0x144: {  	s29 =	sadd.s32 $0x8A00, s25;
	s30 =	spop (v2sf);
	s26 =	sadd.s32 s2, s26  }
0x145: {  	(v2sf) =	vpush v9, $0x5;
	[tilespmem:s29], [sflag:$0x2] =	stream.linear.gather [hbm4b:s26+s4], $0x400, $0x38;
	[tilespmem:$0x10F00] =	vst v63  }
0x146: {  	s31 =	spop (v2sf);
	s26 =	sand.u32 $0x7FFFFC00, s30  }
0x147: {  	(v2sf) =	vpush v10, $0x5;
	s26 =	sadd.s32 s26, s31  }
0x148: {  	s26 =	sshrl.u32 s26, $0x3  }
0x149: {  	s29 =	sadd.s32 $0x8E00, s25;
	s26 =	sadd.s32 s2, s26  }
0x14a: {  	[tilespmem:s29], [sflag:$0x2] =	stream.linear.gather [hbm4b:s26+s4], $0x400, $0x38;
	[tilespmem:$0x10F00] =	vst v63  }
0x14b: {  	s30 =	spop (v2sf)  }
0x14c: {  	(v2sf) =	vpush v9, $0x6;
	s26 =	sand.u32 $0x7FFFFC00, s30;
	s31 =	spop (v2sf)  }
0x14d: {  	(v2sf) =	vpush v10, $0x6;
	s26 =	sadd.s32 s26, s31  }
0x14e: {  	s26 =	sshrl.u32 s26, $0x3  }
0x14f: {  	s29 =	sadd.s32 $0x9200, s25;
	s30 =	spop (v2sf);
	s26 =	sadd.s32 s2, s26  }
0x150: {  	(v2sf) =	vpush v9, $0x7;
	[tilespmem:s29], [sflag:$0x2] =	stream.linear.gather [hbm4b:s26+s4], $0x400, $0x38;
	[tilespmem:$0x10F00] =	vst v63  }
0x151: {  	s31 =	spop (v2sf);
	s26 =	sand.u32 $0x7FFFFC00, s30  }
0x152: {  	(v2sf) =	vpush v10, $0x7;
	s26 =	sadd.s32 s26, s31  }
0x153: {  	s26 =	sshrl.u32 s26, $0x3  }
0x154: {  	s29 =	sadd.s32 $0x9600, s25;
	s30 =	spop (v2sf);
	s26 =	sadd.s32 s2, s26  }
0x155: {  	(v2sf) =	vpush v9, $0x8;
	[tilespmem:s29], [sflag:$0x2] =	stream.linear.gather [hbm4b:s26+s4], $0x400, $0x38;
	[tilespmem:$0x10F00] =	vst v63  }
0x156: {  	s31 =	spop (v2sf);
	s26 =	sand.u32 $0x7FFFFC00, s30  }
0x157: {  	(v2sf) =	vpush v10, $0x8;
	s26 =	sadd.s32 s26, s31  }
0x158: {  	s26 =	sshrl.u32 s26, $0x3  }
0x159: {  	s29 =	sadd.s32 $0x9A00, s25;
	s26 =	sadd.s32 s2, s26  }
0x15a: {  	[tilespmem:s29], [sflag:$0x2] =	stream.linear.gather [hbm4b:s26+s4], $0x400, $0x38;
	[tilespmem:$0x10F00] =	vst v63  }
0x15b: {  	s30 =	spop (v2sf)  }
0x15c: {  	(v2sf) =	vpush v9, $0x9;
	s26 =	sand.u32 $0x7FFFFC00, s30;
	s31 =	spop (v2sf)  }
0x15d: {  	(v2sf) =	vpush v10, $0x9;
	s26 =	sadd.s32 s26, s31  }
0x15e: {  	s26 =	sshrl.u32 s26, $0x3  }
0x15f: {  	s29 =	sadd.s32 $0x9E00, s25;
	s30 =	spop (v2sf);
	s26 =	sadd.s32 s2, s26  }
0x160: {  	(v2sf) =	vpush v9, $0xA;
	[tilespmem:s29], [sflag:$0x2] =	stream.linear.gather [hbm4b:s26+s4], $0x400, $0x38;
	[tilespmem:$0x10F00] =	vst v63  }
0x161: {  	s31 =	spop (v2sf);
	s26 =	sand.u32 $0x7FFFFC00, s30  }
0x162: {  	(v2sf) =	vpush v10, $0xA;
	s26 =	sadd.s32 s26, s31  }
0x163: {  	s26 =	sshrl.u32 s26, $0x3  }
0x164: {  	s29 =	sadd.s32 $0xA200, s25;
	s30 =	spop (v2sf);
	s26 =	sadd.s32 s2, s26  }
0x165: {  	(v2sf) =	vpush v9, $0xB;
	[tilespmem:s29], [sflag:$0x2] =	stream.linear.gather [hbm4b:s26+s4], $0x400, $0x38;
	[tilespmem:$0x10F00] =	vst v63  }
0x166: {  	s31 =	spop (v2sf);
	s26 =	sand.u32 $0x7FFFFC00, s30  }
0x167: {  	(v2sf) =	vpush v10, $0xB;
	s26 =	sadd.s32 s26, s31  }
0x168: {  	s26 =	sshrl.u32 s26, $0x3  }
0x169: {  	s29 =	sadd.s32 $0xA600, s25;
	s26 =	sadd.s32 s2, s26  }
0x16a: {  	[tilespmem:s29], [sflag:$0x2] =	stream.linear.gather [hbm4b:s26+s4], $0x400, $0x38;
	[tilespmem:$0x10F00] =	vst v63  }
0x16b: {  	s30 =	spop (v2sf)  }
0x16c: {  	(v2sf) =	vpush v9, $0xC;
	s26 =	sand.u32 $0x7FFFFC00, s30;
	s31 =	spop (v2sf)  }
0x16d: {  	(v2sf) =	vpush v10, $0xC;
	s26 =	sadd.s32 s26, s31  }
0x16e: {  	s26 =	sshrl.u32 s26, $0x3  }
0x16f: {  	s29 =	sadd.s32 $0xAA00, s25;
	s30 =	spop (v2sf);
	s26 =	sadd.s32 s2, s26  }
0x170: {  	(v2sf) =	vpush v9, $0xD;
	[tilespmem:s29], [sflag:$0x2] =	stream.linear.gather [hbm4b:s26+s4], $0x400, $0x38;
	[tilespmem:$0x10F00] =	vst v63  }
0x171: {  	s31 =	spop (v2sf);
	s26 =	sand.u32 $0x7FFFFC00, s30  }
0x172: {  	(v2sf) =	vpush v10, $0xD;
	s26 =	sadd.s32 s26, s31  }
0x173: {  	s26 =	sshrl.u32 s26, $0x3  }
0x174: {  	s29 =	sadd.s32 $0xAE00, s25;
	s30 =	spop (v2sf);
	s26 =	sadd.s32 s2, s26  }
0x175: {  	(v2sf) =	vpush v9, $0xE;
	[tilespmem:s29], [sflag:$0x2] =	stream.linear.gather [hbm4b:s26+s4], $0x400, $0x38;
	[tilespmem:$0x10F00] =	vst v63  }
0x176: {  	s31 =	spop (v2sf);
	s26 =	sand.u32 $0x7FFFFC00, s30  }
0x177: {  	(v2sf) =	vpush v10, $0xE;
	s26 =	sadd.s32 s26, s31  }
0x178: {  	s26 =	sshrl.u32 s26, $0x3  }
0x179: {  	s29 =	sadd.s32 $0xB200, s25;
	s26 =	sadd.s32 s2, s26  }
0x17a: {  	[tilespmem:s29], [sflag:$0x2] =	stream.linear.gather [hbm4b:s26+s4], $0x400, $0x38;
	[tilespmem:$0x10F00] =	vst v63  }
0x17b: {  	s30 =	spop (v2sf)  }
0x17c: {  	(v2sf) =	vpush v10, $0xF;
	s26 =	sand.u32 $0x7FFFFC00, s30;
	s31 =	spop (v2sf)  }
0x17d: {  	(v2sf) =	vpush v9, $0xF;
	s26 =	sadd.s32 s26, s31  }
0x17e: {  	s26 =	sshrl.u32 s26, $0x3  }
0x17f: {  	s29 =	sadd.s32 $0xB600, s25;
	s30 =	spop (v2sf);
	s26 =	sadd.s32 s2, s26  }
0x180: {  	[tilespmem:s29], [sflag:$0x2] =	stream.linear.gather [hbm4b:s26+s4], $0x400, $0x38;
	[tilespmem:$0x10F00] =	vst v63  }
0x181: {  	s31 =	spop (v2sf);
	s26 =	sand.u32 $0x7FFFFC00, s30  }
0x182: {  	s26 =	sadd.s32 s26, s31  }
0x183: {  	s26 =	sshrl.u32 s26, $0x3  }
0x184: {  	s29 =	sadd.s32 $0xBA00, s25;
	s30 =	spop (v2sf);
	s26 =	sadd.s32 s2, s26  }
0x185: {  	[tilespmem:s29], [sflag:$0x2] =	stream.linear.gather [hbm4b:s26+s4], $0x400, $0x38;
	[tilespmem:$0x10F00] =	vst v63  }
0x186: {  	s31 =	spop (v2sf);
	s26 =	sand.u32 $0x7FFFFC00, s30  }
0x187: {  	s26 =	sadd.s32 s26, s31  }
0x188: {  	s26 =	sshrl.u32 s26, $0x3  }
0x189: {  	s29 =	sadd.s32 $0xBE00, s25;
	s26 =	sadd.s32 s2, s26  }
0x18a: {  	[tilespmem:s29], [sflag:$0x2] =	stream.linear.gather [hbm4b:s26+s4], $0x400, $0x38;
	[tilespmem:$0x10F00] =	vst v63  }
0x18b: {  	s30 =	spop (v2sf)  }
0x18c: {  	s31 =	spop (v2sf)  }
0x18d: {  	p2 =	por p1, p1;
	s28 =	sand.u32 $0x7FFFFC00, s31  }
.Ltmp6:
0x18e: {  	s26 =	sadd.s32 s28, s30;
	(pc) =	sbr.rel @p2 .LBB2_4-.Ltmp6, $4  }
0x18f: {  	s26 =	sshrl.u32 s26, $0x3  }
0x190: {  	s25 =	sadd.s32 $0xC200, s25;
	s26 =	sadd.s32 s2, s26  }
0x191: {  	[tilespmem:s25], [sflag:$0x2] =	stream.linear.gather [hbm4b:s26+s4], $0x400, $0x38;
	[tilespmem:$0x10F00] =	vst v63  }
0x192: {  	p1 =	por $0x0, $0x0;
	s25 =	simm.s32 $0x1  }
0x193: {  	_ =	swait.ge [sflag:s15], $0x400  }
0x194: {  	[sflag:s15] =	ssyncset.done $0x0  }
0x195: {  	[sflag:s15] =	ssyncadd.s32 $0xFFFFFC00  }
0x196: {  	_ =	swait.ge [sflag:s15], $0x400  }
0x197: {  	[sflag:s15] =	ssyncset.done $0x0  }
0x198: {  	[sflag:s15] =	ssyncadd.s32 $0xFFFFFC00  }
0x199: {  	_ =	swait.ge [sflag:s15], $0x400  }
0x19a: {  	[sflag:s15] =	ssyncset.done $0x0  }
0x19b: {  	[sflag:s15] =	ssyncadd.s32 $0xFFFFFC00  }
0x19c: {  	_ =	swait.ge [sflag:s15], $0x400  }
0x19d: {  	[sflag:s15] =	ssyncset.done $0x0  }
0x19e: {  	[sflag:s15] =	ssyncadd.s32 $0xFFFFFC00  }
0x19f: {  	_ =	swait.ge [sflag:s15], $0x400  }
0x1a0: {  	[sflag:s15] =	ssyncset.done $0x0  }
0x1a1: {  	[sflag:s15] =	ssyncadd.s32 $0xFFFFFC00  }
0x1a2: {  	_ =	swait.ge [sflag:s15], $0x400  }
0x1a3: {  	[sflag:s15] =	ssyncset.done $0x0  }
0x1a4: {  	[sflag:s15] =	ssyncadd.s32 $0xFFFFFC00  }
0x1a5: {  	_ =	swait.ge [sflag:s15], $0x400  }
0x1a6: {  	[sflag:s15] =	ssyncset.done $0x0  }
0x1a7: {  	[sflag:s15] =	ssyncadd.s32 $0xFFFFFC00  }
0x1a8: {  	_ =	swait.ge [sflag:s15], $0x400  }
0x1a9: {  	[sflag:s15] =	ssyncset.done $0x0  }
0x1aa: {  	[sflag:s15] =	ssyncadd.s32 $0xFFFFFC00  }
0x1ab: {  	_ =	swait.ge [sflag:s15], $0x400  }
0x1ac: {  	[sflag:s15] =	ssyncset.done $0x0  }
0x1ad: {  	[sflag:s15] =	ssyncadd.s32 $0xFFFFFC00  }
0x1ae: {  	_ =	swait.ge [sflag:s15], $0x400  }
0x1af: {  	[sflag:s15] =	ssyncset.done $0x0  }
0x1b0: {  	[sflag:s15] =	ssyncadd.s32 $0xFFFFFC00  }
0x1b1: {  	_ =	swait.ge [sflag:s15], $0x400  }
0x1b2: {  	[sflag:s15] =	ssyncset.done $0x0  }
0x1b3: {  	[sflag:s15] =	ssyncadd.s32 $0xFFFFFC00  }
0x1b4: {  	_ =	swait.ge [sflag:s15], $0x400  }
0x1b5: {  	[sflag:s15] =	ssyncset.done $0x0  }
0x1b6: {  	[sflag:s15] =	ssyncadd.s32 $0xFFFFFC00  }
0x1b7: {  	_ =	swait.ge [sflag:s15], $0x400  }
0x1b8: {  	[sflag:s15] =	ssyncset.done $0x0  }
0x1b9: {  	[sflag:s15] =	ssyncadd.s32 $0xFFFFFC00  }
0x1ba: {  	_ =	swait.ge [sflag:s15], $0x400  }
0x1bb: {  	[sflag:s15] =	ssyncset.done $0x0  }
0x1bc: {  	[sflag:s15] =	ssyncadd.s32 $0xFFFFFC00  }
0x1bd: {  	_ =	swait.ge [sflag:s15], $0x400  }
0x1be: {  	[sflag:s15] =	ssyncset.done $0x0  }
0x1bf: {  	[sflag:s15] =	ssyncadd.s32 $0xFFFFFC00  }
0x1c0: {  	_ =	swait.ge [sflag:s15], $0x400  }
0x1c1: {  	[sflag:s15] =	ssyncset.done $0x0  }
0x1c2: {  	[sflag:s15] =	ssyncadd.s32 $0xFFFFFC00  }
0x1c3: {  	_ =	swait.ge [sflag:s15], $0x400  }
0x1c4: {  	[sflag:s15] =	ssyncset.done $0x0  }
0x1c5: {  	[sflag:s15] =	ssyncadd.s32 $0xFFFFFC00  }
0x1c6: {  	_ =	swait.ge [sflag:s15], $0x400  }
0x1c7: {  	[sflag:s15] =	ssyncset.done $0x0  }
0x1c8: {  	[sflag:s15] =	ssyncadd.s32 $0xFFFFFC00  }
0x1c9: {  	_ =	swait.ge [sflag:s15], $0x400  }
0x1ca: {  	[sflag:s15] =	ssyncset.done $0x0  }
0x1cb: {  	[sflag:s15] =	ssyncadd.s32 $0xFFFFFC00  }
0x1cc: {  	_ =	swait.ge [sflag:s15], $0x400  }
0x1cd: {  	[sflag:s15] =	ssyncset.done $0x0  }
0x1ce: {  	[sflag:s15] =	ssyncadd.s32 $0xFFFFFC00  }
0x1cf: {  	_ =	swait.ge [sflag:s15], $0x400  }
0x1d0: {  	[sflag:s15] =	ssyncset.done $0x0  }
0x1d1: {  	[sflag:s15] =	ssyncadd.s32 $0xFFFFFC00  }
0x1d2: {  	_ =	swait.ge [sflag:s15], $0x400  }
0x1d3: {  	[sflag:s15] =	ssyncset.done $0x0  }
0x1d4: {  	[sflag:s15] =	ssyncadd.s32 $0xFFFFFC00  }
0x1d5: {  	_ =	swait.ge [sflag:s15], $0x400  }
0x1d6: {  	[sflag:s15] =	ssyncset.done $0x0  }
0x1d7: {  	[sflag:s15] =	ssyncadd.s32 $0xFFFFFC00  }
0x1d8: {  	_ =	swait.ge [sflag:s15], $0x400  }
0x1d9: {  	[sflag:s15] =	ssyncset.done $0x0  }
0x1da: {  	[sflag:s15] =	ssyncadd.s32 $0xFFFFFC00  }
0x1db: {  	_ =	swait.ge [sflag:s15], $0x400  }
0x1dc: {  	[sflag:s15] =	ssyncset.done $0x0  }
0x1dd: {  	[sflag:s15] =	ssyncadd.s32 $0xFFFFFC00  }
0x1de: {  	_ =	swait.ge [sflag:s15], $0x400  }
0x1df: {  	[sflag:s15] =	ssyncset.done $0x0  }
0x1e0: {  	[sflag:s15] =	ssyncadd.s32 $0xFFFFFC00  }
0x1e1: {  	_ =	swait.ge [sflag:s15], $0x400  }
0x1e2: {  	[sflag:s15] =	ssyncset.done $0x0  }
0x1e3: {  	[sflag:s15] =	ssyncadd.s32 $0xFFFFFC00  }
0x1e4: {  	_ =	swait.ge [sflag:s15], $0x400  }
0x1e5: {  	[sflag:s15] =	ssyncset.done $0x0  }
0x1e6: {  	[sflag:s15] =	ssyncadd.s32 $0xFFFFFC00  }
0x1e7: {  	_ =	swait.ge [sflag:s15], $0x400  }
0x1e8: {  	[sflag:s15] =	ssyncset.done $0x0  }
0x1e9: {  	[sflag:s15] =	ssyncadd.s32 $0xFFFFFC00  }
0x1ea: {  	_ =	swait.ge [sflag:s15], $0x400  }
0x1eb: {  	[sflag:s15] =	ssyncset.done $0x0  }
0x1ec: {  	[sflag:s15] =	ssyncadd.s32 $0xFFFFFC00  }
0x1ed: {  	_ =	swait.ge [sflag:s15], $0x400  }
0x1ee: {  	[sflag:s15] =	ssyncset.done $0x0  }
0x1ef: {  	[sflag:s15] =	ssyncadd.s32 $0xFFFFFC00  }
0x1f0: {  	_ =	swait.ge [sflag:s15], $0x400  }
0x1f1: {  	[sflag:s15] =	ssyncset.done $0x0  }
0x1f2: {  	[sflag:s15] =	ssyncadd.s32 $0xFFFFFC00  }
0x1f3: {  	v9 =	vld [tilespmem:s23+$0x0]  }
0x1f4: {  	v10 =	vld [tilespmem:s23+$0x200]  }
0x1f5: {  	s25 =	sor.u32 $0x10, s23;
	v11 =	vld [tilespmem:s23+$0x210]  }
0x1f6: {  	v12 =	vld [tilespmem:s25+$0x0];
	_ =	sdelay $0x2  }
0x1f7: {  	v10 =	vshll.u32 v10, $0x7  }
0x1f8: {  	v9 =	vand.u32 $0x7F, v9;
	v11 =	vshll.u32 v11, $0x7;
	v10 =	vand.u32 $0x380, v10  }
0x1f9: {  	v11 =	vand.u32 $0x380, v11;
	v9 =	vor.u32 v9, v10;
	v10 =	vand.u32 $0x7F, v12  }
0x1fa: {  	v9 =	vor.u32 v0, v9;
	v10 =	vor.u32 v10, v11  }
0x1fb: {  	v10 =	vor.u32 v3, v10;
	_ =	sdelay $0x3  }
0x1fc: {  	v9 =	vld.idx.msk [tilespmem:v9+s16+$0x0], $0xffff  }
0x1fd: {  	v10 =	vld.idx.msk [tilespmem:v10+s16+$0x0], $0xffff;
	_ =	sdelay $0x3  }
0x1fe: {  	v9 =	vmul.f32 v9, v7  }
0x1ff: {  	v10 =	vmul.f32 v10, v7  }
0x200: {  	v12 =	vsub.f32 v6, v9  }
0x201: {  	v10 =	vsub.f32 v6, v10  }
0x202: {  	v9 =	vand.u32 $0x7FFFFF, v12  }
0x203: {  	v9 =	vor.u32 $0x3F800000, v9;
	v11 =	vand.u32 $0x7FFFFF, v10  }
0x204: {  	v13 =	vmul.f32 $5.000000000e-01, v9;
	v11 =	vor.u32 $0x3F800000, v11  }
0x205: {  	vm1 =	vgt.f32 v9, $1.414213540e+00;
	v14 =	vmul.f32 $5.000000000e-01, v11  }
0x206: {  	vm0 =	vgt.f32 v11, $1.414213540e+00;
	v15 =	vsel vm1, v13, v9  }
0x207: {  	v9 =	vadd.f32 $1.000000000e+00, v15;
	v13 =	vsel vm0, v14, v11  }
0x208: {  	v11 =	vadd.f32 $1.000000000e+00, v13  }
0x209: {  	(erf) = vrcp.f32 v9  }
0x20a: {  	(erf) = vrcp.f32 v11;
	_ =	sdelay $0x3  }
0x20b: {  	p1 =	seq.s32 s22, $0x7  }
.Ltmp7:
0x20c: {  	_ = 	snop;
	(pc) =	sbr.rel @p1 .LBB2_8-.Ltmp7, $3  }
0x20d: {  	_ =	sdelay $0x1  }
0x20e: {  	v9 =	vld [tilespmem:s23+$0x410];
	v16 =	vpop (erf)  }
0x20f: {  	v11 =	vld [tilespmem:s23+$0x400];
	v14 =	vpop (erf)  }
0x210: {  	s25 =	sadd.s32 $0x40, s23;
	s26 =	simm.s32 $0x0;
	p1 =	por $0x1, $0x1  }
.LBB2_7:
0x211: {  	s28 =	sshll.u32 s26, $0x4  }
0x212: {  	s28 =	sor.u32 s25, s28  }
0x213: {  	v17 =	vld [tilespmem:s28+$0x200]  }
0x214: {  	v18 =	vld [tilespmem:s28+$0x0];
	_ =	sdelay $0x3  }
0x215: {  	v19 =	vshrl.u32 v17, $0x3  }
0x216: {  	v17 =	vshll.u32 v18, $0x3;
	v18 =	vmul.u32 $0x7A1400, v19  }
0x217: {  	(v2sf) =	vpush v17, $0x0  }
0x218: {  	(v2sf) =	vpush v18, $0x0;
	_ =	sdelay $0x2  }
0x219: {  	(v2sf) =	vpush v17, $0x1;
	_ =	sdelay $0x1  }
0x21a: {  	(v2sf) =	vpush v18, $0x1;
	_ =	sdelay $0x2  }
0x21b: {  	(v2sf) =	vpush v17, $0x2;
	_ =	sdelay $0x1  }
0x21c: {  	(v2sf) =	vpush v18, $0x2;
	_ =	sdelay $0x3  }
0x21d: {  	s29 =	spop (v2sf)  }
0x21e: {  	(v2sf) =	vpush v17, $0x3;
	s28 =	sand.u32 $0x7FFFFC00, s29;
	s29 =	spop (v2sf)  }
0x21f: {  	s30 =	sshll.u32 s26, $0xE;
	(v2sf) =	vpush v18, $0x3;
	s28 =	sadd.s32 s28, s29  }
0x220: {  	s26 =	sand.u32 $0x3FFFC000, s30;
	s28 =	sshrl.u32 s28, $0x3  }
0x221: {  	s31 =	sor.u32 $0x600, s26;
	s29 =	spop (v2sf);
	s28 =	sadd.s32 s2, s28  }
0x222: {  	(v2sf) =	vpush v17, $0x4;
	[tilespmem:s31], [sflag:$0x1] =	stream.linear.gather [hbm4b:s28+s4], $0x400, $0x38;
	[tilespmem:$0x10F00] =	vst v63  }
0x223: {  	s30 =	spop (v2sf);
	s28 =	sand.u32 $0x7FFFFC00, s29  }
0x224: {  	(v2sf) =	vpush v18, $0x4;
	s28 =	sadd.s32 s28, s30  }
0x225: {  	s28 =	sshrl.u32 s28, $0x3  }
0x226: {  	s31 =	sor.u32 $0xA00, s26;
	s29 =	spop (v2sf);
	s28 =	sadd.s32 s2, s28  }
0x227: {  	(v2sf) =	vpush v17, $0x5;
	[tilespmem:s31], [sflag:$0x1] =	stream.linear.gather [hbm4b:s28+s4], $0x400, $0x38;
	[tilespmem:$0x10F00] =	vst v63  }
0x228: {  	s30 =	spop (v2sf);
	s28 =	sand.u32 $0x7FFFFC00, s29  }
0x229: {  	(v2sf) =	vpush v18, $0x5;
	s28 =	sadd.s32 s28, s30  }
0x22a: {  	s28 =	sshrl.u32 s28, $0x3  }
0x22b: {  	s31 =	sor.u32 $0xE00, s26;
	s28 =	sadd.s32 s2, s28  }
0x22c: {  	[tilespmem:s31], [sflag:$0x1] =	stream.linear.gather [hbm4b:s28+s4], $0x400, $0x38;
	[tilespmem:$0x10F00] =	vst v63  }
0x22d: {  	s29 =	spop (v2sf)  }
0x22e: {  	(v2sf) =	vpush v17, $0x6;
	s28 =	sand.u32 $0x7FFFFC00, s29;
	s30 =	spop (v2sf)  }
0x22f: {  	(v2sf) =	vpush v18, $0x6;
	s28 =	sadd.s32 s28, s30  }
0x230: {  	s28 =	sshrl.u32 s28, $0x3  }
0x231: {  	s31 =	sor.u32 $0x1200, s26;
	s29 =	spop (v2sf);
	s28 =	sadd.s32 s2, s28  }
0x232: {  	(v2sf) =	vpush v17, $0x7;
	[tilespmem:s31], [sflag:$0x1] =	stream.linear.gather [hbm4b:s28+s4], $0x400, $0x38;
	[tilespmem:$0x10F00] =	vst v63  }
0x233: {  	s30 =	spop (v2sf);
	s28 =	sand.u32 $0x7FFFFC00, s29  }
0x234: {  	(v2sf) =	vpush v18, $0x7;
	s28 =	sadd.s32 s28, s30  }
0x235: {  	s28 =	sshrl.u32 s28, $0x3  }
0x236: {  	s31 =	sor.u32 $0x1600, s26;
	s29 =	spop (v2sf);
	s28 =	sadd.s32 s2, s28  }
0x237: {  	(v2sf) =	vpush v17, $0x8;
	[tilespmem:s31], [sflag:$0x1] =	stream.linear.gather [hbm4b:s28+s4], $0x400, $0x38;
	[tilespmem:$0x10F00] =	vst v63  }
0x238: {  	s30 =	spop (v2sf);
	s28 =	sand.u32 $0x7FFFFC00, s29  }
0x239: {  	(v2sf) =	vpush v18, $0x8;
	s28 =	sadd.s32 s28, s30  }
0x23a: {  	s28 =	sshrl.u32 s28, $0x3  }
0x23b: {  	s31 =	sor.u32 $0x1A00, s26;
	s28 =	sadd.s32 s2, s28  }
0x23c: {  	[tilespmem:s31], [sflag:$0x1] =	stream.linear.gather [hbm4b:s28+s4], $0x400, $0x38;
	[tilespmem:$0x10F00] =	vst v63  }
0x23d: {  	s29 =	spop (v2sf)  }
0x23e: {  	(v2sf) =	vpush v17, $0x9;
	s28 =	sand.u32 $0x7FFFFC00, s29;
	s30 =	spop (v2sf)  }
0x23f: {  	(v2sf) =	vpush v18, $0x9;
	s28 =	sadd.s32 s28, s30  }
0x240: {  	s28 =	sshrl.u32 s28, $0x3  }
0x241: {  	s31 =	sor.u32 $0x1E00, s26;
	s29 =	spop (v2sf);
	s28 =	sadd.s32 s2, s28  }
0x242: {  	(v2sf) =	vpush v17, $0xA;
	[tilespmem:s31], [sflag:$0x1] =	stream.linear.gather [hbm4b:s28+s4], $0x400, $0x38;
	[tilespmem:$0x10F00] =	vst v63  }
0x243: {  	s30 =	spop (v2sf);
	s28 =	sand.u32 $0x7FFFFC00, s29  }
0x244: {  	(v2sf) =	vpush v18, $0xA;
	s28 =	sadd.s32 s28, s30  }
0x245: {  	s28 =	sshrl.u32 s28, $0x3  }
0x246: {  	s31 =	sor.u32 $0x2200, s26;
	s29 =	spop (v2sf);
	s28 =	sadd.s32 s2, s28  }
0x247: {  	(v2sf) =	vpush v17, $0xB;
	[tilespmem:s31], [sflag:$0x1] =	stream.linear.gather [hbm4b:s28+s4], $0x400, $0x38;
	[tilespmem:$0x10F00] =	vst v63  }
0x248: {  	s30 =	spop (v2sf);
	s28 =	sand.u32 $0x7FFFFC00, s29  }
0x249: {  	(v2sf) =	vpush v18, $0xB;
	s28 =	sadd.s32 s28, s30  }
0x24a: {  	s28 =	sshrl.u32 s28, $0x3  }
0x24b: {  	s31 =	sor.u32 $0x2600, s26;
	s28 =	sadd.s32 s2, s28  }
0x24c: {  	[tilespmem:s31], [sflag:$0x1] =	stream.linear.gather [hbm4b:s28+s4], $0x400, $0x38;
	[tilespmem:$0x10F00] =	vst v63  }
0x24d: {  	s29 =	spop (v2sf)  }
0x24e: {  	(v2sf) =	vpush v17, $0xC;
	s28 =	sand.u32 $0x7FFFFC00, s29;
	s30 =	spop (v2sf)  }
0x24f: {  	(v2sf) =	vpush v18, $0xC;
	s28 =	sadd.s32 s28, s30  }
0x250: {  	s28 =	sshrl.u32 s28, $0x3  }
0x251: {  	s31 =	sor.u32 $0x2A00, s26;
	s29 =	spop (v2sf);
	s28 =	sadd.s32 s2, s28  }
0x252: {  	(v2sf) =	vpush v17, $0xD;
	[tilespmem:s31], [sflag:$0x1] =	stream.linear.gather [hbm4b:s28+s4], $0x400, $0x38;
	[tilespmem:$0x10F00] =	vst v63  }
0x253: {  	s30 =	spop (v2sf);
	s28 =	sand.u32 $0x7FFFFC00, s29  }
0x254: {  	(v2sf) =	vpush v18, $0xD;
	s28 =	sadd.s32 s28, s30  }
0x255: {  	s28 =	sshrl.u32 s28, $0x3  }
0x256: {  	s31 =	sor.u32 $0x2E00, s26;
	s29 =	spop (v2sf);
	s28 =	sadd.s32 s2, s28  }
0x257: {  	(v2sf) =	vpush v17, $0xE;
	[tilespmem:s31], [sflag:$0x1] =	stream.linear.gather [hbm4b:s28+s4], $0x400, $0x38;
	[tilespmem:$0x10F00] =	vst v63  }
0x258: {  	s30 =	spop (v2sf);
	s28 =	sand.u32 $0x7FFFFC00, s29  }
0x259: {  	(v2sf) =	vpush v18, $0xE;
	s28 =	sadd.s32 s28, s30  }
0x25a: {  	s28 =	sshrl.u32 s28, $0x3  }
0x25b: {  	s31 =	sor.u32 $0x3200, s26;
	s28 =	sadd.s32 s2, s28  }
0x25c: {  	[tilespmem:s31], [sflag:$0x1] =	stream.linear.gather [hbm4b:s28+s4], $0x400, $0x38;
	[tilespmem:$0x10F00] =	vst v63  }
0x25d: {  	s29 =	spop (v2sf)  }
0x25e: {  	(v2sf) =	vpush v18, $0xF;
	s28 =	sand.u32 $0x7FFFFC00, s29;
	s30 =	spop (v2sf)  }
0x25f: {  	(v2sf) =	vpush v17, $0xF;
	s28 =	sadd.s32 s28, s30  }
0x260: {  	s28 =	sshrl.u32 s28, $0x3  }
0x261: {  	s31 =	sor.u32 $0x3600, s26;
	s30 =	spop (v2sf);
	s28 =	sadd.s32 s2, s28  }
0x262: {  	[tilespmem:s31], [sflag:$0x1] =	stream.linear.gather [hbm4b:s28+s4], $0x400, $0x38;
	[tilespmem:$0x10F00] =	vst v63  }
0x263: {  	s31 =	spop (v2sf);
	s28 =	sand.u32 $0x7FFFFC00, s30  }
0x264: {  	s28 =	sadd.s32 s28, s31  }
0x265: {  	s28 =	sshrl.u32 s28, $0x3  }
0x266: {  	s30 =	sor.u32 $0x3A00, s26;
	s31 =	spop (v2sf);
	s28 =	sadd.s32 s2, s28  }
0x267: {  	[tilespmem:s30], [sflag:$0x1] =	stream.linear.gather [hbm4b:s28+s4], $0x400, $0x38;
	[tilespmem:$0x10F00] =	vst v63  }
0x268: {  	s30 =	spop (v2sf);
	s28 =	sand.u32 $0x7FFFFC00, s31  }
0x269: {  	s28 =	sadd.s32 s28, s30  }
0x26a: {  	s28 =	sshrl.u32 s28, $0x3  }
0x26b: {  	s31 =	sor.u32 $0x3E00, s26;
	s28 =	sadd.s32 s2, s28  }
0x26c: {  	[tilespmem:s31], [sflag:$0x1] =	stream.linear.gather [hbm4b:s28+s4], $0x400, $0x38;
	[tilespmem:$0x10F00] =	vst v63  }
0x26d: {  	s30 =	spop (v2sf)  }
0x26e: {  	s31 =	spop (v2sf)  }
0x26f: {  	p2 =	por p1, p1;
	s29 =	sand.u32 $0x7FFFFC00, s31  }
.Ltmp8:
0x270: {  	s28 =	sadd.s32 s29, s30;
	(pc) =	sbr.rel @p2 .LBB2_7-.Ltmp8, $4  }
0x271: {  	s28 =	sshrl.u32 s28, $0x3  }
0x272: {  	s26 =	sadd.s32 $0x4200, s26;
	s28 =	sadd.s32 s2, s28  }
0x273: {  	[tilespmem:s26], [sflag:$0x1] =	stream.linear.gather [hbm4b:s28+s4], $0x400, $0x38;
	[tilespmem:$0x10F00] =	vst v63  }
0x274: {  	p1 =	por $0x0, $0x0;
	s26 =	simm.s32 $0x1  }
.Ltmp9:
0x275: {  	_ = 	snop;
	(pc) =	sbr.rel .LBB2_8-.Ltmp9, $1  }
0x276: {  	_ =	sdelay $0x3  }
.LBB2_10:
0x277: {  	s22 =	sadd.s32 s8, s3  }
0x278: {  	[tilespmem:s20], [sflag:$0x3] =	stream.linear.gather [hbm4b:s22+s4], $0x800, $0x38;
	[tilespmem:$0x10F00] =	vst v63  }
0x279: {  	_ =	swait.ge [sflag:s11], $0x800  }
0x27a: {  	[sflag:s11] =	ssyncset.done $0x0  }
0x27b: {  	[sflag:s11] =	ssyncadd.s32 $0xFFFFF800  }
0x27c: {  	v6 =	vld [tilespmem:$0x10700];
	_ =	sdelay $0x1  }
0x27d: {  	v7 =	vld [tilespmem:$0x10780];
	_ =	sdelay $0x1  }
0x27e: {  	v8 =	vld [tilespmem:$0x10800]  }
0x27f: {  	v6 =	vadd.f32 $0.0e+00, v6  }
0x280: {  	v9 =	vld [tilespmem:$0x10880]  }
0x281: {  	v6 =	vadd.f32 v7, v6  }
0x282: {  	v7 =	vld [tilespmem:$0x10900]  }
0x283: {  	v6 =	vadd.f32 v8, v6  }
0x284: {  	v56 =	vld [tilespmem:$0x10980]  }
0x285: {  	v6 =	vadd.f32 v9, v6  }
0x286: {  	v57 =	vld [tilespmem:$0x10A00]  }
0x287: {  	v6 =	vadd.f32 v7, v6  }
0x288: {  	v7 =	vld [tilespmem:$0x10A80]  }
0x289: {  	v6 =	vadd.f32 v56, v6  }
0x28a: {  	v58 =	vld [tilespmem:$0x10B00]  }
0x28b: {  	v6 =	vadd.f32 v57, v6  }
0x28c: {  	v59 =	vld [tilespmem:$0x10B80]  }
0x28d: {  	v6 =	vadd.f32 v7, v6  }
0x28e: {  	v7 =	vld [tilespmem:$0x10C00]  }
0x28f: {  	v6 =	vadd.f32 v58, v6  }
0x290: {  	v60 =	vld [tilespmem:$0x10C80]  }
0x291: {  	v6 =	vadd.f32 v59, v6  }
0x292: {  	v61 =	vld [tilespmem:$0x10D00]  }
0x293: {  	v6 =	vadd.f32 v7, v6  }
0x294: {  	v7 =	vld [tilespmem:$0x10D80]  }
0x295: {  	v6 =	vadd.f32 v60, v6  }
0x296: {  	v62 =	vld [tilespmem:$0x10E00]  }
0x297: {  	v6 =	vadd.f32 v61, v6  }
0x298: {  	v63 =	vld [tilespmem:$0x10E80]  }
0x299: {  	v6 =	vadd.f32 v7, v6;
	_ =	sdelay $0x1  }
0x29a: {  	v6 =	vadd.f32 v62, v6;
	_ =	sdelay $0x1  }
0x29b: {  	v6 =	vadd.f32 v63, v6;
	_ =	sdelay $0x1  }
0x29c: {  	(v2sf) =	vpush v6, $0x0  }
0x29d: {  	(v2sf) =	vpush v6, $0x1;
	_ =	sdelay $0x1  }
0x29e: {  	(v2sf) =	vpush v6, $0x2;
	_ =	sdelay $0x1  }
0x29f: {  	(v2sf) =	vpush v6, $0x3;
	_ =	sdelay $0x1  }
0x2a0: {  	(v2sf) =	vpush v6, $0x4;
	_ =	sdelay $0x1  }
0x2a1: {  	(v2sf) =	vpush v6, $0x5;
	_ =	sdelay $0x1  }
0x2a2: {  	(v2sf) =	vpush v6, $0x6;
	_ =	sdelay $0x1  }
0x2a3: {  	(v2sf) =	vpush v6, $0x7;
	_ =	sdelay $0x1  }
0x2a4: {  	s31 =	spop (v2sf);
	(v2sf) =	vpush v6, $0x8  }
0x2a5: {  	s23 =	spop (v2sf)  }
0x2a6: {  	(v2sf) =	vpush v6, $0x9;
	s22 =	sadd.f32 s23, s31  }
0x2a7: {  	s24 =	spop (v2sf)  }
0x2a8: {  	(v2sf) =	vpush v6, $0xA;
	s22 =	sadd.f32 s22, s24  }
0x2a9: {  	s25 =	spop (v2sf)  }
0x2aa: {  	(v2sf) =	vpush v6, $0xB;
	s22 =	sadd.f32 s22, s25  }
0x2ab: {  	s26 =	spop (v2sf)  }
0x2ac: {  	(v2sf) =	vpush v6, $0xC;
	s22 =	sadd.f32 s22, s26  }
0x2ad: {  	s28 =	spop (v2sf)  }
0x2ae: {  	(v2sf) =	vpush v6, $0xD;
	s22 =	sadd.f32 s22, s28  }
0x2af: {  	s29 =	spop (v2sf)  }
0x2b0: {  	(v2sf) =	vpush v6, $0xE;
	s22 =	sadd.f32 s22, s29  }
0x2b1: {  	s30 =	spop (v2sf)  }
0x2b2: {  	(v2sf) =	vpush v6, $0xF;
	s22 =	sadd.f32 s22, s30  }
0x2b3: {  	s31 =	spop (v2sf)  }
0x2b4: {  	s22 =	sadd.f32 s22, s31  }
0x2b5: {  	s24 =	spop (v2sf)  }
0x2b6: {  	s22 =	sadd.f32 s22, s24  }
0x2b7: {  	s25 =	spop (v2sf)  }
0x2b8: {  	s22 =	sadd.f32 s22, s25  }
0x2b9: {  	s26 =	spop (v2sf)  }
0x2ba: {  	s22 =	sadd.f32 s22, s26  }
0x2bb: {  	s28 =	spop (v2sf)  }
0x2bc: {  	s22 =	sadd.f32 s22, s28  }
0x2bd: {  	s29 =	spop (v2sf)  }
0x2be: {  	s22 =	sadd.f32 s22, s29  }
0x2bf: {  	s30 =	spop (v2sf)  }
0x2c0: {  	s22 =	sadd.f32 s22, s30  }
0x2c1: {  	s31 =	spop (v2sf)  }
0x2c2: {  	s22 =	sadd.f32 s22, s31;
	_ =	sdelay $0x1  }
0x2c3: {  	s22 =	ssub.f32 $0.0e+00, s22;
	_ =	sdelay $0x1  }
0x2c4: {  	v6 =	vmov s22  }
.Ltmp10:
0x2c5: {  	[tilespmem:$0x10680] =	vst v6;
	(pc) =	sbr.rel .LBB2_11-.Ltmp10, $4  }
0x2c6: {  	[hbm4b:s9+s4] =	stream.linear.scatter [tilespmem:s19], [sflag:$0x3], $0x80, $0x38;
	[tilespmem:$0x10F00] =	vst v63  }
0x2c7: {  	_ =	swait.ge [sflag:s11], $0x80  }
0x2c8: {  	[sflag:s11] =	ssyncset.done $0x0  }
0x2c9: {  	[sflag:s11] =	ssyncadd.s32 $0xFFFFFF80  }
.LBB2_12:
0x2ca: {  	_ =	sfence.sel $0x180000  }
0x2cb: {  	[bflag:$0x0] =	sbarrier.arrive $0xFFFF  }
0x2cc: {  	_ =	strace $0x90000047  }
0x2cd: {  	s0 =	sadd.s32 @!p0 $0x100000, s0;
	[bflag:$0x2] =	sbarrier.arrive $0xFFFF  }
0x2ce: {  	[sflag:s0] =	ssyncadd.tile.s32 @!p0 $0x1;
	_ =	shalt  }
.Lfunc_end2:
_tile_overlayer_lowered:
.L_overlay_start_2:
0x2cf: {  	(tag) =	ssettag $0x2  }
0x2d0: {  	s0 =	rddreg [dreg:$0x0];
	s2 =	stileid.u32  }
0x2d1: {  	s1 =	rddreg [dreg:$0x1];
	p0 =	sne.s32 s2, $0x0  }
0x2d2: {  	s3 =	rddreg [dreg:$0x2];
	[bflag:$0x3] =	sbarrier.arrive $0xFFFF;
	s2 =	simm.s32 @!p0 $0x1C03  }
0x2d3: {  	[timem:s3], [sflag:s2] =	dma.local @!p0 [hbm:s0], s1  }
0x2d4: {  	s0 =	simm.s32 @!p0 $0x3  }
0x2d5: {  	_ =	swait.ge @!p0 [sflag:s0], s1  }
0x2d6: {  	s1 =	ssub.s32 @!p0 $0x0, s1;
	[sflag:s0] =	ssyncset.done @!p0 $0x0  }
0x2d7: {  	[sflag:s0] =	ssyncadd.s32 @!p0 s1  }
0x2d8: {  	[bflag:$0x3] =	sbarrier.arrive $0xFFFF  }
0x2d9: {  	_ =	shalt  }

</sc_bundles>
